<compile_context>
chip_gen: v7x
topology: tpu7x:2x2x1
jax: 0.10.2.dev20260603
libtpu: 0.0.44.dev20260713+nightly
codegen_flags: <defaults>
</compile_context>

<pallas_src>
import jax
import jax.numpy as jnp
from jax import lax
from jax.experimental import pallas as pl
from jax.experimental.pallas import tpu as pltpu
from jax.experimental.pallas import tpu_sc as plsc

N_NODES = 10000
N_EDGES = 320000
FEAT = 128
N_GRAPHS = 128
N_CLASS = 10

NC = 2
NS = 16
NW = NC * NS
CHUNK = 128
NSTEPS = 79
E_PAD = NW * NSTEPS * CHUNK
N_PAD = 10240
ROWS_PT = N_PAD // NS

_SC_MESH = plsc.VectorSubcoreMesh(
    core_axis_name="c", subcore_axis_name="s", num_cores=NC, num_subcores=NS)

ROWBLK = 1000
NBLK = N_NODES // ROWBLK



def _sc_degree_body(dstw_hbm, zeros_hbm, ones_hbm, out_hbm, idx_d, ones_v,
                    ssem0, ssem1, ssem2, ssem3, acc_sh):
    c = lax.axis_index("c")
    s = lax.axis_index("s")
    wid = s * NC + c
    pltpu.sync_copy(zeros_hbm.at[pl.ds(s * ROWS_PT, ROWS_PT)],
                    acc_sh.at[pl.ds(s * ROWS_PT, ROWS_PT)])
    pltpu.sync_copy(dstw_hbm.at[wid], idx_d)
    pltpu.sync_copy(ones_hbm, ones_v)
    plsc.subcore_barrier()
    ssems = (ssem0, ssem1, ssem2, ssem3)

    def scat_start(ci, b):
        pltpu.async_copy(ones_v, acc_sh.at[idx_d.at[ci]], ssems[b], add=True)

    def scat_wait(ci, b):
        pltpu.make_async_copy(ones_v, acc_sh.at[idx_d.at[ci]],
                              ssems[b]).wait()

    for ci in range(4):
        scat_start(ci, ci)

    def step(t, carry):
        for k in range(4):
            ci = 4 + 4 * t + k
            scat_wait(ci - 4, k)
            scat_start(ci, k)
        return carry

    nloop4 = (NSTEPS - 4) // 4
    lax.fori_loop(0, nloop4, step, 0)
    for ci in range(4 + 4 * nloop4, NSTEPS):
        scat_wait(ci - 4, ci % 4)
        scat_start(ci, ci % 4)
    for ci in range(NSTEPS - 4, NSTEPS):
        scat_wait(ci, ci % 4)
    plsc.subcore_barrier()
    pltpu.sync_copy(acc_sh.at[pl.ds(s * ROWS_PT, ROWS_PT)],
                    out_hbm.at[c, pl.ds(s * ROWS_PT, ROWS_PT)])


_sc_degree = pl.kernel(
    _sc_degree_body,
    out_type=jax.ShapeDtypeStruct((NC, N_PAD, FEAT), jnp.float32),
    mesh=_SC_MESH,
    scratch_types=[
        pltpu.VMEM((NSTEPS, CHUNK), jnp.int32),
        pltpu.VMEM((CHUNK, FEAT), jnp.float32),
        pltpu.SemaphoreType.DMA,
        pltpu.SemaphoreType.DMA,
        pltpu.SemaphoreType.DMA,
        pltpu.SemaphoreType.DMA,
        pltpu.VMEM_SHARED((N_PAD, FEAT), jnp.float32),
    ],
)


def _sc_scatter_body(g_hbm, srcw_hbm, dstw_hbm, zeros_hbm, out_hbm,
                     idx_s, dst_v, rows_v,
                     gsem0, gsem1, dsem0, dsem1, ssem0, ssem1, acc_sh):
    c = lax.axis_index("c")
    s = lax.axis_index("s")
    wid = s * NC + c
    pltpu.sync_copy(zeros_hbm.at[pl.ds(s * ROWS_PT, ROWS_PT)],
                    acc_sh.at[pl.ds(s * ROWS_PT, ROWS_PT)])
    pltpu.sync_copy(srcw_hbm.at[wid], idx_s)
    plsc.subcore_barrier()
    gsems = (gsem0, gsem1)
    dsems = (dsem0, dsem1)
    ssems = (ssem0, ssem1)

    def gath_start(ci, b):
        pltpu.async_copy(g_hbm.at[idx_s.at[ci]], rows_v.at[b], gsems[b])

    def gath_wait(ci, b):
        pltpu.make_async_copy(g_hbm.at[idx_s.at[ci]], rows_v.at[b],
                              gsems[b]).wait()

    def dst_start(ci, b):
        pltpu.async_copy(dstw_hbm.at[wid, pl.ds(ci, 1)], dst_v.at[b],
                         dsems[b])

    def dst_wait(ci, b):
        pltpu.make_async_copy(dstw_hbm.at[wid, pl.ds(ci, 1)], dst_v.at[b],
                              dsems[b]).wait()

    def scat_start(ci, b):
        pltpu.async_copy(rows_v.at[b], acc_sh.at[dst_v.at[b, 0]], ssems[b],
                         add=True)

    def scat_wait(ci, b):
        pltpu.make_async_copy(rows_v.at[b], acc_sh.at[dst_v.at[b, 0]],
                              ssems[b]).wait()

    gath_start(0, 0)
    dst_start(0, 0)
    gath_start(1, 1)
    dst_start(1, 1)
    gath_wait(0, 0)
    dst_wait(0, 0)
    scat_start(0, 0)
    scat_wait(0, 0)
    gath_start(2, 0)
    dst_start(2, 0)
    gath_wait(1, 1)
    dst_wait(1, 1)
    scat_start(1, 1)

    def step(t, carry):
        for k in range(2):
            ci = 3 + 2 * t + k
            b = (1 + k) % 2
            ob = k % 2
            scat_wait(ci - 2, b)
            gath_start(ci, b)
            dst_start(ci, b)
            gath_wait(ci - 1, ob)
            dst_wait(ci - 1, ob)
            scat_start(ci - 1, ob)
        return carry

    lax.fori_loop(0, (NSTEPS - 3) // 2, step, 0)
    gath_wait(NSTEPS - 1, (NSTEPS - 1) % 2)
    dst_wait(NSTEPS - 1, (NSTEPS - 1) % 2)
    scat_start(NSTEPS - 1, (NSTEPS - 1) % 2)
    scat_wait(NSTEPS - 2, (NSTEPS - 2) % 2)
    scat_wait(NSTEPS - 1, (NSTEPS - 1) % 2)
    plsc.subcore_barrier()
    pltpu.sync_copy(acc_sh.at[pl.ds(s * ROWS_PT, ROWS_PT)],
                    out_hbm.at[c, pl.ds(s * ROWS_PT, ROWS_PT)])


_sc_scatter = pl.kernel(
    _sc_scatter_body,
    out_type=jax.ShapeDtypeStruct((NC, N_PAD, FEAT), jnp.float32),
    mesh=_SC_MESH,
    scratch_types=[
        pltpu.VMEM((NSTEPS, CHUNK), jnp.int32),
        pltpu.VMEM((2, 1, CHUNK), jnp.int32),
        pltpu.VMEM((2, CHUNK, FEAT), jnp.float32),
        pltpu.SemaphoreType.DMA,
        pltpu.SemaphoreType.DMA,
        pltpu.SemaphoreType.DMA,
        pltpu.SemaphoreType.DMA,
        pltpu.SemaphoreType.DMA,
        pltpu.SemaphoreType.DMA,
        pltpu.VMEM_SHARED((N_PAD, FEAT), jnp.float32),
    ],
)



def _tc_enc_body(x_ref, encW_ref, encb_ref, W1_ref, m1_ref):
    h0 = jnp.dot(x_ref[...], encW_ref[...],
                 preferred_element_type=jnp.float32) + encb_ref[...]
    m1_ref[...] = jnp.dot(h0, W1_ref[...], preferred_element_type=jnp.float32)


def _tc_enc(x, enc_W, enc_b2, W1):
    return pl.pallas_call(
        _tc_enc_body,
        grid=(NBLK,),
        in_specs=[
            pl.BlockSpec((ROWBLK, FEAT), lambda i: (i, 0)),
            pl.BlockSpec((FEAT, FEAT), lambda i: (0, 0)),
            pl.BlockSpec((1, FEAT), lambda i: (0, 0)),
            pl.BlockSpec((FEAT, FEAT), lambda i: (0, 0)),
        ],
        out_specs=pl.BlockSpec((ROWBLK, FEAT), lambda i: (i, 0)),
        out_shape=jax.ShapeDtypeStruct((N_NODES, FEAT), jnp.float32),
    )(x, enc_W, enc_b2, W1)


def _tc_g1_body(degp_ref, m1_ref, g1_ref, dinv_ref):
    deg = degp_ref[0, :, 0:1] + degp_ref[1, :, 0:1] + 1.0
    dinv = lax.rsqrt(deg)
    g1_ref[...] = dinv * m1_ref[...]
    dinv_ref[...] = jnp.broadcast_to(dinv, (ROWBLK, 8))


def _tc_g1(deg_parts, m1):
    return pl.pallas_call(
        _tc_g1_body,
        grid=(NBLK,),
        in_specs=[
            pl.BlockSpec((NC, ROWBLK, FEAT), lambda i: (0, i, 0)),
            pl.BlockSpec((ROWBLK, FEAT), lambda i: (i, 0)),
        ],
        out_specs=[
            pl.BlockSpec((ROWBLK, FEAT), lambda i: (i, 0)),
            pl.BlockSpec((ROWBLK, 8), lambda i: (i, 0)),
        ],
        out_shape=[
            jax.ShapeDtypeStruct((N_NODES, FEAT), jnp.float32),
            jax.ShapeDtypeStruct((N_NODES, 8), jnp.float32),
        ],
    )(deg_parts, m1)


def _tc_mid_body(acc_ref, g_ref, dinv_ref, b_ref, W_ref, out_ref):
    dinv = dinv_ref[:, 0:1]
    h = jnp.maximum(
        dinv * (acc_ref[0] + acc_ref[1] + g_ref[...]) + b_ref[...], 0.0)
    out_ref[...] = dinv * jnp.dot(h, W_ref[...],
                                  preferred_element_type=jnp.float32)


def _tc_mid(acc, g, dinv8, b2d, W):
    return pl.pallas_call(
        _tc_mid_body,
        grid=(NBLK,),
        in_specs=[
            pl.BlockSpec((NC, ROWBLK, FEAT), lambda i: (0, i, 0)),
            pl.BlockSpec((ROWBLK, FEAT), lambda i: (i, 0)),
            pl.BlockSpec((ROWBLK, 8), lambda i: (i, 0)),
            pl.BlockSpec((1, FEAT), lambda i: (0, 0)),
            pl.BlockSpec((FEAT, FEAT), lambda i: (0, 0)),
        ],
        out_specs=pl.BlockSpec((ROWBLK, FEAT), lambda i: (i, 0)),
        out_shape=jax.ShapeDtypeStruct((N_NODES, FEAT), jnp.float32),
    )(acc, g, dinv8, b2d, W)


def _tc_final_body(acc_ref, g_ref, dinv_ref, b_ref, batch_ref, outW_ref,
                   outb_ref, out_ref, sums_ref, counts_ref):
    i = pl.program_id(0)
    dinv = dinv_ref[:, 0:1]
    h = jnp.maximum(
        dinv * (acc_ref[0] + acc_ref[1] + g_ref[...]) + b_ref[...], 0.0)
    onehot = (batch_ref[:, 0:1] ==
              lax.broadcasted_iota(jnp.int32, (ROWBLK, N_GRAPHS), 1)
              ).astype(jnp.float32)
    psum = lax.dot_general(onehot, h, (((0,), (0,)), ((), ())),
                           preferred_element_type=jnp.float32)
    pcnt = lax.dot_general(onehot, jnp.ones_like(h), (((0,), (0,)), ((), ())),
                           preferred_element_type=jnp.float32)

    @pl.when(i == 0)
    def _():
        sums_ref[...] = jnp.zeros_like(sums_ref)
        counts_ref[...] = jnp.zeros_like(counts_ref)

    sums_ref[...] += psum
    counts_ref[...] += pcnt

    @pl.when(i == pl.num_programs(0) - 1)
    def _():
        pooled = sums_ref[...] / jnp.maximum(counts_ref[...], 1.0)
        out_ref[...] = jnp.dot(pooled, outW_ref[...],
                               preferred_element_type=jnp.float32) + outb_ref[...]


def _tc_final(acc, g, dinv8, b2d, batch8, out_W, out_b2):
    return pl.pallas_call(
        _tc_final_body,
        grid=(NBLK,),
        in_specs=[
            pl.BlockSpec((NC, ROWBLK, FEAT), lambda i: (0, i, 0)),
            pl.BlockSpec((ROWBLK, FEAT), lambda i: (i, 0)),
            pl.BlockSpec((ROWBLK, 8), lambda i: (i, 0)),
            pl.BlockSpec((1, FEAT), lambda i: (0, 0)),
            pl.BlockSpec((ROWBLK, 8), lambda i: (i, 0)),
            pl.BlockSpec((FEAT, N_CLASS), lambda i: (0, 0)),
            pl.BlockSpec((1, N_CLASS), lambda i: (0, 0)),
        ],
        out_specs=pl.BlockSpec((N_GRAPHS, N_CLASS), lambda i: (0, 0)),
        out_shape=jax.ShapeDtypeStruct((N_GRAPHS, N_CLASS), jnp.float32),
        scratch_shapes=[
            pltpu.VMEM((N_GRAPHS, FEAT), jnp.float32),
            pltpu.VMEM((N_GRAPHS, FEAT), jnp.float32),
        ],
    )(acc, g, dinv8, b2d, batch8, out_W, out_b2)



def kernel(x, edge_index, batch, enc_W, enc_b, W1, b1, W2, b2, out_W, out_b):
    src = edge_index[0].astype(jnp.int32)
    dst = edge_index[1].astype(jnp.int32)
    pad_e = E_PAD - N_EDGES
    src_pad = jnp.arange(pad_e, dtype=jnp.int32) % N_NODES
    dst_pad = N_NODES + jnp.arange(pad_e, dtype=jnp.int32) % (N_PAD - N_NODES)
    srcw = jnp.concatenate([src, src_pad]).reshape(NW, NSTEPS, CHUNK)
    dstw = jnp.concatenate([dst, dst_pad]).reshape(NW, NSTEPS, CHUNK)
    zeros128 = jnp.zeros((N_PAD, FEAT), jnp.float32)
    batch8 = jnp.broadcast_to(batch.astype(jnp.int32)[:, None], (N_NODES, 8))
    enc_b2 = enc_b.reshape(1, FEAT)
    b1_2 = b1.reshape(1, FEAT)
    b2_2 = b2.reshape(1, FEAT)
    out_b2 = out_b.reshape(1, N_CLASS)

    ones128 = jnp.ones((CHUNK, FEAT), jnp.float32)
    deg_parts = _sc_degree(dstw, zeros128, ones128)
    m1 = _tc_enc(x, enc_W, enc_b2, W1)
    g1, dinv8 = _tc_g1(deg_parts, m1)
    acc1 = _sc_scatter(g1, srcw, dstw, zeros128)
    g2 = _tc_mid(acc1, g1, dinv8, b1_2, W2)
    acc2 = _sc_scatter(g2, srcw, dstw, zeros128)
    return _tc_final(acc2, g2, dinv8, b2_2, batch8, out_W, out_b2)

# --- scband reference (transcript-rebuilt; emitter-appended) ---
"""Pipeline reference for scband-linear-graph-27951647163108 (READ-ONLY COPY).

The authoritative reference and input builder live on the scoring server;
editing this copy changes nothing except your own understanding.
"""

import jax, jax.numpy as jnp
import numpy as np

NUM_NODES = 10000
NUM_EDGES = 320000
IN_FEAT = 128
HIDDEN = 128
NUM_CLASS = 10
NUM_GRAPHS = 128


def gcn_conv(x, edge_index, W, b, num_nodes):
    # PyG GCNConv: add self-loops, symmetric normalization, x @ W, scatter-add, + bias
    src = edge_index[0]
    dst = edge_index[1]
    loop = jnp.arange(num_nodes, dtype=edge_index.dtype)
    src = jnp.concatenate([src, loop])
    dst = jnp.concatenate([dst, loop])
    h = x @ W
    deg = jnp.zeros((num_nodes,), dtype=h.dtype).at[dst].add(1.0)
    dinv = jnp.where(deg > 0, deg ** -0.5, 0.0)
    norm = dinv[src] * dinv[dst]
    msg = h[src] * norm[:, None]
    out = jnp.zeros_like(h).at[dst].add(msg)
    return out + b


def global_mean_pool(x, batch, num_graphs):
    sums = jax.ops.segment_sum(x, batch, num_segments=num_graphs)
    counts = jax.ops.segment_sum(jnp.ones((x.shape[0],), dtype=x.dtype), batch, num_segments=num_graphs)
    counts = jnp.maximum(counts, 1.0)
    return sums / counts[:, None]


def setup_inputs(seed: int = 0) -> dict:
    key = jax.random.key(seed)
    ks = jax.random.split(key, 12)
    x = jax.random.normal(ks[0], (NUM_NODES, IN_FEAT), dtype=jnp.float32)
    edge_index = jax.random.randint(ks[1], (2, NUM_EDGES), 0, NUM_NODES, dtype=jnp.int64)
    batch = jnp.sort(jax.random.randint(ks[2], (NUM_NODES,), 0, NUM_GRAPHS, dtype=jnp.int64))
    s_enc = 1.0 / np.sqrt(IN_FEAT)
    s_h = 1.0 / np.sqrt(HIDDEN)
    enc_W = jax.random.uniform(ks[3], (IN_FEAT, HIDDEN), jnp.float32, -s_enc, s_enc)
    enc_b = jax.random.uniform(ks[4], (HIDDEN,), jnp.float32, -s_enc, s_enc)
    W1 = jax.random.uniform(ks[5], (HIDDEN, HIDDEN), jnp.float32, -s_h, s_h)
    b1 = jnp.zeros((HIDDEN,), dtype=jnp.float32)
    W2 = jax.random.uniform(ks[6], (HIDDEN, HIDDEN), jnp.float32, -s_h, s_h)
    b2 = jnp.zeros((HIDDEN,), dtype=jnp.float32)
    out_W = jax.random.uniform(ks[7], (HIDDEN, NUM_CLASS), jnp.float32, -s_h, s_h)
    out_b = jax.random.uniform(ks[8], (NUM_CLASS,), jnp.float32, -s_h, s_h)
    return {"x": x, "edge_index": edge_index, "batch": batch,
            "enc_W": enc_W, "enc_b": enc_b, "W1": W1, "b1": b1,
            "W2": W2, "b2": b2, "out_W": out_W, "out_b": out_b}


def reference(x, edge_index, batch, enc_W, enc_b, W1, b1, W2, b2, out_W, out_b):
    h = x @ enc_W + enc_b
    h = jax.nn.relu(gcn_conv(h, edge_index, W1, b1, NUM_NODES))
    h = jax.nn.relu(gcn_conv(h, edge_index, W2, b2, NUM_NODES))
    pooled = global_mean_pool(h, batch, NUM_GRAPHS)
    # dropout is identity in eval mode
    return pooled @ out_W + out_b

if __name__ == "__main__":
    import jax
    _d = setup_inputs()
    print(jax.jit(kernel)(*tuple(_d.values())))

</pallas_src>

<mosaic_0001>
#map = affine_map<(d0, d1) -> (0, 0, 0)>
#map1 = affine_map<(d0, d1) -> (0, 0)>
module attributes {stable_mosaic.version = 14 : i64} {
  func.func @_sc_degree_body(%arg0: i32, %arg1: i32, %arg2: memref<32x79x128xi32, #tpu.memory_space<hbm>>, %arg3: memref<10240x128xf32, #tpu.memory_space<hbm>>, %arg4: memref<128x128xf32, #tpu.memory_space<hbm>>, %arg5: memref<2x10240x128xf32, #tpu.memory_space<hbm>>, %arg6: memref<79x128xi32, #tpu.memory_space<vmem>>, %arg7: memref<128x128xf32, #tpu.memory_space<vmem>>, %arg8: memref<!tpu.dma_semaphore, #tpu.memory_space<semaphore_mem>>, %arg9: memref<!tpu.dma_semaphore, #tpu.memory_space<semaphore_mem>>, %arg10: memref<!tpu.dma_semaphore, #tpu.memory_space<semaphore_mem>>, %arg11: memref<!tpu.dma_semaphore, #tpu.memory_space<semaphore_mem>>, %arg12: memref<10240x128xf32, #tpu.memory_space<vmem_shared>>) attributes {dimension_semantics = [#tpu.dimension_semantics<core_parallel>, #tpu.dimension_semantics<subcore_parallel>], iteration_bounds = array<i64: 2, 16>, scalar_prefetch = 0 : i64, scratch_operands = 7 : i64, tpu.core_type = #tpu.core_type<sc_vector_subcore>, window_params = [{transform_indices = #map}, {transform_indices = #map1}, {transform_indices = #map1}, {transform_indices = #map}]} {
    %mul3A = arith.constant 2 : i32
    %mul3A_0 = arith.muli %arg1, %mul3A : i32
    %add3A = arith.addi %mul3A_0, %arg0 : i32
    %mul3A_1 = arith.constant 640 : i32
    %mul3A_2 = arith.muli %arg1, %mul3A_1 : i32
    %mul3A_3 = arith.constant 640 : i32
    %mul3A_4 = arith.muli %arg1, %mul3A_3 : i32
    "tpu.region"() ({
      %run_scoped3A = tpu.sem_alloc : memref<!tpu.dma_semaphore, #tpu.memory_space<semaphore_mem>>
      %dma_start3A_111 = arith.constant 0 : i32
      %dma_start3A_112 = tpu.memref_slice %arg12[%mul3A_4, %dma_start3A_111] : memref<10240x128xf32, #tpu.memory_space<vmem_shared>> -> memref<640x128xf32, #tpu.memory_space<vmem_shared>>
      %dma_start3A_113 = arith.constant 0 : i32
      %dma_start3A_114 = tpu.memref_slice %arg3[%mul3A_2, %dma_start3A_113] : memref<10240x128xf32, #tpu.memory_space<hbm>> -> memref<640x128xf32, #tpu.memory_space<hbm>>
      tpu.enqueue_dma source(%dma_start3A_114 : memref<640x128xf32, #tpu.memory_space<hbm>>) target(%dma_start3A_112 : memref<640x128xf32, #tpu.memory_space<vmem_shared>>) target_semaphore(%run_scoped3A : memref<!tpu.dma_semaphore, #tpu.memory_space<semaphore_mem>>)
      %dma_wait3A_115 = arith.constant 0 : i32
      %dma_wait3A_116 = tpu.memref_slice %arg12[%mul3A_4, %dma_wait3A_115] : memref<10240x128xf32, #tpu.memory_space<vmem_shared>> -> memref<640x128xf32, #tpu.memory_space<vmem_shared>>
      %dma_wait3A_117 = arith.constant 0 : i32
      %dma_wait3A_118 = tpu.memref_slice %arg3[%mul3A_2, %dma_wait3A_117] : memref<10240x128xf32, #tpu.memory_space<hbm>> -> memref<640x128xf32, #tpu.memory_space<hbm>>
      tpu.wait_dma2 semaphore(%run_scoped3A : memref<!tpu.dma_semaphore, #tpu.memory_space<semaphore_mem>>) src(%dma_wait3A_118 : memref<640x128xf32, #tpu.memory_space<hbm>>) dst(%dma_wait3A_116 : memref<640x128xf32, #tpu.memory_space<vmem_shared>>)
      tpu.yield
    }) : () -> ()
    "tpu.region"() ({
      %run_scoped3A = tpu.sem_alloc : memref<!tpu.dma_semaphore, #tpu.memory_space<semaphore_mem>>
      %dma_start3A_111 = arith.constant 0 : i32
      %dma_start3A_112 = arith.constant 0 : i32
      %dma_start3A_113 = tpu.memref_slice %arg2[%add3A, %dma_start3A_111, %dma_start3A_112] : memref<32x79x128xi32, #tpu.memory_space<hbm>> -> memref<1x79x128xi32, #tpu.memory_space<hbm>>
      %dma_start3A_114 = tpu.memref_squeeze %dma_start3A_113 : memref<1x79x128xi32, #tpu.memory_space<hbm>> -> memref<79x128xi32, #tpu.memory_space<hbm>>
      %dma_start3A_115 = arith.constant 0 : i32
      %dma_start3A_116 = arith.constant 0 : i32
      %dma_start3A_117 = tpu.memref_slice %arg2[%add3A, %dma_start3A_115, %dma_start3A_116] : memref<32x79x128xi32, #tpu.memory_space<hbm>> -> memref<1x79x128xi32, #tpu.memory_space<hbm>>
      %dma_start3A_118 = tpu.memref_squeeze %dma_start3A_117 : memref<1x79x128xi32, #tpu.memory_space<hbm>> -> memref<79x128xi32, #tpu.memory_space<hbm>>
      tpu.enqueue_dma source(%dma_start3A_118 : memref<79x128xi32, #tpu.memory_space<hbm>>) target(%arg6 : memref<79x128xi32, #tpu.memory_space<vmem>>) target_semaphore(%run_scoped3A : memref<!tpu.dma_semaphore, #tpu.memory_space<semaphore_mem>>)
      %dma_wait3A_119 = arith.constant 0 : i32
      %dma_wait3A_120 = arith.constant 0 : i32
      %dma_wait3A_121 = tpu.memref_slice %arg2[%add3A, %dma_wait3A_119, %dma_wait3A_120] : memref<32x79x128xi32, #tpu.memory_space<hbm>> -> memref<1x79x128xi32, #tpu.memory_space<hbm>>
      %dma_wait3A_122 = tpu.memref_squeeze %dma_wait3A_121 : memref<1x79x128xi32, #tpu.memory_space<hbm>> -> memref<79x128xi32, #tpu.memory_space<hbm>>
      %dma_wait3A_123 = arith.constant 0 : i32
      %dma_wait3A_124 = arith.constant 0 : i32
      %dma_wait3A_125 = tpu.memref_slice %arg2[%add3A, %dma_wait3A_123, %dma_wait3A_124] : memref<32x79x128xi32, #tpu.memory_space<hbm>> -> memref<1x79x128xi32, #tpu.memory_space<hbm>>
      %dma_wait3A_126 = tpu.memref_squeeze %dma_wait3A_125 : memref<1x79x128xi32, #tpu.memory_space<hbm>> -> memref<79x128xi32, #tpu.memory_space<hbm>>
      tpu.wait_dma2 semaphore(%run_scoped3A : memref<!tpu.dma_semaphore, #tpu.memory_space<semaphore_mem>>) src(%dma_wait3A_126 : memref<79x128xi32, #tpu.memory_space<hbm>>) dst(%arg6 : memref<79x128xi32, #tpu.memory_space<vmem>>)
      tpu.yield
    }) : () -> ()
    "tpu.region"() ({
      %run_scoped3A = tpu.sem_alloc : memref<!tpu.dma_semaphore, #tpu.memory_space<semaphore_mem>>
      tpu.enqueue_dma source(%arg4 : memref<128x128xf32, #tpu.memory_space<hbm>>) target(%arg7 : memref<128x128xf32, #tpu.memory_space<vmem>>) target_semaphore(%run_scoped3A : memref<!tpu.dma_semaphore, #tpu.memory_space<semaphore_mem>>)
      tpu.wait_dma2 semaphore(%run_scoped3A : memref<!tpu.dma_semaphore, #tpu.memory_space<semaphore_mem>>) src(%arg4 : memref<128x128xf32, #tpu.memory_space<hbm>>) dst(%arg7 : memref<128x128xf32, #tpu.memory_space<vmem>>)
      tpu.yield
    }) : () -> ()
    %barrier3A = arith.constant 0 : index
    tpu.barrier barrier_id(%barrier3A)
    %dma_start3A = arith.constant 0 : i32
    %dma_start3A_5 = arith.constant 0 : i32
    %dma_start3A_6 = tpu.memref_slice %arg6[%dma_start3A, %dma_start3A_5] : memref<79x128xi32, #tpu.memory_space<vmem>> -> memref<1x128xi32, #tpu.memory_space<vmem>>
    %dma_start3A_7 = tpu.memref_squeeze %dma_start3A_6 : memref<1x128xi32, #tpu.memory_space<vmem>> -> memref<128xi32, #tpu.memory_space<vmem>>
    %dma_start3A_8 = arith.constant 0 : i32
    %dma_start3A_9 = arith.constant 0 : i32
    %dma_start3A_10 = tpu.memref_slice %arg12[%dma_start3A_8, %dma_start3A_9] : memref<10240x128xf32, #tpu.memory_space<vmem_shared>> -> memref<10240x128xf32, #tpu.memory_space<vmem_shared>>
    tpu.enqueue_indirect_dma source(%arg7 : memref<128x128xf32, #tpu.memory_space<vmem>>) target(%dma_start3A_10 : memref<10240x128xf32, #tpu.memory_space<vmem_shared>>) offsets(%dma_start3A_7 : memref<128xi32, #tpu.memory_space<vmem>>) semaphore(%arg8 : memref<!tpu.dma_semaphore, #tpu.memory_space<semaphore_mem>>) {add = true}
    %dma_start3A_11 = arith.constant 1 : i32
    %dma_start3A_12 = arith.constant 0 : i32
    %dma_start3A_13 = tpu.memref_slice %arg6[%dma_start3A_11, %dma_start3A_12] : memref<79x128xi32, #tpu.memory_space<vmem>> -> memref<1x128xi32, #tpu.memory_space<vmem>>
    %dma_start3A_14 = tpu.memref_squeeze %dma_start3A_13 : memref<1x128xi32, #tpu.memory_space<vmem>> -> memref<128xi32, #tpu.memory_space<vmem>>
    %dma_start3A_15 = arith.constant 0 : i32
    %dma_start3A_16 = arith.constant 0 : i32
    %dma_start3A_17 = tpu.memref_slice %arg12[%dma_start3A_15, %dma_start3A_16] : memref<10240x128xf32, #tpu.memory_space<vmem_shared>> -> memref<10240x128xf32, #tpu.memory_space<vmem_shared>>
    tpu.enqueue_indirect_dma source(%arg7 : memref<128x128xf32, #tpu.memory_space<vmem>>) target(%dma_start3A_17 : memref<10240x128xf32, #tpu.memory_space<vmem_shared>>) offsets(%dma_start3A_14 : memref<128xi32, #tpu.memory_space<vmem>>) semaphore(%arg9 : memref<!tpu.dma_semaphore, #tpu.memory_space<semaphore_mem>>) {add = true}
    %dma_start3A_18 = arith.constant 2 : i32
    %dma_start3A_19 = arith.constant 0 : i32
    %dma_start3A_20 = tpu.memref_slice %arg6[%dma_start3A_18, %dma_start3A_19] : memref<79x128xi32, #tpu.memory_space<vmem>> -> memref<1x128xi32, #tpu.memory_space<vmem>>
    %dma_start3A_21 = tpu.memref_squeeze %dma_start3A_20 : memref<1x128xi32, #tpu.memory_space<vmem>> -> memref<128xi32, #tpu.memory_space<vmem>>
    %dma_start3A_22 = arith.constant 0 : i32
    %dma_start3A_23 = arith.constant 0 : i32
    %dma_start3A_24 = tpu.memref_slice %arg12[%dma_start3A_22, %dma_start3A_23] : memref<10240x128xf32, #tpu.memory_space<vmem_shared>> -> memref<10240x128xf32, #tpu.memory_space<vmem_shared>>
    tpu.enqueue_indirect_dma source(%arg7 : memref<128x128xf32, #tpu.memory_space<vmem>>) target(%dma_start3A_24 : memref<10240x128xf32, #tpu.memory_space<vmem_shared>>) offsets(%dma_start3A_21 : memref<128xi32, #tpu.memory_space<vmem>>) semaphore(%arg10 : memref<!tpu.dma_semaphore, #tpu.memory_space<semaphore_mem>>) {add = true}
    %dma_start3A_25 = arith.constant 3 : i32
    %dma_start3A_26 = arith.constant 0 : i32
    %dma_start3A_27 = tpu.memref_slice %arg6[%dma_start3A_25, %dma_start3A_26] : memref<79x128xi32, #tpu.memory_space<vmem>> -> memref<1x128xi32, #tpu.memory_space<vmem>>
    %dma_start3A_28 = tpu.memref_squeeze %dma_start3A_27 : memref<1x128xi32, #tpu.memory_space<vmem>> -> memref<128xi32, #tpu.memory_space<vmem>>
    %dma_start3A_29 = arith.constant 0 : i32
    %dma_start3A_30 = arith.constant 0 : i32
    %dma_start3A_31 = tpu.memref_slice %arg12[%dma_start3A_29, %dma_start3A_30] : memref<10240x128xf32, #tpu.memory_space<vmem_shared>> -> memref<10240x128xf32, #tpu.memory_space<vmem_shared>>
    tpu.enqueue_indirect_dma source(%arg7 : memref<128x128xf32, #tpu.memory_space<vmem>>) target(%dma_start3A_31 : memref<10240x128xf32, #tpu.memory_space<vmem_shared>>) offsets(%dma_start3A_28 : memref<128xi32, #tpu.memory_space<vmem>>) semaphore(%arg11 : memref<!tpu.dma_semaphore, #tpu.memory_space<semaphore_mem>>) {add = true}
    %scan3A = arith.constant 0 : i32
    %scan3A_32 = arith.constant 0 : i32
    %scan3A_33 = arith.constant 18 : i32
    %scan3A_34 = arith.addi %scan3A_32, %scan3A_33 : i32
    %scan3A_35 = arith.constant 1 : i32
    scf.for %scan3A_111 = %scan3A_32 to %scan3A_34 step %scan3A_35  : i32 {
      %mul3A_112 = arith.constant 4 : i32
      %mul3A_113 = arith.muli %mul3A_112, %scan3A_111 : i32
      %add3A_114 = arith.constant 4 : i32
      %add3A_115 = arith.addi %add3A_114, %mul3A_113 : i32
      %add3A_116 = arith.constant 0 : i32
      %add3A_117 = arith.addi %add3A_115, %add3A_116 : i32
      %sub3A = arith.constant 4 : i32
      %sub3A_118 = arith.subi %add3A_117, %sub3A : i32
      %dma_wait3A_119 = arith.constant 0 : i32
      %dma_wait3A_120 = tpu.memref_slice %arg6[%sub3A_118, %dma_wait3A_119] : memref<79x128xi32, #tpu.memory_space<vmem>> -> memref<1x128xi32, #tpu.memory_space<vmem>>
      %dma_wait3A_121 = tpu.memref_squeeze %dma_wait3A_120 : memref<1x128xi32, #tpu.memory_space<vmem>> -> memref<128xi32, #tpu.memory_space<vmem>>
      %dma_wait3A_122 = arith.constant 0 : i32
      %dma_wait3A_123 = arith.constant 0 : i32
      %dma_wait3A_124 = tpu.memref_slice %arg12[%dma_wait3A_122, %dma_wait3A_123] : memref<10240x128xf32, #tpu.memory_space<vmem_shared>> -> memref<10240x128xf32, #tpu.memory_space<vmem_shared>>
      tpu.wait_indirect_dma semaphore(%arg8 : memref<!tpu.dma_semaphore, #tpu.memory_space<semaphore_mem>>) src(%arg7 : memref<128x128xf32, #tpu.memory_space<vmem>>) dst(%dma_wait3A_124 : memref<10240x128xf32, #tpu.memory_space<vmem_shared>>)
      %dma_start3A_125 = arith.constant 0 : i32
      %dma_start3A_126 = tpu.memref_slice %arg6[%add3A_117, %dma_start3A_125] : memref<79x128xi32, #tpu.memory_space<vmem>> -> memref<1x128xi32, #tpu.memory_space<vmem>>
      %dma_start3A_127 = tpu.memref_squeeze %dma_start3A_126 : memref<1x128xi32, #tpu.memory_space<vmem>> -> memref<128xi32, #tpu.memory_space<vmem>>
      %dma_start3A_128 = arith.constant 0 : i32
      %dma_start3A_129 = arith.constant 0 : i32
      %dma_start3A_130 = tpu.memref_slice %arg12[%dma_start3A_128, %dma_start3A_129] : memref<10240x128xf32, #tpu.memory_space<vmem_shared>> -> memref<10240x128xf32, #tpu.memory_space<vmem_shared>>
      tpu.enqueue_indirect_dma source(%arg7 : memref<128x128xf32, #tpu.memory_space<vmem>>) target(%dma_start3A_130 : memref<10240x128xf32, #tpu.memory_space<vmem_shared>>) offsets(%dma_start3A_127 : memref<128xi32, #tpu.memory_space<vmem>>) semaphore(%arg8 : memref<!tpu.dma_semaphore, #tpu.memory_space<semaphore_mem>>) {add = true}
      %mul3A_131 = arith.constant 4 : i32
      %mul3A_132 = arith.muli %mul3A_131, %scan3A_111 : i32
      %add3A_133 = arith.constant 4 : i32
      %add3A_134 = arith.addi %add3A_133, %mul3A_132 : i32
      %add3A_135 = arith.constant 1 : i32
      %add3A_136 = arith.addi %add3A_134, %add3A_135 : i32
      %sub3A_137 = arith.constant 4 : i32
      %sub3A_138 = arith.subi %add3A_136, %sub3A_137 : i32
      %dma_wait3A_139 = arith.constant 0 : i32
      %dma_wait3A_140 = tpu.memref_slice %arg6[%sub3A_138, %dma_wait3A_139] : memref<79x128xi32, #tpu.memory_space<vmem>> -> memref<1x128xi32, #tpu.memory_space<vmem>>
      %dma_wait3A_141 = tpu.memref_squeeze %dma_wait3A_140 : memref<1x128xi32, #tpu.memory_space<vmem>> -> memref<128xi32, #tpu.memory_space<vmem>>
      %dma_wait3A_142 = arith.constant 0 : i32
      %dma_wait3A_143 = arith.constant 0 : i32
      %dma_wait3A_144 = tpu.memref_slice %arg12[%dma_wait3A_142, %dma_wait3A_143] : memref<10240x128xf32, #tpu.memory_space<vmem_shared>> -> memref<10240x128xf32, #tpu.memory_space<vmem_shared>>
      tpu.wait_indirect_dma semaphore(%arg9 : memref<!tpu.dma_semaphore, #tpu.memory_space<semaphore_mem>>) src(%arg7 : memref<128x128xf32, #tpu.memory_space<vmem>>) dst(%dma_wait3A_144 : memref<10240x128xf32, #tpu.memory_space<vmem_shared>>)
      %dma_start3A_145 = arith.constant 0 : i32
      %dma_start3A_146 = tpu.memref_slice %arg6[%add3A_136, %dma_start3A_145] : memref<79x128xi32, #tpu.memory_space<vmem>> -> memref<1x128xi32, #tpu.memory_space<vmem>>
      %dma_start3A_147 = tpu.memref_squeeze %dma_start3A_146 : memref<1x128xi32, #tpu.memory_space<vmem>> -> memref<128xi32, #tpu.memory_space<vmem>>
      %dma_start3A_148 = arith.constant 0 : i32
      %dma_start3A_149 = arith.constant 0 : i32
      %dma_start3A_150 = tpu.memref_slice %arg12[%dma_start3A_148, %dma_start3A_149] : memref<10240x128xf32, #tpu.memory_space<vmem_shared>> -> memref<10240x128xf32, #tpu.memory_space<vmem_shared>>
      tpu.enqueue_indirect_dma source(%arg7 : memref<128x128xf32, #tpu.memory_space<vmem>>) target(%dma_start3A_150 : memref<10240x128xf32, #tpu.memory_space<vmem_shared>>) offsets(%dma_start3A_147 : memref<128xi32, #tpu.memory_space<vmem>>) semaphore(%arg9 : memref<!tpu.dma_semaphore, #tpu.memory_space<semaphore_mem>>) {add = true}
      %mul3A_151 = arith.constant 4 : i32
      %mul3A_152 = arith.muli %mul3A_151, %scan3A_111 : i32
      %add3A_153 = arith.constant 4 : i32
      %add3A_154 = arith.addi %add3A_153, %mul3A_152 : i32
      %add3A_155 = arith.constant 2 : i32
      %add3A_156 = arith.addi %add3A_154, %add3A_155 : i32
      %sub3A_157 = arith.constant 4 : i32
      %sub3A_158 = arith.subi %add3A_156, %sub3A_157 : i32
      %dma_wait3A_159 = arith.constant 0 : i32
      %dma_wait3A_160 = tpu.memref_slice %arg6[%sub3A_158, %dma_wait3A_159] : memref<79x128xi32, #tpu.memory_space<vmem>> -> memref<1x128xi32, #tpu.memory_space<vmem>>
      %dma_wait3A_161 = tpu.memref_squeeze %dma_wait3A_160 : memref<1x128xi32, #tpu.memory_space<vmem>> -> memref<128xi32, #tpu.memory_space<vmem>>
      %dma_wait3A_162 = arith.constant 0 : i32
      %dma_wait3A_163 = arith.constant 0 : i32
      %dma_wait3A_164 = tpu.memref_slice %arg12[%dma_wait3A_162, %dma_wait3A_163] : memref<10240x128xf32, #tpu.memory_space<vmem_shared>> -> memref<10240x128xf32, #tpu.memory_space<vmem_shared>>
      tpu.wait_indirect_dma semaphore(%arg10 : memref<!tpu.dma_semaphore, #tpu.memory_space<semaphore_mem>>) src(%arg7 : memref<128x128xf32, #tpu.memory_space<vmem>>) dst(%dma_wait3A_164 : memref<10240x128xf32, #tpu.memory_space<vmem_shared>>)
      %dma_start3A_165 = arith.constant 0 : i32
      %dma_start3A_166 = tpu.memref_slice %arg6[%add3A_156, %dma_start3A_165] : memref<79x128xi32, #tpu.memory_space<vmem>> -> memref<1x128xi32, #tpu.memory_space<vmem>>
      %dma_start3A_167 = tpu.memref_squeeze %dma_start3A_166 : memref<1x128xi32, #tpu.memory_space<vmem>> -> memref<128xi32, #tpu.memory_space<vmem>>
      %dma_start3A_168 = arith.constant 0 : i32
      %dma_start3A_169 = arith.constant 0 : i32
      %dma_start3A_170 = tpu.memref_slice %arg12[%dma_start3A_168, %dma_start3A_169] : memref<10240x128xf32, #tpu.memory_space<vmem_shared>> -> memref<10240x128xf32, #tpu.memory_space<vmem_shared>>
      tpu.enqueue_indirect_dma source(%arg7 : memref<128x128xf32, #tpu.memory_space<vmem>>) target(%dma_start3A_170 : memref<10240x128xf32, #tpu.memory_space<vmem_shared>>) offsets(%dma_start3A_167 : memref<128xi32, #tpu.memory_space<vmem>>) semaphore(%arg10 : memref<!tpu.dma_semaphore, #tpu.memory_space<semaphore_mem>>) {add = true}
      %mul3A_171 = arith.constant 4 : i32
      %mul3A_172 = arith.muli %mul3A_171, %scan3A_111 : i32
      %add3A_173 = arith.constant 4 : i32
      %add3A_174 = arith.addi %add3A_173, %mul3A_172 : i32
      %add3A_175 = arith.constant 3 : i32
      %add3A_176 = arith.addi %add3A_174, %add3A_175 : i32
      %sub3A_177 = arith.constant 4 : i32
      %sub3A_178 = arith.subi %add3A_176, %sub3A_177 : i32
      %dma_wait3A_179 = arith.constant 0 : i32
      %dma_wait3A_180 = tpu.memref_slice %arg6[%sub3A_178, %dma_wait3A_179] : memref<79x128xi32, #tpu.memory_space<vmem>> -> memref<1x128xi32, #tpu.memory_space<vmem>>
      %dma_wait3A_181 = tpu.memref_squeeze %dma_wait3A_180 : memref<1x128xi32, #tpu.memory_space<vmem>> -> memref<128xi32, #tpu.memory_space<vmem>>
      %dma_wait3A_182 = arith.constant 0 : i32
      %dma_wait3A_183 = arith.constant 0 : i32
      %dma_wait3A_184 = tpu.memref_slice %arg12[%dma_wait3A_182, %dma_wait3A_183] : memref<10240x128xf32, #tpu.memory_space<vmem_shared>> -> memref<10240x128xf32, #tpu.memory_space<vmem_shared>>
      tpu.wait_indirect_dma semaphore(%arg11 : memref<!tpu.dma_semaphore, #tpu.memory_space<semaphore_mem>>) src(%arg7 : memref<128x128xf32, #tpu.memory_space<vmem>>) dst(%dma_wait3A_184 : memref<10240x128xf32, #tpu.memory_space<vmem_shared>>)
      %dma_start3A_185 = arith.constant 0 : i32
      %dma_start3A_186 = tpu.memref_slice %arg6[%add3A_176, %dma_start3A_185] : memref<79x128xi32, #tpu.memory_space<vmem>> -> memref<1x128xi32, #tpu.memory_space<vmem>>
      %dma_start3A_187 = tpu.memref_squeeze %dma_start3A_186 : memref<1x128xi32, #tpu.memory_space<vmem>> -> memref<128xi32, #tpu.memory_space<vmem>>
      %dma_start3A_188 = arith.constant 0 : i32
      %dma_start3A_189 = arith.constant 0 : i32
      %dma_start3A_190 = tpu.memref_slice %arg12[%dma_start3A_188, %dma_start3A_189] : memref<10240x128xf32, #tpu.memory_space<vmem_shared>> -> memref<10240x128xf32, #tpu.memory_space<vmem_shared>>
      tpu.enqueue_indirect_dma source(%arg7 : memref<128x128xf32, #tpu.memory_space<vmem>>) target(%dma_start3A_190 : memref<10240x128xf32, #tpu.memory_space<vmem_shared>>) offsets(%dma_start3A_187 : memref<128xi32, #tpu.memory_space<vmem>>) semaphore(%arg11 : memref<!tpu.dma_semaphore, #tpu.memory_space<semaphore_mem>>) {add = true}
    }
    %scan3A_36 = arith.constant 18 : i32
    %dma_wait3A = arith.constant 72 : i32
    %dma_wait3A_37 = arith.constant 0 : i32
    %dma_wait3A_38 = tpu.memref_slice %arg6[%dma_wait3A, %dma_wait3A_37] : memref<79x128xi32, #tpu.memory_space<vmem>> -> memref<1x128xi32, #tpu.memory_space<vmem>>
    %dma_wait3A_39 = tpu.memref_squeeze %dma_wait3A_38 : memref<1x128xi32, #tpu.memory_space<vmem>> -> memref<128xi32, #tpu.memory_space<vmem>>
    %dma_wait3A_40 = arith.constant 0 : i32
    %dma_wait3A_41 = arith.constant 0 : i32
    %dma_wait3A_42 = tpu.memref_slice %arg12[%dma_wait3A_40, %dma_wait3A_41] : memref<10240x128xf32, #tpu.memory_space<vmem_shared>> -> memref<10240x128xf32, #tpu.memory_space<vmem_shared>>
    tpu.wait_indirect_dma semaphore(%arg8 : memref<!tpu.dma_semaphore, #tpu.memory_space<semaphore_mem>>) src(%arg7 : memref<128x128xf32, #tpu.memory_space<vmem>>) dst(%dma_wait3A_42 : memref<10240x128xf32, #tpu.memory_space<vmem_shared>>)
    %dma_start3A_43 = arith.constant 76 : i32
    %dma_start3A_44 = arith.constant 0 : i32
    %dma_start3A_45 = tpu.memref_slice %arg6[%dma_start3A_43, %dma_start3A_44] : memref<79x128xi32, #tpu.memory_space<vmem>> -> memref<1x128xi32, #tpu.memory_space<vmem>>
    %dma_start3A_46 = tpu.memref_squeeze %dma_start3A_45 : memref<1x128xi32, #tpu.memory_space<vmem>> -> memref<128xi32, #tpu.memory_space<vmem>>
    %dma_start3A_47 = arith.constant 0 : i32
    %dma_start3A_48 = arith.constant 0 : i32
    %dma_start3A_49 = tpu.memref_slice %arg12[%dma_start3A_47, %dma_start3A_48] : memref<10240x128xf32, #tpu.memory_space<vmem_shared>> -> memref<10240x128xf32, #tpu.memory_space<vmem_shared>>
    tpu.enqueue_indirect_dma source(%arg7 : memref<128x128xf32, #tpu.memory_space<vmem>>) target(%dma_start3A_49 : memref<10240x128xf32, #tpu.memory_space<vmem_shared>>) offsets(%dma_start3A_46 : memref<128xi32, #tpu.memory_space<vmem>>) semaphore(%arg8 : memref<!tpu.dma_semaphore, #tpu.memory_space<semaphore_mem>>) {add = true}
    %dma_wait3A_50 = arith.constant 73 : i32
    %dma_wait3A_51 = arith.constant 0 : i32
    %dma_wait3A_52 = tpu.memref_slice %arg6[%dma_wait3A_50, %dma_wait3A_51] : memref<79x128xi32, #tpu.memory_space<vmem>> -> memref<1x128xi32, #tpu.memory_space<vmem>>
    %dma_wait3A_53 = tpu.memref_squeeze %dma_wait3A_52 : memref<1x128xi32, #tpu.memory_space<vmem>> -> memref<128xi32, #tpu.memory_space<vmem>>
    %dma_wait3A_54 = arith.constant 0 : i32
    %dma_wait3A_55 = arith.constant 0 : i32
    %dma_wait3A_56 = tpu.memref_slice %arg12[%dma_wait3A_54, %dma_wait3A_55] : memref<10240x128xf32, #tpu.memory_space<vmem_shared>> -> memref<10240x128xf32, #tpu.memory_space<vmem_shared>>
    tpu.wait_indirect_dma semaphore(%arg9 : memref<!tpu.dma_semaphore, #tpu.memory_space<semaphore_mem>>) src(%arg7 : memref<128x128xf32, #tpu.memory_space<vmem>>) dst(%dma_wait3A_56 : memref<10240x128xf32, #tpu.memory_space<vmem_shared>>)
    %dma_start3A_57 = arith.constant 77 : i32
    %dma_start3A_58 = arith.constant 0 : i32
    %dma_start3A_59 = tpu.memref_slice %arg6[%dma_start3A_57, %dma_start3A_58] : memref<79x128xi32, #tpu.memory_space<vmem>> -> memref<1x128xi32, #tpu.memory_space<vmem>>
    %dma_start3A_60 = tpu.memref_squeeze %dma_start3A_59 : memref<1x128xi32, #tpu.memory_space<vmem>> -> memref<128xi32, #tpu.memory_space<vmem>>
    %dma_start3A_61 = arith.constant 0 : i32
    %dma_start3A_62 = arith.constant 0 : i32
    %dma_start3A_63 = tpu.memref_slice %arg12[%dma_start3A_61, %dma_start3A_62] : memref<10240x128xf32, #tpu.memory_space<vmem_shared>> -> memref<10240x128xf32, #tpu.memory_space<vmem_shared>>
    tpu.enqueue_indirect_dma source(%arg7 : memref<128x128xf32, #tpu.memory_space<vmem>>) target(%dma_start3A_63 : memref<10240x128xf32, #tpu.memory_space<vmem_shared>>) offsets(%dma_start3A_60 : memref<128xi32, #tpu.memory_space<vmem>>) semaphore(%arg9 : memref<!tpu.dma_semaphore, #tpu.memory_space<semaphore_mem>>) {add = true}
    %dma_wait3A_64 = arith.constant 74 : i32
    %dma_wait3A_65 = arith.constant 0 : i32
    %dma_wait3A_66 = tpu.memref_slice %arg6[%dma_wait3A_64, %dma_wait3A_65] : memref<79x128xi32, #tpu.memory_space<vmem>> -> memref<1x128xi32, #tpu.memory_space<vmem>>
    %dma_wait3A_67 = tpu.memref_squeeze %dma_wait3A_66 : memref<1x128xi32, #tpu.memory_space<vmem>> -> memref<128xi32, #tpu.memory_space<vmem>>
    %dma_wait3A_68 = arith.constant 0 : i32
    %dma_wait3A_69 = arith.constant 0 : i32
    %dma_wait3A_70 = tpu.memref_slice %arg12[%dma_wait3A_68, %dma_wait3A_69] : memref<10240x128xf32, #tpu.memory_space<vmem_shared>> -> memref<10240x128xf32, #tpu.memory_space<vmem_shared>>
    tpu.wait_indirect_dma semaphore(%arg10 : memref<!tpu.dma_semaphore, #tpu.memory_space<semaphore_mem>>) src(%arg7 : memref<128x128xf32, #tpu.memory_space<vmem>>) dst(%dma_wait3A_70 : memref<10240x128xf32, #tpu.memory_space<vmem_shared>>)
    %dma_start3A_71 = arith.constant 78 : i32
    %dma_start3A_72 = arith.constant 0 : i32
    %dma_start3A_73 = tpu.memref_slice %arg6[%dma_start3A_71, %dma_start3A_72] : memref<79x128xi32, #tpu.memory_space<vmem>> -> memref<1x128xi32, #tpu.memory_space<vmem>>
    %dma_start3A_74 = tpu.memref_squeeze %dma_start3A_73 : memref<1x128xi32, #tpu.memory_space<vmem>> -> memref<128xi32, #tpu.memory_space<vmem>>
    %dma_start3A_75 = arith.constant 0 : i32
    %dma_start3A_76 = arith.constant 0 : i32
    %dma_start3A_77 = tpu.memref_slice %arg12[%dma_start3A_75, %dma_start3A_76] : memref<10240x128xf32, #tpu.memory_space<vmem_shared>> -> memref<10240x128xf32, #tpu.memory_space<vmem_shared>>
    tpu.enqueue_indirect_dma source(%arg7 : memref<128x128xf32, #tpu.memory_space<vmem>>) target(%dma_start3A_77 : memref<10240x128xf32, #tpu.memory_space<vmem_shared>>) offsets(%dma_start3A_74 : memref<128xi32, #tpu.memory_space<vmem>>) semaphore(%arg10 : memref<!tpu.dma_semaphore, #tpu.memory_space<semaphore_mem>>) {add = true}
    %dma_wait3A_78 = arith.constant 75 : i32
    %dma_wait3A_79 = arith.constant 0 : i32
    %dma_wait3A_80 = tpu.memref_slice %arg6[%dma_wait3A_78, %dma_wait3A_79] : memref<79x128xi32, #tpu.memory_space<vmem>> -> memref<1x128xi32, #tpu.memory_space<vmem>>
    %dma_wait3A_81 = tpu.memref_squeeze %dma_wait3A_80 : memref<1x128xi32, #tpu.memory_space<vmem>> -> memref<128xi32, #tpu.memory_space<vmem>>
    %dma_wait3A_82 = arith.constant 0 : i32
    %dma_wait3A_83 = arith.constant 0 : i32
    %dma_wait3A_84 = tpu.memref_slice %arg12[%dma_wait3A_82, %dma_wait3A_83] : memref<10240x128xf32, #tpu.memory_space<vmem_shared>> -> memref<10240x128xf32, #tpu.memory_space<vmem_shared>>
    tpu.wait_indirect_dma semaphore(%arg11 : memref<!tpu.dma_semaphore, #tpu.memory_space<semaphore_mem>>) src(%arg7 : memref<128x128xf32, #tpu.memory_space<vmem>>) dst(%dma_wait3A_84 : memref<10240x128xf32, #tpu.memory_space<vmem_shared>>)
    %dma_wait3A_85 = arith.constant 76 : i32
    %dma_wait3A_86 = arith.constant 0 : i32
    %dma_wait3A_87 = tpu.memref_slice %arg6[%dma_wait3A_85, %dma_wait3A_86] : memref<79x128xi32, #tpu.memory_space<vmem>> -> memref<1x128xi32, #tpu.memory_space<vmem>>
    %dma_wait3A_88 = tpu.memref_squeeze %dma_wait3A_87 : memref<1x128xi32, #tpu.memory_space<vmem>> -> memref<128xi32, #tpu.memory_space<vmem>>
    %dma_wait3A_89 = arith.constant 0 : i32
    %dma_wait3A_90 = arith.constant 0 : i32
    %dma_wait3A_91 = tpu.memref_slice %arg12[%dma_wait3A_89, %dma_wait3A_90] : memref<10240x128xf32, #tpu.memory_space<vmem_shared>> -> memref<10240x128xf32, #tpu.memory_space<vmem_shared>>
    tpu.wait_indirect_dma semaphore(%arg8 : memref<!tpu.dma_semaphore, #tpu.memory_space<semaphore_mem>>) src(%arg7 : memref<128x128xf32, #tpu.memory_space<vmem>>) dst(%dma_wait3A_91 : memref<10240x128xf32, #tpu.memory_space<vmem_shared>>)
    %dma_wait3A_92 = arith.constant 77 : i32
    %dma_wait3A_93 = arith.constant 0 : i32
    %dma_wait3A_94 = tpu.memref_slice %arg6[%dma_wait3A_92, %dma_wait3A_93] : memref<79x128xi32, #tpu.memory_space<vmem>> -> memref<1x128xi32, #tpu.memory_space<vmem>>
    %dma_wait3A_95 = tpu.memref_squeeze %dma_wait3A_94 : memref<1x128xi32, #tpu.memory_space<vmem>> -> memref<128xi32, #tpu.memory_space<vmem>>
    %dma_wait3A_96 = arith.constant 0 : i32
    %dma_wait3A_97 = arith.constant 0 : i32
    %dma_wait3A_98 = tpu.memref_slice %arg12[%dma_wait3A_96, %dma_wait3A_97] : memref<10240x128xf32, #tpu.memory_space<vmem_shared>> -> memref<10240x128xf32, #tpu.memory_space<vmem_shared>>
    tpu.wait_indirect_dma semaphore(%arg9 : memref<!tpu.dma_semaphore, #tpu.memory_space<semaphore_mem>>) src(%arg7 : memref<128x128xf32, #tpu.memory_space<vmem>>) dst(%dma_wait3A_98 : memref<10240x128xf32, #tpu.memory_space<vmem_shared>>)
    %dma_wait3A_99 = arith.constant 78 : i32
    %dma_wait3A_100 = arith.constant 0 : i32
    %dma_wait3A_101 = tpu.memref_slice %arg6[%dma_wait3A_99, %dma_wait3A_100] : memref<79x128xi32, #tpu.memory_space<vmem>> -> memref<1x128xi32, #tpu.memory_space<vmem>>
    %dma_wait3A_102 = tpu.memref_squeeze %dma_wait3A_101 : memref<1x128xi32, #tpu.memory_space<vmem>> -> memref<128xi32, #tpu.memory_space<vmem>>
    %dma_wait3A_103 = arith.constant 0 : i32
    %dma_wait3A_104 = arith.constant 0 : i32
    %dma_wait3A_105 = tpu.memref_slice %arg12[%dma_wait3A_103, %dma_wait3A_104] : memref<10240x128xf32, #tpu.memory_space<vmem_shared>> -> memref<10240x128xf32, #tpu.memory_space<vmem_shared>>
    tpu.wait_indirect_dma semaphore(%arg10 : memref<!tpu.dma_semaphore, #tpu.memory_space<semaphore_mem>>) src(%arg7 : memref<128x128xf32, #tpu.memory_space<vmem>>) dst(%dma_wait3A_105 : memref<10240x128xf32, #tpu.memory_space<vmem_shared>>)
    %barrier3A_106 = arith.constant 0 : index
    tpu.barrier barrier_id(%barrier3A_106)
    %mul3A_107 = arith.constant 640 : i32
    %mul3A_108 = arith.muli %arg1, %mul3A_107 : i32
    %mul3A_109 = arith.constant 640 : i32
    %mul3A_110 = arith.muli %arg1, %mul3A_109 : i32
    "tpu.region"() ({
      %run_scoped3A = tpu.sem_alloc : memref<!tpu.dma_semaphore, #tpu.memory_space<semaphore_mem>>
      %dma_start3A_111 = arith.constant 0 : i32
      %dma_start3A_112 = tpu.memref_slice %arg5[%arg0, %mul3A_110, %dma_start3A_111] : memref<2x10240x128xf32, #tpu.memory_space<hbm>> -> memref<1x640x128xf32, #tpu.memory_space<hbm>>
      %dma_start3A_113 = tpu.memref_squeeze %dma_start3A_112 : memref<1x640x128xf32, #tpu.memory_space<hbm>> -> memref<640x128xf32, #tpu.memory_space<hbm>>
      %dma_start3A_114 = arith.constant 0 : i32
      %dma_start3A_115 = tpu.memref_slice %arg12[%mul3A_108, %dma_start3A_114] : memref<10240x128xf32, #tpu.memory_space<vmem_shared>> -> memref<640x128xf32, #tpu.memory_space<vmem_shared>>
      tpu.enqueue_dma source(%dma_start3A_115 : memref<640x128xf32, #tpu.memory_space<vmem_shared>>) target(%dma_start3A_113 : memref<640x128xf32, #tpu.memory_space<hbm>>) target_semaphore(%run_scoped3A : memref<!tpu.dma_semaphore, #tpu.memory_space<semaphore_mem>>)
      %dma_wait3A_116 = arith.constant 0 : i32
      %dma_wait3A_117 = tpu.memref_slice %arg5[%arg0, %mul3A_110, %dma_wait3A_116] : memref<2x10240x128xf32, #tpu.memory_space<hbm>> -> memref<1x640x128xf32, #tpu.memory_space<hbm>>
      %dma_wait3A_118 = tpu.memref_squeeze %dma_wait3A_117 : memref<1x640x128xf32, #tpu.memory_space<hbm>> -> memref<640x128xf32, #tpu.memory_space<hbm>>
      %dma_wait3A_119 = arith.constant 0 : i32
      %dma_wait3A_120 = tpu.memref_slice %arg12[%mul3A_108, %dma_wait3A_119] : memref<10240x128xf32, #tpu.memory_space<vmem_shared>> -> memref<640x128xf32, #tpu.memory_space<vmem_shared>>
      tpu.wait_dma2 semaphore(%run_scoped3A : memref<!tpu.dma_semaphore, #tpu.memory_space<semaphore_mem>>) src(%dma_wait3A_120 : memref<640x128xf32, #tpu.memory_space<vmem_shared>>) dst(%dma_wait3A_118 : memref<640x128xf32, #tpu.memory_space<hbm>>)
      tpu.yield
    }) : () -> ()
    return
  }
}

#map = affine_map<(d0, d1) -> (0, 0)>
#map1 = affine_map<(d0, d1) -> (0, 0, 0)>
module attributes {stable_mosaic.version = 14 : i64} {
  func.func @_sc_scatter_body(%arg0: i32, %arg1: i32, %arg2: memref<10000x128xf32, #tpu.memory_space<hbm>>, %arg3: memref<32x79x128xi32, #tpu.memory_space<hbm>>, %arg4: memref<32x79x128xi32, #tpu.memory_space<hbm>>, %arg5: memref<10240x128xf32, #tpu.memory_space<hbm>>, %arg6: memref<2x10240x128xf32, #tpu.memory_space<hbm>>, %arg7: memref<79x128xi32, #tpu.memory_space<vmem>>, %arg8: memref<2x1x128xi32, #tpu.memory_space<vmem>>, %arg9: memref<2x128x128xf32, #tpu.memory_space<vmem>>, %arg10: memref<!tpu.dma_semaphore, #tpu.memory_space<semaphore_mem>>, %arg11: memref<!tpu.dma_semaphore, #tpu.memory_space<semaphore_mem>>, %arg12: memref<!tpu.dma_semaphore, #tpu.memory_space<semaphore_mem>>, %arg13: memref<!tpu.dma_semaphore, #tpu.memory_space<semaphore_mem>>, %arg14: memref<!tpu.dma_semaphore, #tpu.memory_space<semaphore_mem>>, %arg15: memref<!tpu.dma_semaphore, #tpu.memory_space<semaphore_mem>>, %arg16: memref<10240x128xf32, #tpu.memory_space<vmem_shared>>) attributes {dimension_semantics = [#tpu.dimension_semantics<core_parallel>, #tpu.dimension_semantics<subcore_parallel>], iteration_bounds = array<i64: 2, 16>, scalar_prefetch = 0 : i64, scratch_operands = 10 : i64, tpu.core_type = #tpu.core_type<sc_vector_subcore>, window_params = [{transform_indices = #map}, {transform_indices = #map1}, {transform_indices = #map1}, {transform_indices = #map}, {transform_indices = #map1}]} {
    %mul3A = arith.constant 2 : i32
    %mul3A_0 = arith.muli %arg1, %mul3A : i32
    %add3A = arith.addi %mul3A_0, %arg0 : i32
    %mul3A_1 = arith.constant 640 : i32
    %mul3A_2 = arith.muli %arg1, %mul3A_1 : i32
    %mul3A_3 = arith.constant 640 : i32
    %mul3A_4 = arith.muli %arg1, %mul3A_3 : i32
    "tpu.region"() ({
      %run_scoped3A = tpu.sem_alloc : memref<!tpu.dma_semaphore, #tpu.memory_space<semaphore_mem>>
      %dma_start3A_265 = arith.constant 0 : i32
      %dma_start3A_266 = tpu.memref_slice %arg16[%mul3A_4, %dma_start3A_265] : memref<10240x128xf32, #tpu.memory_space<vmem_shared>> -> memref<640x128xf32, #tpu.memory_space<vmem_shared>>
      %dma_start3A_267 = arith.constant 0 : i32
      %dma_start3A_268 = tpu.memref_slice %arg5[%mul3A_2, %dma_start3A_267] : memref<10240x128xf32, #tpu.memory_space<hbm>> -> memref<640x128xf32, #tpu.memory_space<hbm>>
      tpu.enqueue_dma source(%dma_start3A_268 : memref<640x128xf32, #tpu.memory_space<hbm>>) target(%dma_start3A_266 : memref<640x128xf32, #tpu.memory_space<vmem_shared>>) target_semaphore(%run_scoped3A : memref<!tpu.dma_semaphore, #tpu.memory_space<semaphore_mem>>)
      %dma_wait3A_269 = arith.constant 0 : i32
      %dma_wait3A_270 = tpu.memref_slice %arg16[%mul3A_4, %dma_wait3A_269] : memref<10240x128xf32, #tpu.memory_space<vmem_shared>> -> memref<640x128xf32, #tpu.memory_space<vmem_shared>>
      %dma_wait3A_271 = arith.constant 0 : i32
      %dma_wait3A_272 = tpu.memref_slice %arg5[%mul3A_2, %dma_wait3A_271] : memref<10240x128xf32, #tpu.memory_space<hbm>> -> memref<640x128xf32, #tpu.memory_space<hbm>>
      tpu.wait_dma2 semaphore(%run_scoped3A : memref<!tpu.dma_semaphore, #tpu.memory_space<semaphore_mem>>) src(%dma_wait3A_272 : memref<640x128xf32, #tpu.memory_space<hbm>>) dst(%dma_wait3A_270 : memref<640x128xf32, #tpu.memory_space<vmem_shared>>)
      tpu.yield
    }) : () -> ()
    "tpu.region"() ({
      %run_scoped3A = tpu.sem_alloc : memref<!tpu.dma_semaphore, #tpu.memory_space<semaphore_mem>>
      %dma_start3A_265 = arith.constant 0 : i32
      %dma_start3A_266 = arith.constant 0 : i32
      %dma_start3A_267 = tpu.memref_slice %arg3[%add3A, %dma_start3A_265, %dma_start3A_266] : memref<32x79x128xi32, #tpu.memory_space<hbm>> -> memref<1x79x128xi32, #tpu.memory_space<hbm>>
      %dma_start3A_268 = tpu.memref_squeeze %dma_start3A_267 : memref<1x79x128xi32, #tpu.memory_space<hbm>> -> memref<79x128xi32, #tpu.memory_space<hbm>>
      %dma_start3A_269 = arith.constant 0 : i32
      %dma_start3A_270 = arith.constant 0 : i32
      %dma_start3A_271 = tpu.memref_slice %arg3[%add3A, %dma_start3A_269, %dma_start3A_270] : memref<32x79x128xi32, #tpu.memory_space<hbm>> -> memref<1x79x128xi32, #tpu.memory_space<hbm>>
      %dma_start3A_272 = tpu.memref_squeeze %dma_start3A_271 : memref<1x79x128xi32, #tpu.memory_space<hbm>> -> memref<79x128xi32, #tpu.memory_space<hbm>>
      tpu.enqueue_dma source(%dma_start3A_272 : memref<79x128xi32, #tpu.memory_space<hbm>>) target(%arg7 : memref<79x128xi32, #tpu.memory_space<vmem>>) target_semaphore(%run_scoped3A : memref<!tpu.dma_semaphore, #tpu.memory_space<semaphore_mem>>)
      %dma_wait3A_273 = arith.constant 0 : i32
      %dma_wait3A_274 = arith.constant 0 : i32
      %dma_wait3A_275 = tpu.memref_slice %arg3[%add3A, %dma_wait3A_273, %dma_wait3A_274] : memref<32x79x128xi32, #tpu.memory_space<hbm>> -> memref<1x79x128xi32, #tpu.memory_space<hbm>>
      %dma_wait3A_276 = tpu.memref_squeeze %dma_wait3A_275 : memref<1x79x128xi32, #tpu.memory_space<hbm>> -> memref<79x128xi32, #tpu.memory_space<hbm>>
      %dma_wait3A_277 = arith.constant 0 : i32
      %dma_wait3A_278 = arith.constant 0 : i32
      %dma_wait3A_279 = tpu.memref_slice %arg3[%add3A, %dma_wait3A_277, %dma_wait3A_278] : memref<32x79x128xi32, #tpu.memory_space<hbm>> -> memref<1x79x128xi32, #tpu.memory_space<hbm>>
      %dma_wait3A_280 = tpu.memref_squeeze %dma_wait3A_279 : memref<1x79x128xi32, #tpu.memory_space<hbm>> -> memref<79x128xi32, #tpu.memory_space<hbm>>
      tpu.wait_dma2 semaphore(%run_scoped3A : memref<!tpu.dma_semaphore, #tpu.memory_space<semaphore_mem>>) src(%dma_wait3A_280 : memref<79x128xi32, #tpu.memory_space<hbm>>) dst(%arg7 : memref<79x128xi32, #tpu.memory_space<vmem>>)
      tpu.yield
    }) : () -> ()
    %barrier3A = arith.constant 0 : index
    tpu.barrier barrier_id(%barrier3A)
    %dma_start3A = arith.constant 0 : i32
    %dma_start3A_5 = arith.constant 0 : i32
    %dma_start3A_6 = arith.constant 0 : i32
    %dma_start3A_7 = arith.constant 0 : i32
    %dma_start3A_8 = tpu.memref_slice %arg9[%dma_start3A_5, %dma_start3A_6, %dma_start3A_7] : memref<2x128x128xf32, #tpu.memory_space<vmem>> -> memref<1x128x128xf32, #tpu.memory_space<vmem>>
    %dma_start3A_9 = tpu.memref_squeeze %dma_start3A_8 : memref<1x128x128xf32, #tpu.memory_space<vmem>> -> memref<128x128xf32, #tpu.memory_space<vmem>>
    %dma_start3A_10 = arith.constant 0 : i32
    %dma_start3A_11 = tpu.memref_slice %arg7[%dma_start3A, %dma_start3A_10] : memref<79x128xi32, #tpu.memory_space<vmem>> -> memref<1x128xi32, #tpu.memory_space<vmem>>
    %dma_start3A_12 = tpu.memref_squeeze %dma_start3A_11 : memref<1x128xi32, #tpu.memory_space<vmem>> -> memref<128xi32, #tpu.memory_space<vmem>>
    %dma_start3A_13 = arith.constant 0 : i32
    %dma_start3A_14 = arith.constant 0 : i32
    %dma_start3A_15 = tpu.memref_slice %arg2[%dma_start3A_13, %dma_start3A_14] : memref<10000x128xf32, #tpu.memory_space<hbm>> -> memref<10000x128xf32, #tpu.memory_space<hbm>>
    tpu.enqueue_indirect_dma source(%dma_start3A_15 : memref<10000x128xf32, #tpu.memory_space<hbm>>) target(%dma_start3A_9 : memref<128x128xf32, #tpu.memory_space<vmem>>) offsets(%dma_start3A_12 : memref<128xi32, #tpu.memory_space<vmem>>) semaphore(%arg10 : memref<!tpu.dma_semaphore, #tpu.memory_space<semaphore_mem>>)
    %dma_start3A_16 = arith.constant 0 : i32
    %dma_start3A_17 = arith.constant 0 : i32
    %dma_start3A_18 = arith.constant 0 : i32
    %dma_start3A_19 = tpu.memref_slice %arg8[%dma_start3A_16, %dma_start3A_17, %dma_start3A_18] : memref<2x1x128xi32, #tpu.memory_space<vmem>> -> memref<1x1x128xi32, #tpu.memory_space<vmem>>
    %dma_start3A_20 = tpu.memref_squeeze %dma_start3A_19 : memref<1x1x128xi32, #tpu.memory_space<vmem>> -> memref<1x128xi32, #tpu.memory_space<vmem>>
    %dma_start3A_21 = arith.constant 0 : i32
    %dma_start3A_22 = arith.constant 0 : i32
    %dma_start3A_23 = tpu.memref_slice %arg4[%add3A, %dma_start3A_21, %dma_start3A_22] : memref<32x79x128xi32, #tpu.memory_space<hbm>> -> memref<1x1x128xi32, #tpu.memory_space<hbm>>
    %dma_start3A_24 = tpu.memref_squeeze %dma_start3A_23 : memref<1x1x128xi32, #tpu.memory_space<hbm>> -> memref<1x128xi32, #tpu.memory_space<hbm>>
    %dma_start3A_25 = arith.constant 0 : i32
    %dma_start3A_26 = arith.constant 0 : i32
    %dma_start3A_27 = tpu.memref_slice %arg8[%dma_start3A_16, %dma_start3A_25, %dma_start3A_26] : memref<2x1x128xi32, #tpu.memory_space<vmem>> -> memref<1x1x128xi32, #tpu.memory_space<vmem>>
    %dma_start3A_28 = tpu.memref_squeeze %dma_start3A_27 : memref<1x1x128xi32, #tpu.memory_space<vmem>> -> memref<1x128xi32, #tpu.memory_space<vmem>>
    %dma_start3A_29 = arith.constant 0 : i32
    %dma_start3A_30 = arith.constant 0 : i32
    %dma_start3A_31 = tpu.memref_slice %arg4[%add3A, %dma_start3A_29, %dma_start3A_30] : memref<32x79x128xi32, #tpu.memory_space<hbm>> -> memref<1x1x128xi32, #tpu.memory_space<hbm>>
    %dma_start3A_32 = tpu.memref_squeeze %dma_start3A_31 : memref<1x1x128xi32, #tpu.memory_space<hbm>> -> memref<1x128xi32, #tpu.memory_space<hbm>>
    tpu.enqueue_dma source(%dma_start3A_32 : memref<1x128xi32, #tpu.memory_space<hbm>>) target(%dma_start3A_28 : memref<1x128xi32, #tpu.memory_space<vmem>>) target_semaphore(%arg12 : memref<!tpu.dma_semaphore, #tpu.memory_space<semaphore_mem>>)
    %dma_start3A_33 = arith.constant 1 : i32
    %dma_start3A_34 = arith.constant 1 : i32
    %dma_start3A_35 = arith.constant 0 : i32
    %dma_start3A_36 = arith.constant 0 : i32
    %dma_start3A_37 = tpu.memref_slice %arg9[%dma_start3A_34, %dma_start3A_35, %dma_start3A_36] : memref<2x128x128xf32, #tpu.memory_space<vmem>> -> memref<1x128x128xf32, #tpu.memory_space<vmem>>
    %dma_start3A_38 = tpu.memref_squeeze %dma_start3A_37 : memref<1x128x128xf32, #tpu.memory_space<vmem>> -> memref<128x128xf32, #tpu.memory_space<vmem>>
    %dma_start3A_39 = arith.constant 0 : i32
    %dma_start3A_40 = tpu.memref_slice %arg7[%dma_start3A_33, %dma_start3A_39] : memref<79x128xi32, #tpu.memory_space<vmem>> -> memref<1x128xi32, #tpu.memory_space<vmem>>
    %dma_start3A_41 = tpu.memref_squeeze %dma_start3A_40 : memref<1x128xi32, #tpu.memory_space<vmem>> -> memref<128xi32, #tpu.memory_space<vmem>>
    %dma_start3A_42 = arith.constant 0 : i32
    %dma_start3A_43 = arith.constant 0 : i32
    %dma_start3A_44 = tpu.memref_slice %arg2[%dma_start3A_42, %dma_start3A_43] : memref<10000x128xf32, #tpu.memory_space<hbm>> -> memref<10000x128xf32, #tpu.memory_space<hbm>>
    tpu.enqueue_indirect_dma source(%dma_start3A_44 : memref<10000x128xf32, #tpu.memory_space<hbm>>) target(%dma_start3A_38 : memref<128x128xf32, #tpu.memory_space<vmem>>) offsets(%dma_start3A_41 : memref<128xi32, #tpu.memory_space<vmem>>) semaphore(%arg11 : memref<!tpu.dma_semaphore, #tpu.memory_space<semaphore_mem>>)
    %dma_start3A_45 = arith.constant 1 : i32
    %dma_start3A_46 = arith.constant 0 : i32
    %dma_start3A_47 = arith.constant 0 : i32
    %dma_start3A_48 = tpu.memref_slice %arg8[%dma_start3A_45, %dma_start3A_46, %dma_start3A_47] : memref<2x1x128xi32, #tpu.memory_space<vmem>> -> memref<1x1x128xi32, #tpu.memory_space<vmem>>
    %dma_start3A_49 = tpu.memref_squeeze %dma_start3A_48 : memref<1x1x128xi32, #tpu.memory_space<vmem>> -> memref<1x128xi32, #tpu.memory_space<vmem>>
    %dma_start3A_50 = arith.constant 1 : i32
    %dma_start3A_51 = arith.constant 0 : i32
    %dma_start3A_52 = tpu.memref_slice %arg4[%add3A, %dma_start3A_50, %dma_start3A_51] : memref<32x79x128xi32, #tpu.memory_space<hbm>> -> memref<1x1x128xi32, #tpu.memory_space<hbm>>
    %dma_start3A_53 = tpu.memref_squeeze %dma_start3A_52 : memref<1x1x128xi32, #tpu.memory_space<hbm>> -> memref<1x128xi32, #tpu.memory_space<hbm>>
    %dma_start3A_54 = arith.constant 0 : i32
    %dma_start3A_55 = arith.constant 0 : i32
    %dma_start3A_56 = tpu.memref_slice %arg8[%dma_start3A_45, %dma_start3A_54, %dma_start3A_55] : memref<2x1x128xi32, #tpu.memory_space<vmem>> -> memref<1x1x128xi32, #tpu.memory_space<vmem>>
    %dma_start3A_57 = tpu.memref_squeeze %dma_start3A_56 : memref<1x1x128xi32, #tpu.memory_space<vmem>> -> memref<1x128xi32, #tpu.memory_space<vmem>>
    %dma_start3A_58 = arith.constant 1 : i32
    %dma_start3A_59 = arith.constant 0 : i32
    %dma_start3A_60 = tpu.memref_slice %arg4[%add3A, %dma_start3A_58, %dma_start3A_59] : memref<32x79x128xi32, #tpu.memory_space<hbm>> -> memref<1x1x128xi32, #tpu.memory_space<hbm>>
    %dma_start3A_61 = tpu.memref_squeeze %dma_start3A_60 : memref<1x1x128xi32, #tpu.memory_space<hbm>> -> memref<1x128xi32, #tpu.memory_space<hbm>>
    tpu.enqueue_dma source(%dma_start3A_61 : memref<1x128xi32, #tpu.memory_space<hbm>>) target(%dma_start3A_57 : memref<1x128xi32, #tpu.memory_space<vmem>>) target_semaphore(%arg13 : memref<!tpu.dma_semaphore, #tpu.memory_space<semaphore_mem>>)
    %dma_wait3A = arith.constant 0 : i32
    %dma_wait3A_62 = arith.constant 0 : i32
    %dma_wait3A_63 = arith.constant 0 : i32
    %dma_wait3A_64 = arith.constant 0 : i32
    %dma_wait3A_65 = tpu.memref_slice %arg9[%dma_wait3A_62, %dma_wait3A_63, %dma_wait3A_64] : memref<2x128x128xf32, #tpu.memory_space<vmem>> -> memref<1x128x128xf32, #tpu.memory_space<vmem>>
    %dma_wait3A_66 = tpu.memref_squeeze %dma_wait3A_65 : memref<1x128x128xf32, #tpu.memory_space<vmem>> -> memref<128x128xf32, #tpu.memory_space<vmem>>
    %dma_wait3A_67 = arith.constant 0 : i32
    %dma_wait3A_68 = tpu.memref_slice %arg7[%dma_wait3A, %dma_wait3A_67] : memref<79x128xi32, #tpu.memory_space<vmem>> -> memref<1x128xi32, #tpu.memory_space<vmem>>
    %dma_wait3A_69 = tpu.memref_squeeze %dma_wait3A_68 : memref<1x128xi32, #tpu.memory_space<vmem>> -> memref<128xi32, #tpu.memory_space<vmem>>
    %dma_wait3A_70 = arith.constant 0 : i32
    %dma_wait3A_71 = arith.constant 0 : i32
    %dma_wait3A_72 = tpu.memref_slice %arg2[%dma_wait3A_70, %dma_wait3A_71] : memref<10000x128xf32, #tpu.memory_space<hbm>> -> memref<10000x128xf32, #tpu.memory_space<hbm>>
    tpu.wait_indirect_dma semaphore(%arg10 : memref<!tpu.dma_semaphore, #tpu.memory_space<semaphore_mem>>) src(%dma_wait3A_72 : memref<10000x128xf32, #tpu.memory_space<hbm>>) dst(%dma_wait3A_66 : memref<128x128xf32, #tpu.memory_space<vmem>>)
    %dma_wait3A_73 = arith.constant 0 : i32
    %dma_wait3A_74 = arith.constant 0 : i32
    %dma_wait3A_75 = arith.constant 0 : i32
    %dma_wait3A_76 = tpu.memref_slice %arg8[%dma_wait3A_73, %dma_wait3A_74, %dma_wait3A_75] : memref<2x1x128xi32, #tpu.memory_space<vmem>> -> memref<1x1x128xi32, #tpu.memory_space<vmem>>
    %dma_wait3A_77 = tpu.memref_squeeze %dma_wait3A_76 : memref<1x1x128xi32, #tpu.memory_space<vmem>> -> memref<1x128xi32, #tpu.memory_space<vmem>>
    %dma_wait3A_78 = arith.constant 0 : i32
    %dma_wait3A_79 = arith.constant 0 : i32
    %dma_wait3A_80 = tpu.memref_slice %arg4[%add3A, %dma_wait3A_78, %dma_wait3A_79] : memref<32x79x128xi32, #tpu.memory_space<hbm>> -> memref<1x1x128xi32, #tpu.memory_space<hbm>>
    %dma_wait3A_81 = tpu.memref_squeeze %dma_wait3A_80 : memref<1x1x128xi32, #tpu.memory_space<hbm>> -> memref<1x128xi32, #tpu.memory_space<hbm>>
    %dma_wait3A_82 = arith.constant 0 : i32
    %dma_wait3A_83 = arith.constant 0 : i32
    %dma_wait3A_84 = tpu.memref_slice %arg8[%dma_wait3A_73, %dma_wait3A_82, %dma_wait3A_83] : memref<2x1x128xi32, #tpu.memory_space<vmem>> -> memref<1x1x128xi32, #tpu.memory_space<vmem>>
    %dma_wait3A_85 = tpu.memref_squeeze %dma_wait3A_84 : memref<1x1x128xi32, #tpu.memory_space<vmem>> -> memref<1x128xi32, #tpu.memory_space<vmem>>
    %dma_wait3A_86 = arith.constant 0 : i32
    %dma_wait3A_87 = arith.constant 0 : i32
    %dma_wait3A_88 = tpu.memref_slice %arg4[%add3A, %dma_wait3A_86, %dma_wait3A_87] : memref<32x79x128xi32, #tpu.memory_space<hbm>> -> memref<1x1x128xi32, #tpu.memory_space<hbm>>
    %dma_wait3A_89 = tpu.memref_squeeze %dma_wait3A_88 : memref<1x1x128xi32, #tpu.memory_space<hbm>> -> memref<1x128xi32, #tpu.memory_space<hbm>>
    tpu.wait_dma2 semaphore(%arg12 : memref<!tpu.dma_semaphore, #tpu.memory_space<semaphore_mem>>) src(%dma_wait3A_89 : memref<1x128xi32, #tpu.memory_space<hbm>>) dst(%dma_wait3A_85 : memref<1x128xi32, #tpu.memory_space<vmem>>)
    %dma_start3A_90 = arith.constant 0 : i32
    %dma_start3A_91 = arith.constant 0 : i32
    %dma_start3A_92 = arith.constant 0 : i32
    %dma_start3A_93 = arith.constant 0 : i32
    %dma_start3A_94 = arith.constant 0 : i32
    %dma_start3A_95 = tpu.memref_slice %arg9[%dma_start3A_90, %dma_start3A_93, %dma_start3A_94] : memref<2x128x128xf32, #tpu.memory_space<vmem>> -> memref<1x128x128xf32, #tpu.memory_space<vmem>>
    %dma_start3A_96 = tpu.memref_squeeze %dma_start3A_95 : memref<1x128x128xf32, #tpu.memory_space<vmem>> -> memref<128x128xf32, #tpu.memory_space<vmem>>
    %dma_start3A_97 = arith.constant 0 : i32
    %dma_start3A_98 = tpu.memref_slice %arg8[%dma_start3A_91, %dma_start3A_92, %dma_start3A_97] : memref<2x1x128xi32, #tpu.memory_space<vmem>> -> memref<1x1x128xi32, #tpu.memory_space<vmem>>
    %dma_start3A_99 = tpu.memref_squeeze %dma_start3A_98 : memref<1x1x128xi32, #tpu.memory_space<vmem>> -> memref<128xi32, #tpu.memory_space<vmem>>
    %dma_start3A_100 = arith.constant 0 : i32
    %dma_start3A_101 = arith.constant 0 : i32
    %dma_start3A_102 = tpu.memref_slice %arg16[%dma_start3A_100, %dma_start3A_101] : memref<10240x128xf32, #tpu.memory_space<vmem_shared>> -> memref<10240x128xf32, #tpu.memory_space<vmem_shared>>
    tpu.enqueue_indirect_dma source(%dma_start3A_96 : memref<128x128xf32, #tpu.memory_space<vmem>>) target(%dma_start3A_102 : memref<10240x128xf32, #tpu.memory_space<vmem_shared>>) offsets(%dma_start3A_99 : memref<128xi32, #tpu.memory_space<vmem>>) semaphore(%arg14 : memref<!tpu.dma_semaphore, #tpu.memory_space<semaphore_mem>>) {add = true}
    %dma_wait3A_103 = arith.constant 0 : i32
    %dma_wait3A_104 = arith.constant 0 : i32
    %dma_wait3A_105 = arith.constant 0 : i32
    %dma_wait3A_106 = arith.constant 0 : i32
    %dma_wait3A_107 = arith.constant 0 : i32
    %dma_wait3A_108 = tpu.memref_slice %arg9[%dma_wait3A_103, %dma_wait3A_106, %dma_wait3A_107] : memref<2x128x128xf32, #tpu.memory_space<vmem>> -> memref<1x128x128xf32, #tpu.memory_space<vmem>>
    %dma_wait3A_109 = tpu.memref_squeeze %dma_wait3A_108 : memref<1x128x128xf32, #tpu.memory_space<vmem>> -> memref<128x128xf32, #tpu.memory_space<vmem>>
    %dma_wait3A_110 = arith.constant 0 : i32
    %dma_wait3A_111 = tpu.memref_slice %arg8[%dma_wait3A_104, %dma_wait3A_105, %dma_wait3A_110] : memref<2x1x128xi32, #tpu.memory_space<vmem>> -> memref<1x1x128xi32, #tpu.memory_space<vmem>>
    %dma_wait3A_112 = tpu.memref_squeeze %dma_wait3A_111 : memref<1x1x128xi32, #tpu.memory_space<vmem>> -> memref<128xi32, #tpu.memory_space<vmem>>
    %dma_wait3A_113 = arith.constant 0 : i32
    %dma_wait3A_114 = arith.constant 0 : i32
    %dma_wait3A_115 = tpu.memref_slice %arg16[%dma_wait3A_113, %dma_wait3A_114] : memref<10240x128xf32, #tpu.memory_space<vmem_shared>> -> memref<10240x128xf32, #tpu.memory_space<vmem_shared>>
    tpu.wait_indirect_dma semaphore(%arg14 : memref<!tpu.dma_semaphore, #tpu.memory_space<semaphore_mem>>) src(%dma_wait3A_109 : memref<128x128xf32, #tpu.memory_space<vmem>>) dst(%dma_wait3A_115 : memref<10240x128xf32, #tpu.memory_space<vmem_shared>>)
    %dma_start3A_116 = arith.constant 2 : i32
    %dma_start3A_117 = arith.constant 0 : i32
    %dma_start3A_118 = arith.constant 0 : i32
    %dma_start3A_119 = arith.constant 0 : i32
    %dma_start3A_120 = tpu.memref_slice %arg9[%dma_start3A_117, %dma_start3A_118, %dma_start3A_119] : memref<2x128x128xf32, #tpu.memory_space<vmem>> -> memref<1x128x128xf32, #tpu.memory_space<vmem>>
    %dma_start3A_121 = tpu.memref_squeeze %dma_start3A_120 : memref<1x128x128xf32, #tpu.memory_space<vmem>> -> memref<128x128xf32, #tpu.memory_space<vmem>>
    %dma_start3A_122 = arith.constant 0 : i32
    %dma_start3A_123 = tpu.memref_slice %arg7[%dma_start3A_116, %dma_start3A_122] : memref<79x128xi32, #tpu.memory_space<vmem>> -> memref<1x128xi32, #tpu.memory_space<vmem>>
    %dma_start3A_124 = tpu.memref_squeeze %dma_start3A_123 : memref<1x128xi32, #tpu.memory_space<vmem>> -> memref<128xi32, #tpu.memory_space<vmem>>
    %dma_start3A_125 = arith.constant 0 : i32
    %dma_start3A_126 = arith.constant 0 : i32
    %dma_start3A_127 = tpu.memref_slice %arg2[%dma_start3A_125, %dma_start3A_126] : memref<10000x128xf32, #tpu.memory_space<hbm>> -> memref<10000x128xf32, #tpu.memory_space<hbm>>
    tpu.enqueue_indirect_dma source(%dma_start3A_127 : memref<10000x128xf32, #tpu.memory_space<hbm>>) target(%dma_start3A_121 : memref<128x128xf32, #tpu.memory_space<vmem>>) offsets(%dma_start3A_124 : memref<128xi32, #tpu.memory_space<vmem>>) semaphore(%arg10 : memref<!tpu.dma_semaphore, #tpu.memory_space<semaphore_mem>>)
    %dma_start3A_128 = arith.constant 0 : i32
    %dma_start3A_129 = arith.constant 0 : i32
    %dma_start3A_130 = arith.constant 0 : i32
    %dma_start3A_131 = tpu.memref_slice %arg8[%dma_start3A_128, %dma_start3A_129, %dma_start3A_130] : memref<2x1x128xi32, #tpu.memory_space<vmem>> -> memref<1x1x128xi32, #tpu.memory_space<vmem>>
    %dma_start3A_132 = tpu.memref_squeeze %dma_start3A_131 : memref<1x1x128xi32, #tpu.memory_space<vmem>> -> memref<1x128xi32, #tpu.memory_space<vmem>>
    %dma_start3A_133 = arith.constant 2 : i32
    %dma_start3A_134 = arith.constant 0 : i32
    %dma_start3A_135 = tpu.memref_slice %arg4[%add3A, %dma_start3A_133, %dma_start3A_134] : memref<32x79x128xi32, #tpu.memory_space<hbm>> -> memref<1x1x128xi32, #tpu.memory_space<hbm>>
    %dma_start3A_136 = tpu.memref_squeeze %dma_start3A_135 : memref<1x1x128xi32, #tpu.memory_space<hbm>> -> memref<1x128xi32, #tpu.memory_space<hbm>>
    %dma_start3A_137 = arith.constant 0 : i32
    %dma_start3A_138 = arith.constant 0 : i32
    %dma_start3A_139 = tpu.memref_slice %arg8[%dma_start3A_128, %dma_start3A_137, %dma_start3A_138] : memref<2x1x128xi32, #tpu.memory_space<vmem>> -> memref<1x1x128xi32, #tpu.memory_space<vmem>>
    %dma_start3A_140 = tpu.memref_squeeze %dma_start3A_139 : memref<1x1x128xi32, #tpu.memory_space<vmem>> -> memref<1x128xi32, #tpu.memory_space<vmem>>
    %dma_start3A_141 = arith.constant 2 : i32
    %dma_start3A_142 = arith.constant 0 : i32
    %dma_start3A_143 = tpu.memref_slice %arg4[%add3A, %dma_start3A_141, %dma_start3A_142] : memref<32x79x128xi32, #tpu.memory_space<hbm>> -> memref<1x1x128xi32, #tpu.memory_space<hbm>>
    %dma_start3A_144 = tpu.memref_squeeze %dma_start3A_143 : memref<1x1x128xi32, #tpu.memory_space<hbm>> -> memref<1x128xi32, #tpu.memory_space<hbm>>
    tpu.enqueue_dma source(%dma_start3A_144 : memref<1x128xi32, #tpu.memory_space<hbm>>) target(%dma_start3A_140 : memref<1x128xi32, #tpu.memory_space<vmem>>) target_semaphore(%arg12 : memref<!tpu.dma_semaphore, #tpu.memory_space<semaphore_mem>>)
    %dma_wait3A_145 = arith.constant 1 : i32
    %dma_wait3A_146 = arith.constant 1 : i32
    %dma_wait3A_147 = arith.constant 0 : i32
    %dma_wait3A_148 = arith.constant 0 : i32
    %dma_wait3A_149 = tpu.memref_slice %arg9[%dma_wait3A_146, %dma_wait3A_147, %dma_wait3A_148] : memref<2x128x128xf32, #tpu.memory_space<vmem>> -> memref<1x128x128xf32, #tpu.memory_space<vmem>>
    %dma_wait3A_150 = tpu.memref_squeeze %dma_wait3A_149 : memref<1x128x128xf32, #tpu.memory_space<vmem>> -> memref<128x128xf32, #tpu.memory_space<vmem>>
    %dma_wait3A_151 = arith.constant 0 : i32
    %dma_wait3A_152 = tpu.memref_slice %arg7[%dma_wait3A_145, %dma_wait3A_151] : memref<79x128xi32, #tpu.memory_space<vmem>> -> memref<1x128xi32, #tpu.memory_space<vmem>>
    %dma_wait3A_153 = tpu.memref_squeeze %dma_wait3A_152 : memref<1x128xi32, #tpu.memory_space<vmem>> -> memref<128xi32, #tpu.memory_space<vmem>>
    %dma_wait3A_154 = arith.constant 0 : i32
    %dma_wait3A_155 = arith.constant 0 : i32
    %dma_wait3A_156 = tpu.memref_slice %arg2[%dma_wait3A_154, %dma_wait3A_155] : memref<10000x128xf32, #tpu.memory_space<hbm>> -> memref<10000x128xf32, #tpu.memory_space<hbm>>
    tpu.wait_indirect_dma semaphore(%arg11 : memref<!tpu.dma_semaphore, #tpu.memory_space<semaphore_mem>>) src(%dma_wait3A_156 : memref<10000x128xf32, #tpu.memory_space<hbm>>) dst(%dma_wait3A_150 : memref<128x128xf32, #tpu.memory_space<vmem>>)
    %dma_wait3A_157 = arith.constant 1 : i32
    %dma_wait3A_158 = arith.constant 0 : i32
    %dma_wait3A_159 = arith.constant 0 : i32
    %dma_wait3A_160 = tpu.memref_slice %arg8[%dma_wait3A_157, %dma_wait3A_158, %dma_wait3A_159] : memref<2x1x128xi32, #tpu.memory_space<vmem>> -> memref<1x1x128xi32, #tpu.memory_space<vmem>>
    %dma_wait3A_161 = tpu.memref_squeeze %dma_wait3A_160 : memref<1x1x128xi32, #tpu.memory_space<vmem>> -> memref<1x128xi32, #tpu.memory_space<vmem>>
    %dma_wait3A_162 = arith.constant 1 : i32
    %dma_wait3A_163 = arith.constant 0 : i32
    %dma_wait3A_164 = tpu.memref_slice %arg4[%add3A, %dma_wait3A_162, %dma_wait3A_163] : memref<32x79x128xi32, #tpu.memory_space<hbm>> -> memref<1x1x128xi32, #tpu.memory_space<hbm>>
    %dma_wait3A_165 = tpu.memref_squeeze %dma_wait3A_164 : memref<1x1x128xi32, #tpu.memory_space<hbm>> -> memref<1x128xi32, #tpu.memory_space<hbm>>
    %dma_wait3A_166 = arith.constant 0 : i32
    %dma_wait3A_167 = arith.constant 0 : i32
    %dma_wait3A_168 = tpu.memref_slice %arg8[%dma_wait3A_157, %dma_wait3A_166, %dma_wait3A_167] : memref<2x1x128xi32, #tpu.memory_space<vmem>> -> memref<1x1x128xi32, #tpu.memory_space<vmem>>
    %dma_wait3A_169 = tpu.memref_squeeze %dma_wait3A_168 : memref<1x1x128xi32, #tpu.memory_space<vmem>> -> memref<1x128xi32, #tpu.memory_space<vmem>>
    %dma_wait3A_170 = arith.constant 1 : i32
    %dma_wait3A_171 = arith.constant 0 : i32
    %dma_wait3A_172 = tpu.memref_slice %arg4[%add3A, %dma_wait3A_170, %dma_wait3A_171] : memref<32x79x128xi32, #tpu.memory_space<hbm>> -> memref<1x1x128xi32, #tpu.memory_space<hbm>>
    %dma_wait3A_173 = tpu.memref_squeeze %dma_wait3A_172 : memref<1x1x128xi32, #tpu.memory_space<hbm>> -> memref<1x128xi32, #tpu.memory_space<hbm>>
    tpu.wait_dma2 semaphore(%arg13 : memref<!tpu.dma_semaphore, #tpu.memory_space<semaphore_mem>>) src(%dma_wait3A_173 : memref<1x128xi32, #tpu.memory_space<hbm>>) dst(%dma_wait3A_169 : memref<1x128xi32, #tpu.memory_space<vmem>>)
    %dma_start3A_174 = arith.constant 1 : i32
    %dma_start3A_175 = arith.constant 1 : i32
    %dma_start3A_176 = arith.constant 0 : i32
    %dma_start3A_177 = arith.constant 0 : i32
    %dma_start3A_178 = arith.constant 0 : i32
    %dma_start3A_179 = tpu.memref_slice %arg9[%dma_start3A_174, %dma_start3A_177, %dma_start3A_178] : memref<2x128x128xf32, #tpu.memory_space<vmem>> -> memref<1x128x128xf32, #tpu.memory_space<vmem>>
    %dma_start3A_180 = tpu.memref_squeeze %dma_start3A_179 : memref<1x128x128xf32, #tpu.memory_space<vmem>> -> memref<128x128xf32, #tpu.memory_space<vmem>>
    %dma_start3A_181 = arith.constant 0 : i32
    %dma_start3A_182 = tpu.memref_slice %arg8[%dma_start3A_175, %dma_start3A_176, %dma_start3A_181] : memref<2x1x128xi32, #tpu.memory_space<vmem>> -> memref<1x1x128xi32, #tpu.memory_space<vmem>>
    %dma_start3A_183 = tpu.memref_squeeze %dma_start3A_182 : memref<1x1x128xi32, #tpu.memory_space<vmem>> -> memref<128xi32, #tpu.memory_space<vmem>>
    %dma_start3A_184 = arith.constant 0 : i32
    %dma_start3A_185 = arith.constant 0 : i32
    %dma_start3A_186 = tpu.memref_slice %arg16[%dma_start3A_184, %dma_start3A_185] : memref<10240x128xf32, #tpu.memory_space<vmem_shared>> -> memref<10240x128xf32, #tpu.memory_space<vmem_shared>>
    tpu.enqueue_indirect_dma source(%dma_start3A_180 : memref<128x128xf32, #tpu.memory_space<vmem>>) target(%dma_start3A_186 : memref<10240x128xf32, #tpu.memory_space<vmem_shared>>) offsets(%dma_start3A_183 : memref<128xi32, #tpu.memory_space<vmem>>) semaphore(%arg15 : memref<!tpu.dma_semaphore, #tpu.memory_space<semaphore_mem>>) {add = true}
    %scan3A = arith.constant 0 : i32
    %scan3A_187 = arith.constant 0 : i32
    %scan3A_188 = arith.constant 38 : i32
    %scan3A_189 = arith.addi %scan3A_187, %scan3A_188 : i32
    %scan3A_190 = arith.constant 1 : i32
    scf.for %scan3A_265 = %scan3A_187 to %scan3A_189 step %scan3A_190  : i32 {
      %mul3A_266 = arith.constant 2 : i32
      %mul3A_267 = arith.muli %mul3A_266, %scan3A_265 : i32
      %add3A_268 = arith.constant 3 : i32
      %add3A_269 = arith.addi %add3A_268, %mul3A_267 : i32
      %add3A_270 = arith.constant 0 : i32
      %add3A_271 = arith.addi %add3A_269, %add3A_270 : i32
      %sub3A = arith.constant 2 : i32
      %sub3A_272 = arith.subi %add3A_271, %sub3A : i32
      %dma_wait3A_273 = arith.constant 1 : i32
      %dma_wait3A_274 = arith.constant 1 : i32
      %dma_wait3A_275 = arith.constant 0 : i32
      %dma_wait3A_276 = arith.constant 0 : i32
      %dma_wait3A_277 = arith.constant 0 : i32
      %dma_wait3A_278 = tpu.memref_slice %arg9[%dma_wait3A_273, %dma_wait3A_276, %dma_wait3A_277] : memref<2x128x128xf32, #tpu.memory_space<vmem>> -> memref<1x128x128xf32, #tpu.memory_space<vmem>>
      %dma_wait3A_279 = tpu.memref_squeeze %dma_wait3A_278 : memref<1x128x128xf32, #tpu.memory_space<vmem>> -> memref<128x128xf32, #tpu.memory_space<vmem>>
      %dma_wait3A_280 = arith.constant 0 : i32
      %dma_wait3A_281 = tpu.memref_slice %arg8[%dma_wait3A_274, %dma_wait3A_275, %dma_wait3A_280] : memref<2x1x128xi32, #tpu.memory_space<vmem>> -> memref<1x1x128xi32, #tpu.memory_space<vmem>>
      %dma_wait3A_282 = tpu.memref_squeeze %dma_wait3A_281 : memref<1x1x128xi32, #tpu.memory_space<vmem>> -> memref<128xi32, #tpu.memory_space<vmem>>
      %dma_wait3A_283 = arith.constant 0 : i32
      %dma_wait3A_284 = arith.constant 0 : i32
      %dma_wait3A_285 = tpu.memref_slice %arg16[%dma_wait3A_283, %dma_wait3A_284] : memref<10240x128xf32, #tpu.memory_space<vmem_shared>> -> memref<10240x128xf32, #tpu.memory_space<vmem_shared>>
      tpu.wait_indirect_dma semaphore(%arg15 : memref<!tpu.dma_semaphore, #tpu.memory_space<semaphore_mem>>) src(%dma_wait3A_279 : memref<128x128xf32, #tpu.memory_space<vmem>>) dst(%dma_wait3A_285 : memref<10240x128xf32, #tpu.memory_space<vmem_shared>>)
      %dma_start3A_286 = arith.constant 1 : i32
      %dma_start3A_287 = arith.constant 0 : i32
      %dma_start3A_288 = arith.constant 0 : i32
      %dma_start3A_289 = tpu.memref_slice %arg9[%dma_start3A_286, %dma_start3A_287, %dma_start3A_288] : memref<2x128x128xf32, #tpu.memory_space<vmem>> -> memref<1x128x128xf32, #tpu.memory_space<vmem>>
      %dma_start3A_290 = tpu.memref_squeeze %dma_start3A_289 : memref<1x128x128xf32, #tpu.memory_space<vmem>> -> memref<128x128xf32, #tpu.memory_space<vmem>>
      %dma_start3A_291 = arith.constant 0 : i32
      %dma_start3A_292 = tpu.memref_slice %arg7[%add3A_271, %dma_start3A_291] : memref<79x128xi32, #tpu.memory_space<vmem>> -> memref<1x128xi32, #tpu.memory_space<vmem>>
      %dma_start3A_293 = tpu.memref_squeeze %dma_start3A_292 : memref<1x128xi32, #tpu.memory_space<vmem>> -> memref<128xi32, #tpu.memory_space<vmem>>
      %dma_start3A_294 = arith.constant 0 : i32
      %dma_start3A_295 = arith.constant 0 : i32
      %dma_start3A_296 = tpu.memref_slice %arg2[%dma_start3A_294, %dma_start3A_295] : memref<10000x128xf32, #tpu.memory_space<hbm>> -> memref<10000x128xf32, #tpu.memory_space<hbm>>
      tpu.enqueue_indirect_dma source(%dma_start3A_296 : memref<10000x128xf32, #tpu.memory_space<hbm>>) target(%dma_start3A_290 : memref<128x128xf32, #tpu.memory_space<vmem>>) offsets(%dma_start3A_293 : memref<128xi32, #tpu.memory_space<vmem>>) semaphore(%arg11 : memref<!tpu.dma_semaphore, #tpu.memory_space<semaphore_mem>>)
      %dma_start3A_297 = arith.constant 1 : i32
      %dma_start3A_298 = arith.constant 0 : i32
      %dma_start3A_299 = arith.constant 0 : i32
      %dma_start3A_300 = tpu.memref_slice %arg8[%dma_start3A_297, %dma_start3A_298, %dma_start3A_299] : memref<2x1x128xi32, #tpu.memory_space<vmem>> -> memref<1x1x128xi32, #tpu.memory_space<vmem>>
      %dma_start3A_301 = tpu.memref_squeeze %dma_start3A_300 : memref<1x1x128xi32, #tpu.memory_space<vmem>> -> memref<1x128xi32, #tpu.memory_space<vmem>>
      %dma_start3A_302 = arith.constant 0 : i32
      %dma_start3A_303 = tpu.memref_slice %arg4[%add3A, %add3A_271, %dma_start3A_302] : memref<32x79x128xi32, #tpu.memory_space<hbm>> -> memref<1x1x128xi32, #tpu.memory_space<hbm>>
      %dma_start3A_304 = tpu.memref_squeeze %dma_start3A_303 : memref<1x1x128xi32, #tpu.memory_space<hbm>> -> memref<1x128xi32, #tpu.memory_space<hbm>>
      %dma_start3A_305 = arith.constant 0 : i32
      %dma_start3A_306 = arith.constant 0 : i32
      %dma_start3A_307 = tpu.memref_slice %arg8[%dma_start3A_297, %dma_start3A_305, %dma_start3A_306] : memref<2x1x128xi32, #tpu.memory_space<vmem>> -> memref<1x1x128xi32, #tpu.memory_space<vmem>>
      %dma_start3A_308 = tpu.memref_squeeze %dma_start3A_307 : memref<1x1x128xi32, #tpu.memory_space<vmem>> -> memref<1x128xi32, #tpu.memory_space<vmem>>
      %dma_start3A_309 = arith.constant 0 : i32
      %dma_start3A_310 = tpu.memref_slice %arg4[%add3A, %add3A_271, %dma_start3A_309] : memref<32x79x128xi32, #tpu.memory_space<hbm>> -> memref<1x1x128xi32, #tpu.memory_space<hbm>>
      %dma_start3A_311 = tpu.memref_squeeze %dma_start3A_310 : memref<1x1x128xi32, #tpu.memory_space<hbm>> -> memref<1x128xi32, #tpu.memory_space<hbm>>
      tpu.enqueue_dma source(%dma_start3A_311 : memref<1x128xi32, #tpu.memory_space<hbm>>) target(%dma_start3A_308 : memref<1x128xi32, #tpu.memory_space<vmem>>) target_semaphore(%arg13 : memref<!tpu.dma_semaphore, #tpu.memory_space<semaphore_mem>>)
      %sub3A_312 = arith.constant 1 : i32
      %sub3A_313 = arith.subi %add3A_271, %sub3A_312 : i32
      %dma_wait3A_314 = arith.constant 0 : i32
      %dma_wait3A_315 = arith.constant 0 : i32
      %dma_wait3A_316 = arith.constant 0 : i32
      %dma_wait3A_317 = tpu.memref_slice %arg9[%dma_wait3A_314, %dma_wait3A_315, %dma_wait3A_316] : memref<2x128x128xf32, #tpu.memory_space<vmem>> -> memref<1x128x128xf32, #tpu.memory_space<vmem>>
      %dma_wait3A_318 = tpu.memref_squeeze %dma_wait3A_317 : memref<1x128x128xf32, #tpu.memory_space<vmem>> -> memref<128x128xf32, #tpu.memory_space<vmem>>
      %dma_wait3A_319 = arith.constant 0 : i32
      %dma_wait3A_320 = tpu.memref_slice %arg7[%sub3A_313, %dma_wait3A_319] : memref<79x128xi32, #tpu.memory_space<vmem>> -> memref<1x128xi32, #tpu.memory_space<vmem>>
      %dma_wait3A_321 = tpu.memref_squeeze %dma_wait3A_320 : memref<1x128xi32, #tpu.memory_space<vmem>> -> memref<128xi32, #tpu.memory_space<vmem>>
      %dma_wait3A_322 = arith.constant 0 : i32
      %dma_wait3A_323 = arith.constant 0 : i32
      %dma_wait3A_324 = tpu.memref_slice %arg2[%dma_wait3A_322, %dma_wait3A_323] : memref<10000x128xf32, #tpu.memory_space<hbm>> -> memref<10000x128xf32, #tpu.memory_space<hbm>>
      tpu.wait_indirect_dma semaphore(%arg10 : memref<!tpu.dma_semaphore, #tpu.memory_space<semaphore_mem>>) src(%dma_wait3A_324 : memref<10000x128xf32, #tpu.memory_space<hbm>>) dst(%dma_wait3A_318 : memref<128x128xf32, #tpu.memory_space<vmem>>)
      %sub3A_325 = arith.constant 1 : i32
      %sub3A_326 = arith.subi %add3A_271, %sub3A_325 : i32
      %dma_wait3A_327 = arith.constant 0 : i32
      %dma_wait3A_328 = arith.constant 0 : i32
      %dma_wait3A_329 = arith.constant 0 : i32
      %dma_wait3A_330 = tpu.memref_slice %arg8[%dma_wait3A_327, %dma_wait3A_328, %dma_wait3A_329] : memref<2x1x128xi32, #tpu.memory_space<vmem>> -> memref<1x1x128xi32, #tpu.memory_space<vmem>>
      %dma_wait3A_331 = tpu.memref_squeeze %dma_wait3A_330 : memref<1x1x128xi32, #tpu.memory_space<vmem>> -> memref<1x128xi32, #tpu.memory_space<vmem>>
      %dma_wait3A_332 = arith.constant 0 : i32
      %dma_wait3A_333 = tpu.memref_slice %arg4[%add3A, %sub3A_326, %dma_wait3A_332] : memref<32x79x128xi32, #tpu.memory_space<hbm>> -> memref<1x1x128xi32, #tpu.memory_space<hbm>>
      %dma_wait3A_334 = tpu.memref_squeeze %dma_wait3A_333 : memref<1x1x128xi32, #tpu.memory_space<hbm>> -> memref<1x128xi32, #tpu.memory_space<hbm>>
      %dma_wait3A_335 = arith.constant 0 : i32
      %dma_wait3A_336 = arith.constant 0 : i32
      %dma_wait3A_337 = tpu.memref_slice %arg8[%dma_wait3A_327, %dma_wait3A_335, %dma_wait3A_336] : memref<2x1x128xi32, #tpu.memory_space<vmem>> -> memref<1x1x128xi32, #tpu.memory_space<vmem>>
      %dma_wait3A_338 = tpu.memref_squeeze %dma_wait3A_337 : memref<1x1x128xi32, #tpu.memory_space<vmem>> -> memref<1x128xi32, #tpu.memory_space<vmem>>
      %dma_wait3A_339 = arith.constant 0 : i32
      %dma_wait3A_340 = tpu.memref_slice %arg4[%add3A, %sub3A_326, %dma_wait3A_339] : memref<32x79x128xi32, #tpu.memory_space<hbm>> -> memref<1x1x128xi32, #tpu.memory_space<hbm>>
      %dma_wait3A_341 = tpu.memref_squeeze %dma_wait3A_340 : memref<1x1x128xi32, #tpu.memory_space<hbm>> -> memref<1x128xi32, #tpu.memory_space<hbm>>
      tpu.wait_dma2 semaphore(%arg12 : memref<!tpu.dma_semaphore, #tpu.memory_space<semaphore_mem>>) src(%dma_wait3A_341 : memref<1x128xi32, #tpu.memory_space<hbm>>) dst(%dma_wait3A_338 : memref<1x128xi32, #tpu.memory_space<vmem>>)
      %sub3A_342 = arith.constant 1 : i32
      %sub3A_343 = arith.subi %add3A_271, %sub3A_342 : i32
      %dma_start3A_344 = arith.constant 0 : i32
      %dma_start3A_345 = arith.constant 0 : i32
      %dma_start3A_346 = arith.constant 0 : i32
      %dma_start3A_347 = arith.constant 0 : i32
      %dma_start3A_348 = arith.constant 0 : i32
      %dma_start3A_349 = tpu.memref_slice %arg9[%dma_start3A_344, %dma_start3A_347, %dma_start3A_348] : memref<2x128x128xf32, #tpu.memory_space<vmem>> -> memref<1x128x128xf32, #tpu.memory_space<vmem>>
      %dma_start3A_350 = tpu.memref_squeeze %dma_start3A_349 : memref<1x128x128xf32, #tpu.memory_space<vmem>> -> memref<128x128xf32, #tpu.memory_space<vmem>>
      %dma_start3A_351 = arith.constant 0 : i32
      %dma_start3A_352 = tpu.memref_slice %arg8[%dma_start3A_345, %dma_start3A_346, %dma_start3A_351] : memref<2x1x128xi32, #tpu.memory_space<vmem>> -> memref<1x1x128xi32, #tpu.memory_space<vmem>>
      %dma_start3A_353 = tpu.memref_squeeze %dma_start3A_352 : memref<1x1x128xi32, #tpu.memory_space<vmem>> -> memref<128xi32, #tpu.memory_space<vmem>>
      %dma_start3A_354 = arith.constant 0 : i32
      %dma_start3A_355 = arith.constant 0 : i32
      %dma_start3A_356 = tpu.memref_slice %arg16[%dma_start3A_354, %dma_start3A_355] : memref<10240x128xf32, #tpu.memory_space<vmem_shared>> -> memref<10240x128xf32, #tpu.memory_space<vmem_shared>>
      tpu.enqueue_indirect_dma source(%dma_start3A_350 : memref<128x128xf32, #tpu.memory_space<vmem>>) target(%dma_start3A_356 : memref<10240x128xf32, #tpu.memory_space<vmem_shared>>) offsets(%dma_start3A_353 : memref<128xi32, #tpu.memory_space<vmem>>) semaphore(%arg14 : memref<!tpu.dma_semaphore, #tpu.memory_space<semaphore_mem>>) {add = true}
      %mul3A_357 = arith.constant 2 : i32
      %mul3A_358 = arith.muli %mul3A_357, %scan3A_265 : i32
      %add3A_359 = arith.constant 3 : i32
      %add3A_360 = arith.addi %add3A_359, %mul3A_358 : i32
      %add3A_361 = arith.constant 1 : i32
      %add3A_362 = arith.addi %add3A_360, %add3A_361 : i32
      %sub3A_363 = arith.constant 2 : i32
      %sub3A_364 = arith.subi %add3A_362, %sub3A_363 : i32
      %dma_wait3A_365 = arith.constant 0 : i32
      %dma_wait3A_366 = arith.constant 0 : i32
      %dma_wait3A_367 = arith.constant 0 : i32
      %dma_wait3A_368 = arith.constant 0 : i32
      %dma_wait3A_369 = arith.constant 0 : i32
      %dma_wait3A_370 = tpu.memref_slice %arg9[%dma_wait3A_365, %dma_wait3A_368, %dma_wait3A_369] : memref<2x128x128xf32, #tpu.memory_space<vmem>> -> memref<1x128x128xf32, #tpu.memory_space<vmem>>
      %dma_wait3A_371 = tpu.memref_squeeze %dma_wait3A_370 : memref<1x128x128xf32, #tpu.memory_space<vmem>> -> memref<128x128xf32, #tpu.memory_space<vmem>>
      %dma_wait3A_372 = arith.constant 0 : i32
      %dma_wait3A_373 = tpu.memref_slice %arg8[%dma_wait3A_366, %dma_wait3A_367, %dma_wait3A_372] : memref<2x1x128xi32, #tpu.memory_space<vmem>> -> memref<1x1x128xi32, #tpu.memory_space<vmem>>
      %dma_wait3A_374 = tpu.memref_squeeze %dma_wait3A_373 : memref<1x1x128xi32, #tpu.memory_space<vmem>> -> memref<128xi32, #tpu.memory_space<vmem>>
      %dma_wait3A_375 = arith.constant 0 : i32
      %dma_wait3A_376 = arith.constant 0 : i32
      %dma_wait3A_377 = tpu.memref_slice %arg16[%dma_wait3A_375, %dma_wait3A_376] : memref<10240x128xf32, #tpu.memory_space<vmem_shared>> -> memref<10240x128xf32, #tpu.memory_space<vmem_shared>>
      tpu.wait_indirect_dma semaphore(%arg14 : memref<!tpu.dma_semaphore, #tpu.memory_space<semaphore_mem>>) src(%dma_wait3A_371 : memref<128x128xf32, #tpu.memory_space<vmem>>) dst(%dma_wait3A_377 : memref<10240x128xf32, #tpu.memory_space<vmem_shared>>)
      %dma_start3A_378 = arith.constant 0 : i32
      %dma_start3A_379 = arith.constant 0 : i32
      %dma_start3A_380 = arith.constant 0 : i32
      %dma_start3A_381 = tpu.memref_slice %arg9[%dma_start3A_378, %dma_start3A_379, %dma_start3A_380] : memref<2x128x128xf32, #tpu.memory_space<vmem>> -> memref<1x128x128xf32, #tpu.memory_space<vmem>>
      %dma_start3A_382 = tpu.memref_squeeze %dma_start3A_381 : memref<1x128x128xf32, #tpu.memory_space<vmem>> -> memref<128x128xf32, #tpu.memory_space<vmem>>
      %dma_start3A_383 = arith.constant 0 : i32
      %dma_start3A_384 = tpu.memref_slice %arg7[%add3A_362, %dma_start3A_383] : memref<79x128xi32, #tpu.memory_space<vmem>> -> memref<1x128xi32, #tpu.memory_space<vmem>>
      %dma_start3A_385 = tpu.memref_squeeze %dma_start3A_384 : memref<1x128xi32, #tpu.memory_space<vmem>> -> memref<128xi32, #tpu.memory_space<vmem>>
      %dma_start3A_386 = arith.constant 0 : i32
      %dma_start3A_387 = arith.constant 0 : i32
      %dma_start3A_388 = tpu.memref_slice %arg2[%dma_start3A_386, %dma_start3A_387] : memref<10000x128xf32, #tpu.memory_space<hbm>> -> memref<10000x128xf32, #tpu.memory_space<hbm>>
      tpu.enqueue_indirect_dma source(%dma_start3A_388 : memref<10000x128xf32, #tpu.memory_space<hbm>>) target(%dma_start3A_382 : memref<128x128xf32, #tpu.memory_space<vmem>>) offsets(%dma_start3A_385 : memref<128xi32, #tpu.memory_space<vmem>>) semaphore(%arg10 : memref<!tpu.dma_semaphore, #tpu.memory_space<semaphore_mem>>)
      %dma_start3A_389 = arith.constant 0 : i32
      %dma_start3A_390 = arith.constant 0 : i32
      %dma_start3A_391 = arith.constant 0 : i32
      %dma_start3A_392 = tpu.memref_slice %arg8[%dma_start3A_389, %dma_start3A_390, %dma_start3A_391] : memref<2x1x128xi32, #tpu.memory_space<vmem>> -> memref<1x1x128xi32, #tpu.memory_space<vmem>>
      %dma_start3A_393 = tpu.memref_squeeze %dma_start3A_392 : memref<1x1x128xi32, #tpu.memory_space<vmem>> -> memref<1x128xi32, #tpu.memory_space<vmem>>
      %dma_start3A_394 = arith.constant 0 : i32
      %dma_start3A_395 = tpu.memref_slice %arg4[%add3A, %add3A_362, %dma_start3A_394] : memref<32x79x128xi32, #tpu.memory_space<hbm>> -> memref<1x1x128xi32, #tpu.memory_space<hbm>>
      %dma_start3A_396 = tpu.memref_squeeze %dma_start3A_395 : memref<1x1x128xi32, #tpu.memory_space<hbm>> -> memref<1x128xi32, #tpu.memory_space<hbm>>
      %dma_start3A_397 = arith.constant 0 : i32
      %dma_start3A_398 = arith.constant 0 : i32
      %dma_start3A_399 = tpu.memref_slice %arg8[%dma_start3A_389, %dma_start3A_397, %dma_start3A_398] : memref<2x1x128xi32, #tpu.memory_space<vmem>> -> memref<1x1x128xi32, #tpu.memory_space<vmem>>
      %dma_start3A_400 = tpu.memref_squeeze %dma_start3A_399 : memref<1x1x128xi32, #tpu.memory_space<vmem>> -> memref<1x128xi32, #tpu.memory_space<vmem>>
      %dma_start3A_401 = arith.constant 0 : i32
      %dma_start3A_402 = tpu.memref_slice %arg4[%add3A, %add3A_362, %dma_start3A_401] : memref<32x79x128xi32, #tpu.memory_space<hbm>> -> memref<1x1x128xi32, #tpu.memory_space<hbm>>
      %dma_start3A_403 = tpu.memref_squeeze %dma_start3A_402 : memref<1x1x128xi32, #tpu.memory_space<hbm>> -> memref<1x128xi32, #tpu.memory_space<hbm>>
      tpu.enqueue_dma source(%dma_start3A_403 : memref<1x128xi32, #tpu.memory_space<hbm>>) target(%dma_start3A_400 : memref<1x128xi32, #tpu.memory_space<vmem>>) target_semaphore(%arg12 : memref<!tpu.dma_semaphore, #tpu.memory_space<semaphore_mem>>)
      %sub3A_404 = arith.constant 1 : i32
      %sub3A_405 = arith.subi %add3A_362, %sub3A_404 : i32
      %dma_wait3A_406 = arith.constant 1 : i32
      %dma_wait3A_407 = arith.constant 0 : i32
      %dma_wait3A_408 = arith.constant 0 : i32
      %dma_wait3A_409 = tpu.memref_slice %arg9[%dma_wait3A_406, %dma_wait3A_407, %dma_wait3A_408] : memref<2x128x128xf32, #tpu.memory_space<vmem>> -> memref<1x128x128xf32, #tpu.memory_space<vmem>>
      %dma_wait3A_410 = tpu.memref_squeeze %dma_wait3A_409 : memref<1x128x128xf32, #tpu.memory_space<vmem>> -> memref<128x128xf32, #tpu.memory_space<vmem>>
      %dma_wait3A_411 = arith.constant 0 : i32
      %dma_wait3A_412 = tpu.memref_slice %arg7[%sub3A_405, %dma_wait3A_411] : memref<79x128xi32, #tpu.memory_space<vmem>> -> memref<1x128xi32, #tpu.memory_space<vmem>>
      %dma_wait3A_413 = tpu.memref_squeeze %dma_wait3A_412 : memref<1x128xi32, #tpu.memory_space<vmem>> -> memref<128xi32, #tpu.memory_space<vmem>>
      %dma_wait3A_414 = arith.constant 0 : i32
      %dma_wait3A_415 = arith.constant 0 : i32
      %dma_wait3A_416 = tpu.memref_slice %arg2[%dma_wait3A_414, %dma_wait3A_415] : memref<10000x128xf32, #tpu.memory_space<hbm>> -> memref<10000x128xf32, #tpu.memory_space<hbm>>
      tpu.wait_indirect_dma semaphore(%arg11 : memref<!tpu.dma_semaphore, #tpu.memory_space<semaphore_mem>>) src(%dma_wait3A_416 : memref<10000x128xf32, #tpu.memory_space<hbm>>) dst(%dma_wait3A_410 : memref<128x128xf32, #tpu.memory_space<vmem>>)
      %sub3A_417 = arith.constant 1 : i32
      %sub3A_418 = arith.subi %add3A_362, %sub3A_417 : i32
      %dma_wait3A_419 = arith.constant 1 : i32
      %dma_wait3A_420 = arith.constant 0 : i32
      %dma_wait3A_421 = arith.constant 0 : i32
      %dma_wait3A_422 = tpu.memref_slice %arg8[%dma_wait3A_419, %dma_wait3A_420, %dma_wait3A_421] : memref<2x1x128xi32, #tpu.memory_space<vmem>> -> memref<1x1x128xi32, #tpu.memory_space<vmem>>
      %dma_wait3A_423 = tpu.memref_squeeze %dma_wait3A_422 : memref<1x1x128xi32, #tpu.memory_space<vmem>> -> memref<1x128xi32, #tpu.memory_space<vmem>>
      %dma_wait3A_424 = arith.constant 0 : i32
      %dma_wait3A_425 = tpu.memref_slice %arg4[%add3A, %sub3A_418, %dma_wait3A_424] : memref<32x79x128xi32, #tpu.memory_space<hbm>> -> memref<1x1x128xi32, #tpu.memory_space<hbm>>
      %dma_wait3A_426 = tpu.memref_squeeze %dma_wait3A_425 : memref<1x1x128xi32, #tpu.memory_space<hbm>> -> memref<1x128xi32, #tpu.memory_space<hbm>>
      %dma_wait3A_427 = arith.constant 0 : i32
      %dma_wait3A_428 = arith.constant 0 : i32
      %dma_wait3A_429 = tpu.memref_slice %arg8[%dma_wait3A_419, %dma_wait3A_427, %dma_wait3A_428] : memref<2x1x128xi32, #tpu.memory_space<vmem>> -> memref<1x1x128xi32, #tpu.memory_space<vmem>>
      %dma_wait3A_430 = tpu.memref_squeeze %dma_wait3A_429 : memref<1x1x128xi32, #tpu.memory_space<vmem>> -> memref<1x128xi32, #tpu.memory_space<vmem>>
      %dma_wait3A_431 = arith.constant 0 : i32
      %dma_wait3A_432 = tpu.memref_slice %arg4[%add3A, %sub3A_418, %dma_wait3A_431] : memref<32x79x128xi32, #tpu.memory_space<hbm>> -> memref<1x1x128xi32, #tpu.memory_space<hbm>>
      %dma_wait3A_433 = tpu.memref_squeeze %dma_wait3A_432 : memref<1x1x128xi32, #tpu.memory_space<hbm>> -> memref<1x128xi32, #tpu.memory_space<hbm>>
      tpu.wait_dma2 semaphore(%arg13 : memref<!tpu.dma_semaphore, #tpu.memory_space<semaphore_mem>>) src(%dma_wait3A_433 : memref<1x128xi32, #tpu.memory_space<hbm>>) dst(%dma_wait3A_430 : memref<1x128xi32, #tpu.memory_space<vmem>>)
      %sub3A_434 = arith.constant 1 : i32
      %sub3A_435 = arith.subi %add3A_362, %sub3A_434 : i32
      %dma_start3A_436 = arith.constant 1 : i32
      %dma_start3A_437 = arith.constant 1 : i32
      %dma_start3A_438 = arith.constant 0 : i32
      %dma_start3A_439 = arith.constant 0 : i32
      %dma_start3A_440 = arith.constant 0 : i32
      %dma_start3A_441 = tpu.memref_slice %arg9[%dma_start3A_436, %dma_start3A_439, %dma_start3A_440] : memref<2x128x128xf32, #tpu.memory_space<vmem>> -> memref<1x128x128xf32, #tpu.memory_space<vmem>>
      %dma_start3A_442 = tpu.memref_squeeze %dma_start3A_441 : memref<1x128x128xf32, #tpu.memory_space<vmem>> -> memref<128x128xf32, #tpu.memory_space<vmem>>
      %dma_start3A_443 = arith.constant 0 : i32
      %dma_start3A_444 = tpu.memref_slice %arg8[%dma_start3A_437, %dma_start3A_438, %dma_start3A_443] : memref<2x1x128xi32, #tpu.memory_space<vmem>> -> memref<1x1x128xi32, #tpu.memory_space<vmem>>
      %dma_start3A_445 = tpu.memref_squeeze %dma_start3A_444 : memref<1x1x128xi32, #tpu.memory_space<vmem>> -> memref<128xi32, #tpu.memory_space<vmem>>
      %dma_start3A_446 = arith.constant 0 : i32
      %dma_start3A_447 = arith.constant 0 : i32
      %dma_start3A_448 = tpu.memref_slice %arg16[%dma_start3A_446, %dma_start3A_447] : memref<10240x128xf32, #tpu.memory_space<vmem_shared>> -> memref<10240x128xf32, #tpu.memory_space<vmem_shared>>
      tpu.enqueue_indirect_dma source(%dma_start3A_442 : memref<128x128xf32, #tpu.memory_space<vmem>>) target(%dma_start3A_448 : memref<10240x128xf32, #tpu.memory_space<vmem_shared>>) offsets(%dma_start3A_445 : memref<128xi32, #tpu.memory_space<vmem>>) semaphore(%arg15 : memref<!tpu.dma_semaphore, #tpu.memory_space<semaphore_mem>>) {add = true}
    }
    %scan3A_191 = arith.constant 38 : i32
    %dma_wait3A_192 = arith.constant 78 : i32
    %dma_wait3A_193 = arith.constant 0 : i32
    %dma_wait3A_194 = arith.constant 0 : i32
    %dma_wait3A_195 = arith.constant 0 : i32
    %dma_wait3A_196 = tpu.memref_slice %arg9[%dma_wait3A_193, %dma_wait3A_194, %dma_wait3A_195] : memref<2x128x128xf32, #tpu.memory_space<vmem>> -> memref<1x128x128xf32, #tpu.memory_space<vmem>>
    %dma_wait3A_197 = tpu.memref_squeeze %dma_wait3A_196 : memref<1x128x128xf32, #tpu.memory_space<vmem>> -> memref<128x128xf32, #tpu.memory_space<vmem>>
    %dma_wait3A_198 = arith.constant 0 : i32
    %dma_wait3A_199 = tpu.memref_slice %arg7[%dma_wait3A_192, %dma_wait3A_198] : memref<79x128xi32, #tpu.memory_space<vmem>> -> memref<1x128xi32, #tpu.memory_space<vmem>>
    %dma_wait3A_200 = tpu.memref_squeeze %dma_wait3A_199 : memref<1x128xi32, #tpu.memory_space<vmem>> -> memref<128xi32, #tpu.memory_space<vmem>>
    %dma_wait3A_201 = arith.constant 0 : i32
    %dma_wait3A_202 = arith.constant 0 : i32
    %dma_wait3A_203 = tpu.memref_slice %arg2[%dma_wait3A_201, %dma_wait3A_202] : memref<10000x128xf32, #tpu.memory_space<hbm>> -> memref<10000x128xf32, #tpu.memory_space<hbm>>
    tpu.wait_indirect_dma semaphore(%arg10 : memref<!tpu.dma_semaphore, #tpu.memory_space<semaphore_mem>>) src(%dma_wait3A_203 : memref<10000x128xf32, #tpu.memory_space<hbm>>) dst(%dma_wait3A_197 : memref<128x128xf32, #tpu.memory_space<vmem>>)
    %dma_wait3A_204 = arith.constant 0 : i32
    %dma_wait3A_205 = arith.constant 0 : i32
    %dma_wait3A_206 = arith.constant 0 : i32
    %dma_wait3A_207 = tpu.memref_slice %arg8[%dma_wait3A_204, %dma_wait3A_205, %dma_wait3A_206] : memref<2x1x128xi32, #tpu.memory_space<vmem>> -> memref<1x1x128xi32, #tpu.memory_space<vmem>>
    %dma_wait3A_208 = tpu.memref_squeeze %dma_wait3A_207 : memref<1x1x128xi32, #tpu.memory_space<vmem>> -> memref<1x128xi32, #tpu.memory_space<vmem>>
    %dma_wait3A_209 = arith.constant 78 : i32
    %dma_wait3A_210 = arith.constant 0 : i32
    %dma_wait3A_211 = tpu.memref_slice %arg4[%add3A, %dma_wait3A_209, %dma_wait3A_210] : memref<32x79x128xi32, #tpu.memory_space<hbm>> -> memref<1x1x128xi32, #tpu.memory_space<hbm>>
    %dma_wait3A_212 = tpu.memref_squeeze %dma_wait3A_211 : memref<1x1x128xi32, #tpu.memory_space<hbm>> -> memref<1x128xi32, #tpu.memory_space<hbm>>
    %dma_wait3A_213 = arith.constant 0 : i32
    %dma_wait3A_214 = arith.constant 0 : i32
    %dma_wait3A_215 = tpu.memref_slice %arg8[%dma_wait3A_204, %dma_wait3A_213, %dma_wait3A_214] : memref<2x1x128xi32, #tpu.memory_space<vmem>> -> memref<1x1x128xi32, #tpu.memory_space<vmem>>
    %dma_wait3A_216 = tpu.memref_squeeze %dma_wait3A_215 : memref<1x1x128xi32, #tpu.memory_space<vmem>> -> memref<1x128xi32, #tpu.memory_space<vmem>>
    %dma_wait3A_217 = arith.constant 78 : i32
    %dma_wait3A_218 = arith.constant 0 : i32
    %dma_wait3A_219 = tpu.memref_slice %arg4[%add3A, %dma_wait3A_217, %dma_wait3A_218] : memref<32x79x128xi32, #tpu.memory_space<hbm>> -> memref<1x1x128xi32, #tpu.memory_space<hbm>>
    %dma_wait3A_220 = tpu.memref_squeeze %dma_wait3A_219 : memref<1x1x128xi32, #tpu.memory_space<hbm>> -> memref<1x128xi32, #tpu.memory_space<hbm>>
    tpu.wait_dma2 semaphore(%arg12 : memref<!tpu.dma_semaphore, #tpu.memory_space<semaphore_mem>>) src(%dma_wait3A_220 : memref<1x128xi32, #tpu.memory_space<hbm>>) dst(%dma_wait3A_216 : memref<1x128xi32, #tpu.memory_space<vmem>>)
    %dma_start3A_221 = arith.constant 0 : i32
    %dma_start3A_222 = arith.constant 0 : i32
    %dma_start3A_223 = arith.constant 0 : i32
    %dma_start3A_224 = arith.constant 0 : i32
    %dma_start3A_225 = arith.constant 0 : i32
    %dma_start3A_226 = tpu.memref_slice %arg9[%dma_start3A_221, %dma_start3A_224, %dma_start3A_225] : memref<2x128x128xf32, #tpu.memory_space<vmem>> -> memref<1x128x128xf32, #tpu.memory_space<vmem>>
    %dma_start3A_227 = tpu.memref_squeeze %dma_start3A_226 : memref<1x128x128xf32, #tpu.memory_space<vmem>> -> memref<128x128xf32, #tpu.memory_space<vmem>>
    %dma_start3A_228 = arith.constant 0 : i32
    %dma_start3A_229 = tpu.memref_slice %arg8[%dma_start3A_222, %dma_start3A_223, %dma_start3A_228] : memref<2x1x128xi32, #tpu.memory_space<vmem>> -> memref<1x1x128xi32, #tpu.memory_space<vmem>>
    %dma_start3A_230 = tpu.memref_squeeze %dma_start3A_229 : memref<1x1x128xi32, #tpu.memory_space<vmem>> -> memref<128xi32, #tpu.memory_space<vmem>>
    %dma_start3A_231 = arith.constant 0 : i32
    %dma_start3A_232 = arith.constant 0 : i32
    %dma_start3A_233 = tpu.memref_slice %arg16[%dma_start3A_231, %dma_start3A_232] : memref<10240x128xf32, #tpu.memory_space<vmem_shared>> -> memref<10240x128xf32, #tpu.memory_space<vmem_shared>>
    tpu.enqueue_indirect_dma source(%dma_start3A_227 : memref<128x128xf32, #tpu.memory_space<vmem>>) target(%dma_start3A_233 : memref<10240x128xf32, #tpu.memory_space<vmem_shared>>) offsets(%dma_start3A_230 : memref<128xi32, #tpu.memory_space<vmem>>) semaphore(%arg14 : memref<!tpu.dma_semaphore, #tpu.memory_space<semaphore_mem>>) {add = true}
    %dma_wait3A_234 = arith.constant 1 : i32
    %dma_wait3A_235 = arith.constant 1 : i32
    %dma_wait3A_236 = arith.constant 0 : i32
    %dma_wait3A_237 = arith.constant 0 : i32
    %dma_wait3A_238 = arith.constant 0 : i32
    %dma_wait3A_239 = tpu.memref_slice %arg9[%dma_wait3A_234, %dma_wait3A_237, %dma_wait3A_238] : memref<2x128x128xf32, #tpu.memory_space<vmem>> -> memref<1x128x128xf32, #tpu.memory_space<vmem>>
    %dma_wait3A_240 = tpu.memref_squeeze %dma_wait3A_239 : memref<1x128x128xf32, #tpu.memory_space<vmem>> -> memref<128x128xf32, #tpu.memory_space<vmem>>
    %dma_wait3A_241 = arith.constant 0 : i32
    %dma_wait3A_242 = tpu.memref_slice %arg8[%dma_wait3A_235, %dma_wait3A_236, %dma_wait3A_241] : memref<2x1x128xi32, #tpu.memory_space<vmem>> -> memref<1x1x128xi32, #tpu.memory_space<vmem>>
    %dma_wait3A_243 = tpu.memref_squeeze %dma_wait3A_242 : memref<1x1x128xi32, #tpu.memory_space<vmem>> -> memref<128xi32, #tpu.memory_space<vmem>>
    %dma_wait3A_244 = arith.constant 0 : i32
    %dma_wait3A_245 = arith.constant 0 : i32
    %dma_wait3A_246 = tpu.memref_slice %arg16[%dma_wait3A_244, %dma_wait3A_245] : memref<10240x128xf32, #tpu.memory_space<vmem_shared>> -> memref<10240x128xf32, #tpu.memory_space<vmem_shared>>
    tpu.wait_indirect_dma semaphore(%arg15 : memref<!tpu.dma_semaphore, #tpu.memory_space<semaphore_mem>>) src(%dma_wait3A_240 : memref<128x128xf32, #tpu.memory_space<vmem>>) dst(%dma_wait3A_246 : memref<10240x128xf32, #tpu.memory_space<vmem_shared>>)
    %dma_wait3A_247 = arith.constant 0 : i32
    %dma_wait3A_248 = arith.constant 0 : i32
    %dma_wait3A_249 = arith.constant 0 : i32
    %dma_wait3A_250 = arith.constant 0 : i32
    %dma_wait3A_251 = arith.constant 0 : i32
    %dma_wait3A_252 = tpu.memref_slice %arg9[%dma_wait3A_247, %dma_wait3A_250, %dma_wait3A_251] : memref<2x128x128xf32, #tpu.memory_space<vmem>> -> memref<1x128x128xf32, #tpu.memory_space<vmem>>
    %dma_wait3A_253 = tpu.memref_squeeze %dma_wait3A_252 : memref<1x128x128xf32, #tpu.memory_space<vmem>> -> memref<128x128xf32, #tpu.memory_space<vmem>>
    %dma_wait3A_254 = arith.constant 0 : i32
    %dma_wait3A_255 = tpu.memref_slice %arg8[%dma_wait3A_248, %dma_wait3A_249, %dma_wait3A_254] : memref<2x1x128xi32, #tpu.memory_space<vmem>> -> memref<1x1x128xi32, #tpu.memory_space<vmem>>
    %dma_wait3A_256 = tpu.memref_squeeze %dma_wait3A_255 : memref<1x1x128xi32, #tpu.memory_space<vmem>> -> memref<128xi32, #tpu.memory_space<vmem>>
    %dma_wait3A_257 = arith.constant 0 : i32
    %dma_wait3A_258 = arith.constant 0 : i32
    %dma_wait3A_259 = tpu.memref_slice %arg16[%dma_wait3A_257, %dma_wait3A_258] : memref<10240x128xf32, #tpu.memory_space<vmem_shared>> -> memref<10240x128xf32, #tpu.memory_space<vmem_shared>>
    tpu.wait_indirect_dma semaphore(%arg14 : memref<!tpu.dma_semaphore, #tpu.memory_space<semaphore_mem>>) src(%dma_wait3A_253 : memref<128x128xf32, #tpu.memory_space<vmem>>) dst(%dma_wait3A_259 : memref<10240x128xf32, #tpu.memory_space<vmem_shared>>)
    %barrier3A_260 = arith.constant 0 : index
    tpu.barrier barrier_id(%barrier3A_260)
    %mul3A_261 = arith.constant 640 : i32
    %mul3A_262 = arith.muli %arg1, %mul3A_261 : i32
    %mul3A_263 = arith.constant 640 : i32
    %mul3A_264 = arith.muli %arg1, %mul3A_263 : i32
    "tpu.region"() ({
      %run_scoped3A = tpu.sem_alloc : memref<!tpu.dma_semaphore, #tpu.memory_space<semaphore_mem>>
      %dma_start3A_265 = arith.constant 0 : i32
      %dma_start3A_266 = tpu.memref_slice %arg6[%arg0, %mul3A_264, %dma_start3A_265] : memref<2x10240x128xf32, #tpu.memory_space<hbm>> -> memref<1x640x128xf32, #tpu.memory_space<hbm>>
      %dma_start3A_267 = tpu.memref_squeeze %dma_start3A_266 : memref<1x640x128xf32, #tpu.memory_space<hbm>> -> memref<640x128xf32, #tpu.memory_space<hbm>>
      %dma_start3A_268 = arith.constant 0 : i32
      %dma_start3A_269 = tpu.memref_slice %arg16[%mul3A_262, %dma_start3A_268] : memref<10240x128xf32, #tpu.memory_space<vmem_shared>> -> memref<640x128xf32, #tpu.memory_space<vmem_shared>>
      tpu.enqueue_dma source(%dma_start3A_269 : memref<640x128xf32, #tpu.memory_space<vmem_shared>>) target(%dma_start3A_267 : memref<640x128xf32, #tpu.memory_space<hbm>>) target_semaphore(%run_scoped3A : memref<!tpu.dma_semaphore, #tpu.memory_space<semaphore_mem>>)
      %dma_wait3A_270 = arith.constant 0 : i32
      %dma_wait3A_271 = tpu.memref_slice %arg6[%arg0, %mul3A_264, %dma_wait3A_270] : memref<2x10240x128xf32, #tpu.memory_space<hbm>> -> memref<1x640x128xf32, #tpu.memory_space<hbm>>
      %dma_wait3A_272 = tpu.memref_squeeze %dma_wait3A_271 : memref<1x640x128xf32, #tpu.memory_space<hbm>> -> memref<640x128xf32, #tpu.memory_space<hbm>>
      %dma_wait3A_273 = arith.constant 0 : i32
      %dma_wait3A_274 = tpu.memref_slice %arg16[%mul3A_262, %dma_wait3A_273] : memref<10240x128xf32, #tpu.memory_space<vmem_shared>> -> memref<640x128xf32, #tpu.memory_space<vmem_shared>>
      tpu.wait_dma2 semaphore(%run_scoped3A : memref<!tpu.dma_semaphore, #tpu.memory_space<semaphore_mem>>) src(%dma_wait3A_274 : memref<640x128xf32, #tpu.memory_space<vmem_shared>>) dst(%dma_wait3A_272 : memref<640x128xf32, #tpu.memory_space<hbm>>)
      tpu.yield
    }) : () -> ()
    return
  }
}

#map = affine_map<(d0, d1) -> (0, 0)>
#map1 = affine_map<(d0, d1) -> (0, 0, 0)>
module attributes {stable_mosaic.version = 14 : i64} {
  func.func @_sc_scatter_body(%arg0: i32, %arg1: i32, %arg2: memref<10000x128xf32, #tpu.memory_space<hbm>>, %arg3: memref<32x79x128xi32, #tpu.memory_space<hbm>>, %arg4: memref<32x79x128xi32, #tpu.memory_space<hbm>>, %arg5: memref<10240x128xf32, #tpu.memory_space<hbm>>, %arg6: memref<2x10240x128xf32, #tpu.memory_space<hbm>>, %arg7: memref<79x128xi32, #tpu.memory_space<vmem>>, %arg8: memref<2x1x128xi32, #tpu.memory_space<vmem>>, %arg9: memref<2x128x128xf32, #tpu.memory_space<vmem>>, %arg10: memref<!tpu.dma_semaphore, #tpu.memory_space<semaphore_mem>>, %arg11: memref<!tpu.dma_semaphore, #tpu.memory_space<semaphore_mem>>, %arg12: memref<!tpu.dma_semaphore, #tpu.memory_space<semaphore_mem>>, %arg13: memref<!tpu.dma_semaphore, #tpu.memory_space<semaphore_mem>>, %arg14: memref<!tpu.dma_semaphore, #tpu.memory_space<semaphore_mem>>, %arg15: memref<!tpu.dma_semaphore, #tpu.memory_space<semaphore_mem>>, %arg16: memref<10240x128xf32, #tpu.memory_space<vmem_shared>>) attributes {dimension_semantics = [#tpu.dimension_semantics<core_parallel>, #tpu.dimension_semantics<subcore_parallel>], iteration_bounds = array<i64: 2, 16>, scalar_prefetch = 0 : i64, scratch_operands = 10 : i64, tpu.core_type = #tpu.core_type<sc_vector_subcore>, window_params = [{transform_indices = #map}, {transform_indices = #map1}, {transform_indices = #map1}, {transform_indices = #map}, {transform_indices = #map1}]} {
    %mul3A = arith.constant 2 : i32
    %mul3A_0 = arith.muli %arg1, %mul3A : i32
    %add3A = arith.addi %mul3A_0, %arg0 : i32
    %mul3A_1 = arith.constant 640 : i32
    %mul3A_2 = arith.muli %arg1, %mul3A_1 : i32
    %mul3A_3 = arith.constant 640 : i32
    %mul3A_4 = arith.muli %arg1, %mul3A_3 : i32
    "tpu.region"() ({
      %run_scoped3A = tpu.sem_alloc : memref<!tpu.dma_semaphore, #tpu.memory_space<semaphore_mem>>
      %dma_start3A_265 = arith.constant 0 : i32
      %dma_start3A_266 = tpu.memref_slice %arg16[%mul3A_4, %dma_start3A_265] : memref<10240x128xf32, #tpu.memory_space<vmem_shared>> -> memref<640x128xf32, #tpu.memory_space<vmem_shared>>
      %dma_start3A_267 = arith.constant 0 : i32
      %dma_start3A_268 = tpu.memref_slice %arg5[%mul3A_2, %dma_start3A_267] : memref<10240x128xf32, #tpu.memory_space<hbm>> -> memref<640x128xf32, #tpu.memory_space<hbm>>
      tpu.enqueue_dma source(%dma_start3A_268 : memref<640x128xf32, #tpu.memory_space<hbm>>) target(%dma_start3A_266 : memref<640x128xf32, #tpu.memory_space<vmem_shared>>) target_semaphore(%run_scoped3A : memref<!tpu.dma_semaphore, #tpu.memory_space<semaphore_mem>>)
      %dma_wait3A_269 = arith.constant 0 : i32
      %dma_wait3A_270 = tpu.memref_slice %arg16[%mul3A_4, %dma_wait3A_269] : memref<10240x128xf32, #tpu.memory_space<vmem_shared>> -> memref<640x128xf32, #tpu.memory_space<vmem_shared>>
      %dma_wait3A_271 = arith.constant 0 : i32
      %dma_wait3A_272 = tpu.memref_slice %arg5[%mul3A_2, %dma_wait3A_271] : memref<10240x128xf32, #tpu.memory_space<hbm>> -> memref<640x128xf32, #tpu.memory_space<hbm>>
      tpu.wait_dma2 semaphore(%run_scoped3A : memref<!tpu.dma_semaphore, #tpu.memory_space<semaphore_mem>>) src(%dma_wait3A_272 : memref<640x128xf32, #tpu.memory_space<hbm>>) dst(%dma_wait3A_270 : memref<640x128xf32, #tpu.memory_space<vmem_shared>>)
      tpu.yield
    }) : () -> ()
    "tpu.region"() ({
      %run_scoped3A = tpu.sem_alloc : memref<!tpu.dma_semaphore, #tpu.memory_space<semaphore_mem>>
      %dma_start3A_265 = arith.constant 0 : i32
      %dma_start3A_266 = arith.constant 0 : i32
      %dma_start3A_267 = tpu.memref_slice %arg3[%add3A, %dma_start3A_265, %dma_start3A_266] : memref<32x79x128xi32, #tpu.memory_space<hbm>> -> memref<1x79x128xi32, #tpu.memory_space<hbm>>
      %dma_start3A_268 = tpu.memref_squeeze %dma_start3A_267 : memref<1x79x128xi32, #tpu.memory_space<hbm>> -> memref<79x128xi32, #tpu.memory_space<hbm>>
      %dma_start3A_269 = arith.constant 0 : i32
      %dma_start3A_270 = arith.constant 0 : i32
      %dma_start3A_271 = tpu.memref_slice %arg3[%add3A, %dma_start3A_269, %dma_start3A_270] : memref<32x79x128xi32, #tpu.memory_space<hbm>> -> memref<1x79x128xi32, #tpu.memory_space<hbm>>
      %dma_start3A_272 = tpu.memref_squeeze %dma_start3A_271 : memref<1x79x128xi32, #tpu.memory_space<hbm>> -> memref<79x128xi32, #tpu.memory_space<hbm>>
      tpu.enqueue_dma source(%dma_start3A_272 : memref<79x128xi32, #tpu.memory_space<hbm>>) target(%arg7 : memref<79x128xi32, #tpu.memory_space<vmem>>) target_semaphore(%run_scoped3A : memref<!tpu.dma_semaphore, #tpu.memory_space<semaphore_mem>>)
      %dma_wait3A_273 = arith.constant 0 : i32
      %dma_wait3A_274 = arith.constant 0 : i32
      %dma_wait3A_275 = tpu.memref_slice %arg3[%add3A, %dma_wait3A_273, %dma_wait3A_274] : memref<32x79x128xi32, #tpu.memory_space<hbm>> -> memref<1x79x128xi32, #tpu.memory_space<hbm>>
      %dma_wait3A_276 = tpu.memref_squeeze %dma_wait3A_275 : memref<1x79x128xi32, #tpu.memory_space<hbm>> -> memref<79x128xi32, #tpu.memory_space<hbm>>
      %dma_wait3A_277 = arith.constant 0 : i32
      %dma_wait3A_278 = arith.constant 0 : i32
      %dma_wait3A_279 = tpu.memref_slice %arg3[%add3A, %dma_wait3A_277, %dma_wait3A_278] : memref<32x79x128xi32, #tpu.memory_space<hbm>> -> memref<1x79x128xi32, #tpu.memory_space<hbm>>
      %dma_wait3A_280 = tpu.memref_squeeze %dma_wait3A_279 : memref<1x79x128xi32, #tpu.memory_space<hbm>> -> memref<79x128xi32, #tpu.memory_space<hbm>>
      tpu.wait_dma2 semaphore(%run_scoped3A : memref<!tpu.dma_semaphore, #tpu.memory_space<semaphore_mem>>) src(%dma_wait3A_280 : memref<79x128xi32, #tpu.memory_space<hbm>>) dst(%arg7 : memref<79x128xi32, #tpu.memory_space<vmem>>)
      tpu.yield
    }) : () -> ()
    %barrier3A = arith.constant 0 : index
    tpu.barrier barrier_id(%barrier3A)
    %dma_start3A = arith.constant 0 : i32
    %dma_start3A_5 = arith.constant 0 : i32
    %dma_start3A_6 = arith.constant 0 : i32
    %dma_start3A_7 = arith.constant 0 : i32
    %dma_start3A_8 = tpu.memref_slice %arg9[%dma_start3A_5, %dma_start3A_6, %dma_start3A_7] : memref<2x128x128xf32, #tpu.memory_space<vmem>> -> memref<1x128x128xf32, #tpu.memory_space<vmem>>
    %dma_start3A_9 = tpu.memref_squeeze %dma_start3A_8 : memref<1x128x128xf32, #tpu.memory_space<vmem>> -> memref<128x128xf32, #tpu.memory_space<vmem>>
    %dma_start3A_10 = arith.constant 0 : i32
    %dma_start3A_11 = tpu.memref_slice %arg7[%dma_start3A, %dma_start3A_10] : memref<79x128xi32, #tpu.memory_space<vmem>> -> memref<1x128xi32, #tpu.memory_space<vmem>>
    %dma_start3A_12 = tpu.memref_squeeze %dma_start3A_11 : memref<1x128xi32, #tpu.memory_space<vmem>> -> memref<128xi32, #tpu.memory_space<vmem>>
    %dma_start3A_13 = arith.constant 0 : i32
    %dma_start3A_14 = arith.constant 0 : i32
    %dma_start3A_15 = tpu.memref_slice %arg2[%dma_start3A_13, %dma_start3A_14] : memref<10000x128xf32, #tpu.memory_space<hbm>> -> memref<10000x128xf32, #tpu.memory_space<hbm>>
    tpu.enqueue_indirect_dma source(%dma_start3A_15 : memref<10000x128xf32, #tpu.memory_space<hbm>>) target(%dma_start3A_9 : memref<128x128xf32, #tpu.memory_space<vmem>>) offsets(%dma_start3A_12 : memref<128xi32, #tpu.memory_space<vmem>>) semaphore(%arg10 : memref<!tpu.dma_semaphore, #tpu.memory_space<semaphore_mem>>)
    %dma_start3A_16 = arith.constant 0 : i32
    %dma_start3A_17 = arith.constant 0 : i32
    %dma_start3A_18 = arith.constant 0 : i32
    %dma_start3A_19 = tpu.memref_slice %arg8[%dma_start3A_16, %dma_start3A_17, %dma_start3A_18] : memref<2x1x128xi32, #tpu.memory_space<vmem>> -> memref<1x1x128xi32, #tpu.memory_space<vmem>>
    %dma_start3A_20 = tpu.memref_squeeze %dma_start3A_19 : memref<1x1x128xi32, #tpu.memory_space<vmem>> -> memref<1x128xi32, #tpu.memory_space<vmem>>
    %dma_start3A_21 = arith.constant 0 : i32
    %dma_start3A_22 = arith.constant 0 : i32
    %dma_start3A_23 = tpu.memref_slice %arg4[%add3A, %dma_start3A_21, %dma_start3A_22] : memref<32x79x128xi32, #tpu.memory_space<hbm>> -> memref<1x1x128xi32, #tpu.memory_space<hbm>>
    %dma_start3A_24 = tpu.memref_squeeze %dma_start3A_23 : memref<1x1x128xi32, #tpu.memory_space<hbm>> -> memref<1x128xi32, #tpu.memory_space<hbm>>
    %dma_start3A_25 = arith.constant 0 : i32
    %dma_start3A_26 = arith.constant 0 : i32
    %dma_start3A_27 = tpu.memref_slice %arg8[%dma_start3A_16, %dma_start3A_25, %dma_start3A_26] : memref<2x1x128xi32, #tpu.memory_space<vmem>> -> memref<1x1x128xi32, #tpu.memory_space<vmem>>
    %dma_start3A_28 = tpu.memref_squeeze %dma_start3A_27 : memref<1x1x128xi32, #tpu.memory_space<vmem>> -> memref<1x128xi32, #tpu.memory_space<vmem>>
    %dma_start3A_29 = arith.constant 0 : i32
    %dma_start3A_30 = arith.constant 0 : i32
    %dma_start3A_31 = tpu.memref_slice %arg4[%add3A, %dma_start3A_29, %dma_start3A_30] : memref<32x79x128xi32, #tpu.memory_space<hbm>> -> memref<1x1x128xi32, #tpu.memory_space<hbm>>
    %dma_start3A_32 = tpu.memref_squeeze %dma_start3A_31 : memref<1x1x128xi32, #tpu.memory_space<hbm>> -> memref<1x128xi32, #tpu.memory_space<hbm>>
    tpu.enqueue_dma source(%dma_start3A_32 : memref<1x128xi32, #tpu.memory_space<hbm>>) target(%dma_start3A_28 : memref<1x128xi32, #tpu.memory_space<vmem>>) target_semaphore(%arg12 : memref<!tpu.dma_semaphore, #tpu.memory_space<semaphore_mem>>)
    %dma_start3A_33 = arith.constant 1 : i32
    %dma_start3A_34 = arith.constant 1 : i32
    %dma_start3A_35 = arith.constant 0 : i32
    %dma_start3A_36 = arith.constant 0 : i32
    %dma_start3A_37 = tpu.memref_slice %arg9[%dma_start3A_34, %dma_start3A_35, %dma_start3A_36] : memref<2x128x128xf32, #tpu.memory_space<vmem>> -> memref<1x128x128xf32, #tpu.memory_space<vmem>>
    %dma_start3A_38 = tpu.memref_squeeze %dma_start3A_37 : memref<1x128x128xf32, #tpu.memory_space<vmem>> -> memref<128x128xf32, #tpu.memory_space<vmem>>
    %dma_start3A_39 = arith.constant 0 : i32
    %dma_start3A_40 = tpu.memref_slice %arg7[%dma_start3A_33, %dma_start3A_39] : memref<79x128xi32, #tpu.memory_space<vmem>> -> memref<1x128xi32, #tpu.memory_space<vmem>>
    %dma_start3A_41 = tpu.memref_squeeze %dma_start3A_40 : memref<1x128xi32, #tpu.memory_space<vmem>> -> memref<128xi32, #tpu.memory_space<vmem>>
    %dma_start3A_42 = arith.constant 0 : i32
    %dma_start3A_43 = arith.constant 0 : i32
    %dma_start3A_44 = tpu.memref_slice %arg2[%dma_start3A_42, %dma_start3A_43] : memref<10000x128xf32, #tpu.memory_space<hbm>> -> memref<10000x128xf32, #tpu.memory_space<hbm>>
    tpu.enqueue_indirect_dma source(%dma_start3A_44 : memref<10000x128xf32, #tpu.memory_space<hbm>>) target(%dma_start3A_38 : memref<128x128xf32, #tpu.memory_space<vmem>>) offsets(%dma_start3A_41 : memref<128xi32, #tpu.memory_space<vmem>>) semaphore(%arg11 : memref<!tpu.dma_semaphore, #tpu.memory_space<semaphore_mem>>)
    %dma_start3A_45 = arith.constant 1 : i32
    %dma_start3A_46 = arith.constant 0 : i32
    %dma_start3A_47 = arith.constant 0 : i32
    %dma_start3A_48 = tpu.memref_slice %arg8[%dma_start3A_45, %dma_start3A_46, %dma_start3A_47] : memref<2x1x128xi32, #tpu.memory_space<vmem>> -> memref<1x1x128xi32, #tpu.memory_space<vmem>>
    %dma_start3A_49 = tpu.memref_squeeze %dma_start3A_48 : memref<1x1x128xi32, #tpu.memory_space<vmem>> -> memref<1x128xi32, #tpu.memory_space<vmem>>
    %dma_start3A_50 = arith.constant 1 : i32
    %dma_start3A_51 = arith.constant 0 : i32
    %dma_start3A_52 = tpu.memref_slice %arg4[%add3A, %dma_start3A_50, %dma_start3A_51] : memref<32x79x128xi32, #tpu.memory_space<hbm>> -> memref<1x1x128xi32, #tpu.memory_space<hbm>>
    %dma_start3A_53 = tpu.memref_squeeze %dma_start3A_52 : memref<1x1x128xi32, #tpu.memory_space<hbm>> -> memref<1x128xi32, #tpu.memory_space<hbm>>
    %dma_start3A_54 = arith.constant 0 : i32
    %dma_start3A_55 = arith.constant 0 : i32
    %dma_start3A_56 = tpu.memref_slice %arg8[%dma_start3A_45, %dma_start3A_54, %dma_start3A_55] : memref<2x1x128xi32, #tpu.memory_space<vmem>> -> memref<1x1x128xi32, #tpu.memory_space<vmem>>
    %dma_start3A_57 = tpu.memref_squeeze %dma_start3A_56 : memref<1x1x128xi32, #tpu.memory_space<vmem>> -> memref<1x128xi32, #tpu.memory_space<vmem>>
    %dma_start3A_58 = arith.constant 1 : i32
    %dma_start3A_59 = arith.constant 0 : i32
    %dma_start3A_60 = tpu.memref_slice %arg4[%add3A, %dma_start3A_58, %dma_start3A_59] : memref<32x79x128xi32, #tpu.memory_space<hbm>> -> memref<1x1x128xi32, #tpu.memory_space<hbm>>
    %dma_start3A_61 = tpu.memref_squeeze %dma_start3A_60 : memref<1x1x128xi32, #tpu.memory_space<hbm>> -> memref<1x128xi32, #tpu.memory_space<hbm>>
    tpu.enqueue_dma source(%dma_start3A_61 : memref<1x128xi32, #tpu.memory_space<hbm>>) target(%dma_start3A_57 : memref<1x128xi32, #tpu.memory_space<vmem>>) target_semaphore(%arg13 : memref<!tpu.dma_semaphore, #tpu.memory_space<semaphore_mem>>)
    %dma_wait3A = arith.constant 0 : i32
    %dma_wait3A_62 = arith.constant 0 : i32
    %dma_wait3A_63 = arith.constant 0 : i32
    %dma_wait3A_64 = arith.constant 0 : i32
    %dma_wait3A_65 = tpu.memref_slice %arg9[%dma_wait3A_62, %dma_wait3A_63, %dma_wait3A_64] : memref<2x128x128xf32, #tpu.memory_space<vmem>> -> memref<1x128x128xf32, #tpu.memory_space<vmem>>
    %dma_wait3A_66 = tpu.memref_squeeze %dma_wait3A_65 : memref<1x128x128xf32, #tpu.memory_space<vmem>> -> memref<128x128xf32, #tpu.memory_space<vmem>>
    %dma_wait3A_67 = arith.constant 0 : i32
    %dma_wait3A_68 = tpu.memref_slice %arg7[%dma_wait3A, %dma_wait3A_67] : memref<79x128xi32, #tpu.memory_space<vmem>> -> memref<1x128xi32, #tpu.memory_space<vmem>>
    %dma_wait3A_69 = tpu.memref_squeeze %dma_wait3A_68 : memref<1x128xi32, #tpu.memory_space<vmem>> -> memref<128xi32, #tpu.memory_space<vmem>>
    %dma_wait3A_70 = arith.constant 0 : i32
    %dma_wait3A_71 = arith.constant 0 : i32
    %dma_wait3A_72 = tpu.memref_slice %arg2[%dma_wait3A_70, %dma_wait3A_71] : memref<10000x128xf32, #tpu.memory_space<hbm>> -> memref<10000x128xf32, #tpu.memory_space<hbm>>
    tpu.wait_indirect_dma semaphore(%arg10 : memref<!tpu.dma_semaphore, #tpu.memory_space<semaphore_mem>>) src(%dma_wait3A_72 : memref<10000x128xf32, #tpu.memory_space<hbm>>) dst(%dma_wait3A_66 : memref<128x128xf32, #tpu.memory_space<vmem>>)
    %dma_wait3A_73 = arith.constant 0 : i32
    %dma_wait3A_74 = arith.constant 0 : i32
    %dma_wait3A_75 = arith.constant 0 : i32
    %dma_wait3A_76 = tpu.memref_slice %arg8[%dma_wait3A_73, %dma_wait3A_74, %dma_wait3A_75] : memref<2x1x128xi32, #tpu.memory_space<vmem>> -> memref<1x1x128xi32, #tpu.memory_space<vmem>>
    %dma_wait3A_77 = tpu.memref_squeeze %dma_wait3A_76 : memref<1x1x128xi32, #tpu.memory_space<vmem>> -> memref<1x128xi32, #tpu.memory_space<vmem>>
    %dma_wait3A_78 = arith.constant 0 : i32
    %dma_wait3A_79 = arith.constant 0 : i32
    %dma_wait3A_80 = tpu.memref_slice %arg4[%add3A, %dma_wait3A_78, %dma_wait3A_79] : memref<32x79x128xi32, #tpu.memory_space<hbm>> -> memref<1x1x128xi32, #tpu.memory_space<hbm>>
    %dma_wait3A_81 = tpu.memref_squeeze %dma_wait3A_80 : memref<1x1x128xi32, #tpu.memory_space<hbm>> -> memref<1x128xi32, #tpu.memory_space<hbm>>
    %dma_wait3A_82 = arith.constant 0 : i32
    %dma_wait3A_83 = arith.constant 0 : i32
    %dma_wait3A_84 = tpu.memref_slice %arg8[%dma_wait3A_73, %dma_wait3A_82, %dma_wait3A_83] : memref<2x1x128xi32, #tpu.memory_space<vmem>> -> memref<1x1x128xi32, #tpu.memory_space<vmem>>
    %dma_wait3A_85 = tpu.memref_squeeze %dma_wait3A_84 : memref<1x1x128xi32, #tpu.memory_space<vmem>> -> memref<1x128xi32, #tpu.memory_space<vmem>>
    %dma_wait3A_86 = arith.constant 0 : i32
    %dma_wait3A_87 = arith.constant 0 : i32
    %dma_wait3A_88 = tpu.memref_slice %arg4[%add3A, %dma_wait3A_86, %dma_wait3A_87] : memref<32x79x128xi32, #tpu.memory_space<hbm>> -> memref<1x1x128xi32, #tpu.memory_space<hbm>>
    %dma_wait3A_89 = tpu.memref_squeeze %dma_wait3A_88 : memref<1x1x128xi32, #tpu.memory_space<hbm>> -> memref<1x128xi32, #tpu.memory_space<hbm>>
    tpu.wait_dma2 semaphore(%arg12 : memref<!tpu.dma_semaphore, #tpu.memory_space<semaphore_mem>>) src(%dma_wait3A_89 : memref<1x128xi32, #tpu.memory_space<hbm>>) dst(%dma_wait3A_85 : memref<1x128xi32, #tpu.memory_space<vmem>>)
    %dma_start3A_90 = arith.constant 0 : i32
    %dma_start3A_91 = arith.constant 0 : i32
    %dma_start3A_92 = arith.constant 0 : i32
    %dma_start3A_93 = arith.constant 0 : i32
    %dma_start3A_94 = arith.constant 0 : i32
    %dma_start3A_95 = tpu.memref_slice %arg9[%dma_start3A_90, %dma_start3A_93, %dma_start3A_94] : memref<2x128x128xf32, #tpu.memory_space<vmem>> -> memref<1x128x128xf32, #tpu.memory_space<vmem>>
    %dma_start3A_96 = tpu.memref_squeeze %dma_start3A_95 : memref<1x128x128xf32, #tpu.memory_space<vmem>> -> memref<128x128xf32, #tpu.memory_space<vmem>>
    %dma_start3A_97 = arith.constant 0 : i32
    %dma_start3A_98 = tpu.memref_slice %arg8[%dma_start3A_91, %dma_start3A_92, %dma_start3A_97] : memref<2x1x128xi32, #tpu.memory_space<vmem>> -> memref<1x1x128xi32, #tpu.memory_space<vmem>>
    %dma_start3A_99 = tpu.memref_squeeze %dma_start3A_98 : memref<1x1x128xi32, #tpu.memory_space<vmem>> -> memref<128xi32, #tpu.memory_space<vmem>>
    %dma_start3A_100 = arith.constant 0 : i32
    %dma_start3A_101 = arith.constant 0 : i32
    %dma_start3A_102 = tpu.memref_slice %arg16[%dma_start3A_100, %dma_start3A_101] : memref<10240x128xf32, #tpu.memory_space<vmem_shared>> -> memref<10240x128xf32, #tpu.memory_space<vmem_shared>>
    tpu.enqueue_indirect_dma source(%dma_start3A_96 : memref<128x128xf32, #tpu.memory_space<vmem>>) target(%dma_start3A_102 : memref<10240x128xf32, #tpu.memory_space<vmem_shared>>) offsets(%dma_start3A_99 : memref<128xi32, #tpu.memory_space<vmem>>) semaphore(%arg14 : memref<!tpu.dma_semaphore, #tpu.memory_space<semaphore_mem>>) {add = true}
    %dma_wait3A_103 = arith.constant 0 : i32
    %dma_wait3A_104 = arith.constant 0 : i32
    %dma_wait3A_105 = arith.constant 0 : i32
    %dma_wait3A_106 = arith.constant 0 : i32
    %dma_wait3A_107 = arith.constant 0 : i32
    %dma_wait3A_108 = tpu.memref_slice %arg9[%dma_wait3A_103, %dma_wait3A_106, %dma_wait3A_107] : memref<2x128x128xf32, #tpu.memory_space<vmem>> -> memref<1x128x128xf32, #tpu.memory_space<vmem>>
    %dma_wait3A_109 = tpu.memref_squeeze %dma_wait3A_108 : memref<1x128x128xf32, #tpu.memory_space<vmem>> -> memref<128x128xf32, #tpu.memory_space<vmem>>
    %dma_wait3A_110 = arith.constant 0 : i32
    %dma_wait3A_111 = tpu.memref_slice %arg8[%dma_wait3A_104, %dma_wait3A_105, %dma_wait3A_110] : memref<2x1x128xi32, #tpu.memory_space<vmem>> -> memref<1x1x128xi32, #tpu.memory_space<vmem>>
    %dma_wait3A_112 = tpu.memref_squeeze %dma_wait3A_111 : memref<1x1x128xi32, #tpu.memory_space<vmem>> -> memref<128xi32, #tpu.memory_space<vmem>>
    %dma_wait3A_113 = arith.constant 0 : i32
    %dma_wait3A_114 = arith.constant 0 : i32
    %dma_wait3A_115 = tpu.memref_slice %arg16[%dma_wait3A_113, %dma_wait3A_114] : memref<10240x128xf32, #tpu.memory_space<vmem_shared>> -> memref<10240x128xf32, #tpu.memory_space<vmem_shared>>
    tpu.wait_indirect_dma semaphore(%arg14 : memref<!tpu.dma_semaphore, #tpu.memory_space<semaphore_mem>>) src(%dma_wait3A_109 : memref<128x128xf32, #tpu.memory_space<vmem>>) dst(%dma_wait3A_115 : memref<10240x128xf32, #tpu.memory_space<vmem_shared>>)
    %dma_start3A_116 = arith.constant 2 : i32
    %dma_start3A_117 = arith.constant 0 : i32
    %dma_start3A_118 = arith.constant 0 : i32
    %dma_start3A_119 = arith.constant 0 : i32
    %dma_start3A_120 = tpu.memref_slice %arg9[%dma_start3A_117, %dma_start3A_118, %dma_start3A_119] : memref<2x128x128xf32, #tpu.memory_space<vmem>> -> memref<1x128x128xf32, #tpu.memory_space<vmem>>
    %dma_start3A_121 = tpu.memref_squeeze %dma_start3A_120 : memref<1x128x128xf32, #tpu.memory_space<vmem>> -> memref<128x128xf32, #tpu.memory_space<vmem>>
    %dma_start3A_122 = arith.constant 0 : i32
    %dma_start3A_123 = tpu.memref_slice %arg7[%dma_start3A_116, %dma_start3A_122] : memref<79x128xi32, #tpu.memory_space<vmem>> -> memref<1x128xi32, #tpu.memory_space<vmem>>
    %dma_start3A_124 = tpu.memref_squeeze %dma_start3A_123 : memref<1x128xi32, #tpu.memory_space<vmem>> -> memref<128xi32, #tpu.memory_space<vmem>>
    %dma_start3A_125 = arith.constant 0 : i32
    %dma_start3A_126 = arith.constant 0 : i32
    %dma_start3A_127 = tpu.memref_slice %arg2[%dma_start3A_125, %dma_start3A_126] : memref<10000x128xf32, #tpu.memory_space<hbm>> -> memref<10000x128xf32, #tpu.memory_space<hbm>>
    tpu.enqueue_indirect_dma source(%dma_start3A_127 : memref<10000x128xf32, #tpu.memory_space<hbm>>) target(%dma_start3A_121 : memref<128x128xf32, #tpu.memory_space<vmem>>) offsets(%dma_start3A_124 : memref<128xi32, #tpu.memory_space<vmem>>) semaphore(%arg10 : memref<!tpu.dma_semaphore, #tpu.memory_space<semaphore_mem>>)
    %dma_start3A_128 = arith.constant 0 : i32
    %dma_start3A_129 = arith.constant 0 : i32
    %dma_start3A_130 = arith.constant 0 : i32
    %dma_start3A_131 = tpu.memref_slice %arg8[%dma_start3A_128, %dma_start3A_129, %dma_start3A_130] : memref<2x1x128xi32, #tpu.memory_space<vmem>> -> memref<1x1x128xi32, #tpu.memory_space<vmem>>
    %dma_start3A_132 = tpu.memref_squeeze %dma_start3A_131 : memref<1x1x128xi32, #tpu.memory_space<vmem>> -> memref<1x128xi32, #tpu.memory_space<vmem>>
    %dma_start3A_133 = arith.constant 2 : i32
    %dma_start3A_134 = arith.constant 0 : i32
    %dma_start3A_135 = tpu.memref_slice %arg4[%add3A, %dma_start3A_133, %dma_start3A_134] : memref<32x79x128xi32, #tpu.memory_space<hbm>> -> memref<1x1x128xi32, #tpu.memory_space<hbm>>
    %dma_start3A_136 = tpu.memref_squeeze %dma_start3A_135 : memref<1x1x128xi32, #tpu.memory_space<hbm>> -> memref<1x128xi32, #tpu.memory_space<hbm>>
    %dma_start3A_137 = arith.constant 0 : i32
    %dma_start3A_138 = arith.constant 0 : i32
    %dma_start3A_139 = tpu.memref_slice %arg8[%dma_start3A_128, %dma_start3A_137, %dma_start3A_138] : memref<2x1x128xi32, #tpu.memory_space<vmem>> -> memref<1x1x128xi32, #tpu.memory_space<vmem>>
    %dma_start3A_140 = tpu.memref_squeeze %dma_start3A_139 : memref<1x1x128xi32, #tpu.memory_space<vmem>> -> memref<1x128xi32, #tpu.memory_space<vmem>>
    %dma_start3A_141 = arith.constant 2 : i32
    %dma_start3A_142 = arith.constant 0 : i32
    %dma_start3A_143 = tpu.memref_slice %arg4[%add3A, %dma_start3A_141, %dma_start3A_142] : memref<32x79x128xi32, #tpu.memory_space<hbm>> -> memref<1x1x128xi32, #tpu.memory_space<hbm>>
    %dma_start3A_144 = tpu.memref_squeeze %dma_start3A_143 : memref<1x1x128xi32, #tpu.memory_space<hbm>> -> memref<1x128xi32, #tpu.memory_space<hbm>>
    tpu.enqueue_dma source(%dma_start3A_144 : memref<1x128xi32, #tpu.memory_space<hbm>>) target(%dma_start3A_140 : memref<1x128xi32, #tpu.memory_space<vmem>>) target_semaphore(%arg12 : memref<!tpu.dma_semaphore, #tpu.memory_space<semaphore_mem>>)
    %dma_wait3A_145 = arith.constant 1 : i32
    %dma_wait3A_146 = arith.constant 1 : i32
    %dma_wait3A_147 = arith.constant 0 : i32
    %dma_wait3A_148 = arith.constant 0 : i32
    %dma_wait3A_149 = tpu.memref_slice %arg9[%dma_wait3A_146, %dma_wait3A_147, %dma_wait3A_148] : memref<2x128x128xf32, #tpu.memory_space<vmem>> -> memref<1x128x128xf32, #tpu.memory_space<vmem>>
    %dma_wait3A_150 = tpu.memref_squeeze %dma_wait3A_149 : memref<1x128x128xf32, #tpu.memory_space<vmem>> -> memref<128x128xf32, #tpu.memory_space<vmem>>
    %dma_wait3A_151 = arith.constant 0 : i32
    %dma_wait3A_152 = tpu.memref_slice %arg7[%dma_wait3A_145, %dma_wait3A_151] : memref<79x128xi32, #tpu.memory_space<vmem>> -> memref<1x128xi32, #tpu.memory_space<vmem>>
    %dma_wait3A_153 = tpu.memref_squeeze %dma_wait3A_152 : memref<1x128xi32, #tpu.memory_space<vmem>> -> memref<128xi32, #tpu.memory_space<vmem>>
    %dma_wait3A_154 = arith.constant 0 : i32
    %dma_wait3A_155 = arith.constant 0 : i32
    %dma_wait3A_156 = tpu.memref_slice %arg2[%dma_wait3A_154, %dma_wait3A_155] : memref<10000x128xf32, #tpu.memory_space<hbm>> -> memref<10000x128xf32, #tpu.memory_space<hbm>>
    tpu.wait_indirect_dma semaphore(%arg11 : memref<!tpu.dma_semaphore, #tpu.memory_space<semaphore_mem>>) src(%dma_wait3A_156 : memref<10000x128xf32, #tpu.memory_space<hbm>>) dst(%dma_wait3A_150 : memref<128x128xf32, #tpu.memory_space<vmem>>)
    %dma_wait3A_157 = arith.constant 1 : i32
    %dma_wait3A_158 = arith.constant 0 : i32
    %dma_wait3A_159 = arith.constant 0 : i32
    %dma_wait3A_160 = tpu.memref_slice %arg8[%dma_wait3A_157, %dma_wait3A_158, %dma_wait3A_159] : memref<2x1x128xi32, #tpu.memory_space<vmem>> -> memref<1x1x128xi32, #tpu.memory_space<vmem>>
    %dma_wait3A_161 = tpu.memref_squeeze %dma_wait3A_160 : memref<1x1x128xi32, #tpu.memory_space<vmem>> -> memref<1x128xi32, #tpu.memory_space<vmem>>
    %dma_wait3A_162 = arith.constant 1 : i32
    %dma_wait3A_163 = arith.constant 0 : i32
    %dma_wait3A_164 = tpu.memref_slice %arg4[%add3A, %dma_wait3A_162, %dma_wait3A_163] : memref<32x79x128xi32, #tpu.memory_space<hbm>> -> memref<1x1x128xi32, #tpu.memory_space<hbm>>
    %dma_wait3A_165 = tpu.memref_squeeze %dma_wait3A_164 : memref<1x1x128xi32, #tpu.memory_space<hbm>> -> memref<1x128xi32, #tpu.memory_space<hbm>>
    %dma_wait3A_166 = arith.constant 0 : i32
    %dma_wait3A_167 = arith.constant 0 : i32
    %dma_wait3A_168 = tpu.memref_slice %arg8[%dma_wait3A_157, %dma_wait3A_166, %dma_wait3A_167] : memref<2x1x128xi32, #tpu.memory_space<vmem>> -> memref<1x1x128xi32, #tpu.memory_space<vmem>>
    %dma_wait3A_169 = tpu.memref_squeeze %dma_wait3A_168 : memref<1x1x128xi32, #tpu.memory_space<vmem>> -> memref<1x128xi32, #tpu.memory_space<vmem>>
    %dma_wait3A_170 = arith.constant 1 : i32
    %dma_wait3A_171 = arith.constant 0 : i32
    %dma_wait3A_172 = tpu.memref_slice %arg4[%add3A, %dma_wait3A_170, %dma_wait3A_171] : memref<32x79x128xi32, #tpu.memory_space<hbm>> -> memref<1x1x128xi32, #tpu.memory_space<hbm>>
    %dma_wait3A_173 = tpu.memref_squeeze %dma_wait3A_172 : memref<1x1x128xi32, #tpu.memory_space<hbm>> -> memref<1x128xi32, #tpu.memory_space<hbm>>
    tpu.wait_dma2 semaphore(%arg13 : memref<!tpu.dma_semaphore, #tpu.memory_space<semaphore_mem>>) src(%dma_wait3A_173 : memref<1x128xi32, #tpu.memory_space<hbm>>) dst(%dma_wait3A_169 : memref<1x128xi32, #tpu.memory_space<vmem>>)
    %dma_start3A_174 = arith.constant 1 : i32
    %dma_start3A_175 = arith.constant 1 : i32
    %dma_start3A_176 = arith.constant 0 : i32
    %dma_start3A_177 = arith.constant 0 : i32
    %dma_start3A_178 = arith.constant 0 : i32
    %dma_start3A_179 = tpu.memref_slice %arg9[%dma_start3A_174, %dma_start3A_177, %dma_start3A_178] : memref<2x128x128xf32, #tpu.memory_space<vmem>> -> memref<1x128x128xf32, #tpu.memory_space<vmem>>
    %dma_start3A_180 = tpu.memref_squeeze %dma_start3A_179 : memref<1x128x128xf32, #tpu.memory_space<vmem>> -> memref<128x128xf32, #tpu.memory_space<vmem>>
    %dma_start3A_181 = arith.constant 0 : i32
    %dma_start3A_182 = tpu.memref_slice %arg8[%dma_start3A_175, %dma_start3A_176, %dma_start3A_181] : memref<2x1x128xi32, #tpu.memory_space<vmem>> -> memref<1x1x128xi32, #tpu.memory_space<vmem>>
    %dma_start3A_183 = tpu.memref_squeeze %dma_start3A_182 : memref<1x1x128xi32, #tpu.memory_space<vmem>> -> memref<128xi32, #tpu.memory_space<vmem>>
    %dma_start3A_184 = arith.constant 0 : i32
    %dma_start3A_185 = arith.constant 0 : i32
    %dma_start3A_186 = tpu.memref_slice %arg16[%dma_start3A_184, %dma_start3A_185] : memref<10240x128xf32, #tpu.memory_space<vmem_shared>> -> memref<10240x128xf32, #tpu.memory_space<vmem_shared>>
    tpu.enqueue_indirect_dma source(%dma_start3A_180 : memref<128x128xf32, #tpu.memory_space<vmem>>) target(%dma_start3A_186 : memref<10240x128xf32, #tpu.memory_space<vmem_shared>>) offsets(%dma_start3A_183 : memref<128xi32, #tpu.memory_space<vmem>>) semaphore(%arg15 : memref<!tpu.dma_semaphore, #tpu.memory_space<semaphore_mem>>) {add = true}
    %scan3A = arith.constant 0 : i32
    %scan3A_187 = arith.constant 0 : i32
    %scan3A_188 = arith.constant 38 : i32
    %scan3A_189 = arith.addi %scan3A_187, %scan3A_188 : i32
    %scan3A_190 = arith.constant 1 : i32
    scf.for %scan3A_265 = %scan3A_187 to %scan3A_189 step %scan3A_190  : i32 {
      %mul3A_266 = arith.constant 2 : i32
      %mul3A_267 = arith.muli %mul3A_266, %scan3A_265 : i32
      %add3A_268 = arith.constant 3 : i32
      %add3A_269 = arith.addi %add3A_268, %mul3A_267 : i32
      %add3A_270 = arith.constant 0 : i32
      %add3A_271 = arith.addi %add3A_269, %add3A_270 : i32
      %sub3A = arith.constant 2 : i32
      %sub3A_272 = arith.subi %add3A_271, %sub3A : i32
      %dma_wait3A_273 = arith.constant 1 : i32
      %dma_wait3A_274 = arith.constant 1 : i32
      %dma_wait3A_275 = arith.constant 0 : i32
      %dma_wait3A_276 = arith.constant 0 : i32
      %dma_wait3A_277 = arith.constant 0 : i32
      %dma_wait3A_278 = tpu.memref_slice %arg9[%dma_wait3A_273, %dma_wait3A_276, %dma_wait3A_277] : memref<2x128x128xf32, #tpu.memory_space<vmem>> -> memref<1x128x128xf32, #tpu.memory_space<vmem>>
      %dma_wait3A_279 = tpu.memref_squeeze %dma_wait3A_278 : memref<1x128x128xf32, #tpu.memory_space<vmem>> -> memref<128x128xf32, #tpu.memory_space<vmem>>
      %dma_wait3A_280 = arith.constant 0 : i32
      %dma_wait3A_281 = tpu.memref_slice %arg8[%dma_wait3A_274, %dma_wait3A_275, %dma_wait3A_280] : memref<2x1x128xi32, #tpu.memory_space<vmem>> -> memref<1x1x128xi32, #tpu.memory_space<vmem>>
      %dma_wait3A_282 = tpu.memref_squeeze %dma_wait3A_281 : memref<1x1x128xi32, #tpu.memory_space<vmem>> -> memref<128xi32, #tpu.memory_space<vmem>>
      %dma_wait3A_283 = arith.constant 0 : i32
      %dma_wait3A_284 = arith.constant 0 : i32
      %dma_wait3A_285 = tpu.memref_slice %arg16[%dma_wait3A_283, %dma_wait3A_284] : memref<10240x128xf32, #tpu.memory_space<vmem_shared>> -> memref<10240x128xf32, #tpu.memory_space<vmem_shared>>
      tpu.wait_indirect_dma semaphore(%arg15 : memref<!tpu.dma_semaphore, #tpu.memory_space<semaphore_mem>>) src(%dma_wait3A_279 : memref<128x128xf32, #tpu.memory_space<vmem>>) dst(%dma_wait3A_285 : memref<10240x128xf32, #tpu.memory_space<vmem_shared>>)
      %dma_start3A_286 = arith.constant 1 : i32
      %dma_start3A_287 = arith.constant 0 : i32
      %dma_start3A_288 = arith.constant 0 : i32
      %dma_start3A_289 = tpu.memref_slice %arg9[%dma_start3A_286, %dma_start3A_287, %dma_start3A_288] : memref<2x128x128xf32, #tpu.memory_space<vmem>> -> memref<1x128x128xf32, #tpu.memory_space<vmem>>
      %dma_start3A_290 = tpu.memref_squeeze %dma_start3A_289 : memref<1x128x128xf32, #tpu.memory_space<vmem>> -> memref<128x128xf32, #tpu.memory_space<vmem>>
      %dma_start3A_291 = arith.constant 0 : i32
      %dma_start3A_292 = tpu.memref_slice %arg7[%add3A_271, %dma_start3A_291] : memref<79x128xi32, #tpu.memory_space<vmem>> -> memref<1x128xi32, #tpu.memory_space<vmem>>
      %dma_start3A_293 = tpu.memref_squeeze %dma_start3A_292 : memref<1x128xi32, #tpu.memory_space<vmem>> -> memref<128xi32, #tpu.memory_space<vmem>>
      %dma_start3A_294 = arith.constant 0 : i32
      %dma_start3A_295 = arith.constant 0 : i32
      %dma_start3A_296 = tpu.memref_slice %arg2[%dma_start3A_294, %dma_start3A_295] : memref<10000x128xf32, #tpu.memory_space<hbm>> -> memref<10000x128xf32, #tpu.memory_space<hbm>>
      tpu.enqueue_indirect_dma source(%dma_start3A_296 : memref<10000x128xf32, #tpu.memory_space<hbm>>) target(%dma_start3A_290 : memref<128x128xf32, #tpu.memory_space<vmem>>) offsets(%dma_start3A_293 : memref<128xi32, #tpu.memory_space<vmem>>) semaphore(%arg11 : memref<!tpu.dma_semaphore, #tpu.memory_space<semaphore_mem>>)
      %dma_start3A_297 = arith.constant 1 : i32
      %dma_start3A_298 = arith.constant 0 : i32
      %dma_start3A_299 = arith.constant 0 : i32
      %dma_start3A_300 = tpu.memref_slice %arg8[%dma_start3A_297, %dma_start3A_298, %dma_start3A_299] : memref<2x1x128xi32, #tpu.memory_space<vmem>> -> memref<1x1x128xi32, #tpu.memory_space<vmem>>
      %dma_start3A_301 = tpu.memref_squeeze %dma_start3A_300 : memref<1x1x128xi32, #tpu.memory_space<vmem>> -> memref<1x128xi32, #tpu.memory_space<vmem>>
      %dma_start3A_302 = arith.constant 0 : i32
      %dma_start3A_303 = tpu.memref_slice %arg4[%add3A, %add3A_271, %dma_start3A_302] : memref<32x79x128xi32, #tpu.memory_space<hbm>> -> memref<1x1x128xi32, #tpu.memory_space<hbm>>
      %dma_start3A_304 = tpu.memref_squeeze %dma_start3A_303 : memref<1x1x128xi32, #tpu.memory_space<hbm>> -> memref<1x128xi32, #tpu.memory_space<hbm>>
      %dma_start3A_305 = arith.constant 0 : i32
      %dma_start3A_306 = arith.constant 0 : i32
      %dma_start3A_307 = tpu.memref_slice %arg8[%dma_start3A_297, %dma_start3A_305, %dma_start3A_306] : memref<2x1x128xi32, #tpu.memory_space<vmem>> -> memref<1x1x128xi32, #tpu.memory_space<vmem>>
      %dma_start3A_308 = tpu.memref_squeeze %dma_start3A_307 : memref<1x1x128xi32, #tpu.memory_space<vmem>> -> memref<1x128xi32, #tpu.memory_space<vmem>>
      %dma_start3A_309 = arith.constant 0 : i32
      %dma_start3A_310 = tpu.memref_slice %arg4[%add3A, %add3A_271, %dma_start3A_309] : memref<32x79x128xi32, #tpu.memory_space<hbm>> -> memref<1x1x128xi32, #tpu.memory_space<hbm>>
      %dma_start3A_311 = tpu.memref_squeeze %dma_start3A_310 : memref<1x1x128xi32, #tpu.memory_space<hbm>> -> memref<1x128xi32, #tpu.memory_space<hbm>>
      tpu.enqueue_dma source(%dma_start3A_311 : memref<1x128xi32, #tpu.memory_space<hbm>>) target(%dma_start3A_308 : memref<1x128xi32, #tpu.memory_space<vmem>>) target_semaphore(%arg13 : memref<!tpu.dma_semaphore, #tpu.memory_space<semaphore_mem>>)
      %sub3A_312 = arith.constant 1 : i32
      %sub3A_313 = arith.subi %add3A_271, %sub3A_312 : i32
      %dma_wait3A_314 = arith.constant 0 : i32
      %dma_wait3A_315 = arith.constant 0 : i32
      %dma_wait3A_316 = arith.constant 0 : i32
      %dma_wait3A_317 = tpu.memref_slice %arg9[%dma_wait3A_314, %dma_wait3A_315, %dma_wait3A_316] : memref<2x128x128xf32, #tpu.memory_space<vmem>> -> memref<1x128x128xf32, #tpu.memory_space<vmem>>
      %dma_wait3A_318 = tpu.memref_squeeze %dma_wait3A_317 : memref<1x128x128xf32, #tpu.memory_space<vmem>> -> memref<128x128xf32, #tpu.memory_space<vmem>>
      %dma_wait3A_319 = arith.constant 0 : i32
      %dma_wait3A_320 = tpu.memref_slice %arg7[%sub3A_313, %dma_wait3A_319] : memref<79x128xi32, #tpu.memory_space<vmem>> -> memref<1x128xi32, #tpu.memory_space<vmem>>
      %dma_wait3A_321 = tpu.memref_squeeze %dma_wait3A_320 : memref<1x128xi32, #tpu.memory_space<vmem>> -> memref<128xi32, #tpu.memory_space<vmem>>
      %dma_wait3A_322 = arith.constant 0 : i32
      %dma_wait3A_323 = arith.constant 0 : i32
      %dma_wait3A_324 = tpu.memref_slice %arg2[%dma_wait3A_322, %dma_wait3A_323] : memref<10000x128xf32, #tpu.memory_space<hbm>> -> memref<10000x128xf32, #tpu.memory_space<hbm>>
      tpu.wait_indirect_dma semaphore(%arg10 : memref<!tpu.dma_semaphore, #tpu.memory_space<semaphore_mem>>) src(%dma_wait3A_324 : memref<10000x128xf32, #tpu.memory_space<hbm>>) dst(%dma_wait3A_318 : memref<128x128xf32, #tpu.memory_space<vmem>>)
      %sub3A_325 = arith.constant 1 : i32
      %sub3A_326 = arith.subi %add3A_271, %sub3A_325 : i32
      %dma_wait3A_327 = arith.constant 0 : i32
      %dma_wait3A_328 = arith.constant 0 : i32
      %dma_wait3A_329 = arith.constant 0 : i32
      %dma_wait3A_330 = tpu.memref_slice %arg8[%dma_wait3A_327, %dma_wait3A_328, %dma_wait3A_329] : memref<2x1x128xi32, #tpu.memory_space<vmem>> -> memref<1x1x128xi32, #tpu.memory_space<vmem>>
      %dma_wait3A_331 = tpu.memref_squeeze %dma_wait3A_330 : memref<1x1x128xi32, #tpu.memory_space<vmem>> -> memref<1x128xi32, #tpu.memory_space<vmem>>
      %dma_wait3A_332 = arith.constant 0 : i32
      %dma_wait3A_333 = tpu.memref_slice %arg4[%add3A, %sub3A_326, %dma_wait3A_332] : memref<32x79x128xi32, #tpu.memory_space<hbm>> -> memref<1x1x128xi32, #tpu.memory_space<hbm>>
      %dma_wait3A_334 = tpu.memref_squeeze %dma_wait3A_333 : memref<1x1x128xi32, #tpu.memory_space<hbm>> -> memref<1x128xi32, #tpu.memory_space<hbm>>
      %dma_wait3A_335 = arith.constant 0 : i32
      %dma_wait3A_336 = arith.constant 0 : i32
      %dma_wait3A_337 = tpu.memref_slice %arg8[%dma_wait3A_327, %dma_wait3A_335, %dma_wait3A_336] : memref<2x1x128xi32, #tpu.memory_space<vmem>> -> memref<1x1x128xi32, #tpu.memory_space<vmem>>
      %dma_wait3A_338 = tpu.memref_squeeze %dma_wait3A_337 : memref<1x1x128xi32, #tpu.memory_space<vmem>> -> memref<1x128xi32, #tpu.memory_space<vmem>>
      %dma_wait3A_339 = arith.constant 0 : i32
      %dma_wait3A_340 = tpu.memref_slice %arg4[%add3A, %sub3A_326, %dma_wait3A_339] : memref<32x79x128xi32, #tpu.memory_space<hbm>> -> memref<1x1x128xi32, #tpu.memory_space<hbm>>
      %dma_wait3A_341 = tpu.memref_squeeze %dma_wait3A_340 : memref<1x1x128xi32, #tpu.memory_space<hbm>> -> memref<1x128xi32, #tpu.memory_space<hbm>>
      tpu.wait_dma2 semaphore(%arg12 : memref<!tpu.dma_semaphore, #tpu.memory_space<semaphore_mem>>) src(%dma_wait3A_341 : memref<1x128xi32, #tpu.memory_space<hbm>>) dst(%dma_wait3A_338 : memref<1x128xi32, #tpu.memory_space<vmem>>)
      %sub3A_342 = arith.constant 1 : i32
      %sub3A_343 = arith.subi %add3A_271, %sub3A_342 : i32
      %dma_start3A_344 = arith.constant 0 : i32
      %dma_start3A_345 = arith.constant 0 : i32
      %dma_start3A_346 = arith.constant 0 : i32
      %dma_start3A_347 = arith.constant 0 : i32
      %dma_start3A_348 = arith.constant 0 : i32
      %dma_start3A_349 = tpu.memref_slice %arg9[%dma_start3A_344, %dma_start3A_347, %dma_start3A_348] : memref<2x128x128xf32, #tpu.memory_space<vmem>> -> memref<1x128x128xf32, #tpu.memory_space<vmem>>
      %dma_start3A_350 = tpu.memref_squeeze %dma_start3A_349 : memref<1x128x128xf32, #tpu.memory_space<vmem>> -> memref<128x128xf32, #tpu.memory_space<vmem>>
      %dma_start3A_351 = arith.constant 0 : i32
      %dma_start3A_352 = tpu.memref_slice %arg8[%dma_start3A_345, %dma_start3A_346, %dma_start3A_351] : memref<2x1x128xi32, #tpu.memory_space<vmem>> -> memref<1x1x128xi32, #tpu.memory_space<vmem>>
      %dma_start3A_353 = tpu.memref_squeeze %dma_start3A_352 : memref<1x1x128xi32, #tpu.memory_space<vmem>> -> memref<128xi32, #tpu.memory_space<vmem>>
      %dma_start3A_354 = arith.constant 0 : i32
      %dma_start3A_355 = arith.constant 0 : i32
      %dma_start3A_356 = tpu.memref_slice %arg16[%dma_start3A_354, %dma_start3A_355] : memref<10240x128xf32, #tpu.memory_space<vmem_shared>> -> memref<10240x128xf32, #tpu.memory_space<vmem_shared>>
      tpu.enqueue_indirect_dma source(%dma_start3A_350 : memref<128x128xf32, #tpu.memory_space<vmem>>) target(%dma_start3A_356 : memref<10240x128xf32, #tpu.memory_space<vmem_shared>>) offsets(%dma_start3A_353 : memref<128xi32, #tpu.memory_space<vmem>>) semaphore(%arg14 : memref<!tpu.dma_semaphore, #tpu.memory_space<semaphore_mem>>) {add = true}
      %mul3A_357 = arith.constant 2 : i32
      %mul3A_358 = arith.muli %mul3A_357, %scan3A_265 : i32
      %add3A_359 = arith.constant 3 : i32
      %add3A_360 = arith.addi %add3A_359, %mul3A_358 : i32
      %add3A_361 = arith.constant 1 : i32
      %add3A_362 = arith.addi %add3A_360, %add3A_361 : i32
      %sub3A_363 = arith.constant 2 : i32
      %sub3A_364 = arith.subi %add3A_362, %sub3A_363 : i32
      %dma_wait3A_365 = arith.constant 0 : i32
      %dma_wait3A_366 = arith.constant 0 : i32
      %dma_wait3A_367 = arith.constant 0 : i32
      %dma_wait3A_368 = arith.constant 0 : i32
      %dma_wait3A_369 = arith.constant 0 : i32
      %dma_wait3A_370 = tpu.memref_slice %arg9[%dma_wait3A_365, %dma_wait3A_368, %dma_wait3A_369] : memref<2x128x128xf32, #tpu.memory_space<vmem>> -> memref<1x128x128xf32, #tpu.memory_space<vmem>>
      %dma_wait3A_371 = tpu.memref_squeeze %dma_wait3A_370 : memref<1x128x128xf32, #tpu.memory_space<vmem>> -> memref<128x128xf32, #tpu.memory_space<vmem>>
      %dma_wait3A_372 = arith.constant 0 : i32
      %dma_wait3A_373 = tpu.memref_slice %arg8[%dma_wait3A_366, %dma_wait3A_367, %dma_wait3A_372] : memref<2x1x128xi32, #tpu.memory_space<vmem>> -> memref<1x1x128xi32, #tpu.memory_space<vmem>>
      %dma_wait3A_374 = tpu.memref_squeeze %dma_wait3A_373 : memref<1x1x128xi32, #tpu.memory_space<vmem>> -> memref<128xi32, #tpu.memory_space<vmem>>
      %dma_wait3A_375 = arith.constant 0 : i32
      %dma_wait3A_376 = arith.constant 0 : i32
      %dma_wait3A_377 = tpu.memref_slice %arg16[%dma_wait3A_375, %dma_wait3A_376] : memref<10240x128xf32, #tpu.memory_space<vmem_shared>> -> memref<10240x128xf32, #tpu.memory_space<vmem_shared>>
      tpu.wait_indirect_dma semaphore(%arg14 : memref<!tpu.dma_semaphore, #tpu.memory_space<semaphore_mem>>) src(%dma_wait3A_371 : memref<128x128xf32, #tpu.memory_space<vmem>>) dst(%dma_wait3A_377 : memref<10240x128xf32, #tpu.memory_space<vmem_shared>>)
      %dma_start3A_378 = arith.constant 0 : i32
      %dma_start3A_379 = arith.constant 0 : i32
      %dma_start3A_380 = arith.constant 0 : i32
      %dma_start3A_381 = tpu.memref_slice %arg9[%dma_start3A_378, %dma_start3A_379, %dma_start3A_380] : memref<2x128x128xf32, #tpu.memory_space<vmem>> -> memref<1x128x128xf32, #tpu.memory_space<vmem>>
      %dma_start3A_382 = tpu.memref_squeeze %dma_start3A_381 : memref<1x128x128xf32, #tpu.memory_space<vmem>> -> memref<128x128xf32, #tpu.memory_space<vmem>>
      %dma_start3A_383 = arith.constant 0 : i32
      %dma_start3A_384 = tpu.memref_slice %arg7[%add3A_362, %dma_start3A_383] : memref<79x128xi32, #tpu.memory_space<vmem>> -> memref<1x128xi32, #tpu.memory_space<vmem>>
      %dma_start3A_385 = tpu.memref_squeeze %dma_start3A_384 : memref<1x128xi32, #tpu.memory_space<vmem>> -> memref<128xi32, #tpu.memory_space<vmem>>
      %dma_start3A_386 = arith.constant 0 : i32
      %dma_start3A_387 = arith.constant 0 : i32
      %dma_start3A_388 = tpu.memref_slice %arg2[%dma_start3A_386, %dma_start3A_387] : memref<10000x128xf32, #tpu.memory_space<hbm>> -> memref<10000x128xf32, #tpu.memory_space<hbm>>
      tpu.enqueue_indirect_dma source(%dma_start3A_388 : memref<10000x128xf32, #tpu.memory_space<hbm>>) target(%dma_start3A_382 : memref<128x128xf32, #tpu.memory_space<vmem>>) offsets(%dma_start3A_385 : memref<128xi32, #tpu.memory_space<vmem>>) semaphore(%arg10 : memref<!tpu.dma_semaphore, #tpu.memory_space<semaphore_mem>>)
      %dma_start3A_389 = arith.constant 0 : i32
      %dma_start3A_390 = arith.constant 0 : i32
      %dma_start3A_391 = arith.constant 0 : i32
      %dma_start3A_392 = tpu.memref_slice %arg8[%dma_start3A_389, %dma_start3A_390, %dma_start3A_391] : memref<2x1x128xi32, #tpu.memory_space<vmem>> -> memref<1x1x128xi32, #tpu.memory_space<vmem>>
      %dma_start3A_393 = tpu.memref_squeeze %dma_start3A_392 : memref<1x1x128xi32, #tpu.memory_space<vmem>> -> memref<1x128xi32, #tpu.memory_space<vmem>>
      %dma_start3A_394 = arith.constant 0 : i32
      %dma_start3A_395 = tpu.memref_slice %arg4[%add3A, %add3A_362, %dma_start3A_394] : memref<32x79x128xi32, #tpu.memory_space<hbm>> -> memref<1x1x128xi32, #tpu.memory_space<hbm>>
      %dma_start3A_396 = tpu.memref_squeeze %dma_start3A_395 : memref<1x1x128xi32, #tpu.memory_space<hbm>> -> memref<1x128xi32, #tpu.memory_space<hbm>>
      %dma_start3A_397 = arith.constant 0 : i32
      %dma_start3A_398 = arith.constant 0 : i32
      %dma_start3A_399 = tpu.memref_slice %arg8[%dma_start3A_389, %dma_start3A_397, %dma_start3A_398] : memref<2x1x128xi32, #tpu.memory_space<vmem>> -> memref<1x1x128xi32, #tpu.memory_space<vmem>>
      %dma_start3A_400 = tpu.memref_squeeze %dma_start3A_399 : memref<1x1x128xi32, #tpu.memory_space<vmem>> -> memref<1x128xi32, #tpu.memory_space<vmem>>
      %dma_start3A_401 = arith.constant 0 : i32
      %dma_start3A_402 = tpu.memref_slice %arg4[%add3A, %add3A_362, %dma_start3A_401] : memref<32x79x128xi32, #tpu.memory_space<hbm>> -> memref<1x1x128xi32, #tpu.memory_space<hbm>>
      %dma_start3A_403 = tpu.memref_squeeze %dma_start3A_402 : memref<1x1x128xi32, #tpu.memory_space<hbm>> -> memref<1x128xi32, #tpu.memory_space<hbm>>
      tpu.enqueue_dma source(%dma_start3A_403 : memref<1x128xi32, #tpu.memory_space<hbm>>) target(%dma_start3A_400 : memref<1x128xi32, #tpu.memory_space<vmem>>) target_semaphore(%arg12 : memref<!tpu.dma_semaphore, #tpu.memory_space<semaphore_mem>>)
      %sub3A_404 = arith.constant 1 : i32
      %sub3A_405 = arith.subi %add3A_362, %sub3A_404 : i32
      %dma_wait3A_406 = arith.constant 1 : i32
      %dma_wait3A_407 = arith.constant 0 : i32
      %dma_wait3A_408 = arith.constant 0 : i32
      %dma_wait3A_409 = tpu.memref_slice %arg9[%dma_wait3A_406, %dma_wait3A_407, %dma_wait3A_408] : memref<2x128x128xf32, #tpu.memory_space<vmem>> -> memref<1x128x128xf32, #tpu.memory_space<vmem>>
      %dma_wait3A_410 = tpu.memref_squeeze %dma_wait3A_409 : memref<1x128x128xf32, #tpu.memory_space<vmem>> -> memref<128x128xf32, #tpu.memory_space<vmem>>
      %dma_wait3A_411 = arith.constant 0 : i32
      %dma_wait3A_412 = tpu.memref_slice %arg7[%sub3A_405, %dma_wait3A_411] : memref<79x128xi32, #tpu.memory_space<vmem>> -> memref<1x128xi32, #tpu.memory_space<vmem>>
      %dma_wait3A_413 = tpu.memref_squeeze %dma_wait3A_412 : memref<1x128xi32, #tpu.memory_space<vmem>> -> memref<128xi32, #tpu.memory_space<vmem>>
      %dma_wait3A_414 = arith.constant 0 : i32
      %dma_wait3A_415 = arith.constant 0 : i32
      %dma_wait3A_416 = tpu.memref_slice %arg2[%dma_wait3A_414, %dma_wait3A_415] : memref<10000x128xf32, #tpu.memory_space<hbm>> -> memref<10000x128xf32, #tpu.memory_space<hbm>>
      tpu.wait_indirect_dma semaphore(%arg11 : memref<!tpu.dma_semaphore, #tpu.memory_space<semaphore_mem>>) src(%dma_wait3A_416 : memref<10000x128xf32, #tpu.memory_space<hbm>>) dst(%dma_wait3A_410 : memref<128x128xf32, #tpu.memory_space<vmem>>)
      %sub3A_417 = arith.constant 1 : i32
      %sub3A_418 = arith.subi %add3A_362, %sub3A_417 : i32
      %dma_wait3A_419 = arith.constant 1 : i32
      %dma_wait3A_420 = arith.constant 0 : i32
      %dma_wait3A_421 = arith.constant 0 : i32
      %dma_wait3A_422 = tpu.memref_slice %arg8[%dma_wait3A_419, %dma_wait3A_420, %dma_wait3A_421] : memref<2x1x128xi32, #tpu.memory_space<vmem>> -> memref<1x1x128xi32, #tpu.memory_space<vmem>>
      %dma_wait3A_423 = tpu.memref_squeeze %dma_wait3A_422 : memref<1x1x128xi32, #tpu.memory_space<vmem>> -> memref<1x128xi32, #tpu.memory_space<vmem>>
      %dma_wait3A_424 = arith.constant 0 : i32
      %dma_wait3A_425 = tpu.memref_slice %arg4[%add3A, %sub3A_418, %dma_wait3A_424] : memref<32x79x128xi32, #tpu.memory_space<hbm>> -> memref<1x1x128xi32, #tpu.memory_space<hbm>>
      %dma_wait3A_426 = tpu.memref_squeeze %dma_wait3A_425 : memref<1x1x128xi32, #tpu.memory_space<hbm>> -> memref<1x128xi32, #tpu.memory_space<hbm>>
      %dma_wait3A_427 = arith.constant 0 : i32
      %dma_wait3A_428 = arith.constant 0 : i32
      %dma_wait3A_429 = tpu.memref_slice %arg8[%dma_wait3A_419, %dma_wait3A_427, %dma_wait3A_428] : memref<2x1x128xi32, #tpu.memory_space<vmem>> -> memref<1x1x128xi32, #tpu.memory_space<vmem>>
      %dma_wait3A_430 = tpu.memref_squeeze %dma_wait3A_429 : memref<1x1x128xi32, #tpu.memory_space<vmem>> -> memref<1x128xi32, #tpu.memory_space<vmem>>
      %dma_wait3A_431 = arith.constant 0 : i32
      %dma_wait3A_432 = tpu.memref_slice %arg4[%add3A, %sub3A_418, %dma_wait3A_431] : memref<32x79x128xi32, #tpu.memory_space<hbm>> -> memref<1x1x128xi32, #tpu.memory_space<hbm>>
      %dma_wait3A_433 = tpu.memref_squeeze %dma_wait3A_432 : memref<1x1x128xi32, #tpu.memory_space<hbm>> -> memref<1x128xi32, #tpu.memory_space<hbm>>
      tpu.wait_dma2 semaphore(%arg13 : memref<!tpu.dma_semaphore, #tpu.memory_space<semaphore_mem>>) src(%dma_wait3A_433 : memref<1x128xi32, #tpu.memory_space<hbm>>) dst(%dma_wait3A_430 : memref<1x128xi32, #tpu.memory_space<vmem>>)
      %sub3A_434 = arith.constant 1 : i32
      %sub3A_435 = arith.subi %add3A_362, %sub3A_434 : i32
      %dma_start3A_436 = arith.constant 1 : i32
      %dma_start3A_437 = arith.constant 1 : i32
      %dma_start3A_438 = arith.constant 0 : i32
      %dma_start3A_439 = arith.constant 0 : i32
      %dma_start3A_440 = arith.constant 0 : i32
      %dma_start3A_441 = tpu.memref_slice %arg9[%dma_start3A_436, %dma_start3A_439, %dma_start3A_440] : memref<2x128x128xf32, #tpu.memory_space<vmem>> -> memref<1x128x128xf32, #tpu.memory_space<vmem>>
      %dma_start3A_442 = tpu.memref_squeeze %dma_start3A_441 : memref<1x128x128xf32, #tpu.memory_space<vmem>> -> memref<128x128xf32, #tpu.memory_space<vmem>>
      %dma_start3A_443 = arith.constant 0 : i32
      %dma_start3A_444 = tpu.memref_slice %arg8[%dma_start3A_437, %dma_start3A_438, %dma_start3A_443] : memref<2x1x128xi32, #tpu.memory_space<vmem>> -> memref<1x1x128xi32, #tpu.memory_space<vmem>>
      %dma_start3A_445 = tpu.memref_squeeze %dma_start3A_444 : memref<1x1x128xi32, #tpu.memory_space<vmem>> -> memref<128xi32, #tpu.memory_space<vmem>>
      %dma_start3A_446 = arith.constant 0 : i32
      %dma_start3A_447 = arith.constant 0 : i32
      %dma_start3A_448 = tpu.memref_slice %arg16[%dma_start3A_446, %dma_start3A_447] : memref<10240x128xf32, #tpu.memory_space<vmem_shared>> -> memref<10240x128xf32, #tpu.memory_space<vmem_shared>>
      tpu.enqueue_indirect_dma source(%dma_start3A_442 : memref<128x128xf32, #tpu.memory_space<vmem>>) target(%dma_start3A_448 : memref<10240x128xf32, #tpu.memory_space<vmem_shared>>) offsets(%dma_start3A_445 : memref<128xi32, #tpu.memory_space<vmem>>) semaphore(%arg15 : memref<!tpu.dma_semaphore, #tpu.memory_space<semaphore_mem>>) {add = true}
    }
    %scan3A_191 = arith.constant 38 : i32
    %dma_wait3A_192 = arith.constant 78 : i32
    %dma_wait3A_193 = arith.constant 0 : i32
    %dma_wait3A_194 = arith.constant 0 : i32
    %dma_wait3A_195 = arith.constant 0 : i32
    %dma_wait3A_196 = tpu.memref_slice %arg9[%dma_wait3A_193, %dma_wait3A_194, %dma_wait3A_195] : memref<2x128x128xf32, #tpu.memory_space<vmem>> -> memref<1x128x128xf32, #tpu.memory_space<vmem>>
    %dma_wait3A_197 = tpu.memref_squeeze %dma_wait3A_196 : memref<1x128x128xf32, #tpu.memory_space<vmem>> -> memref<128x128xf32, #tpu.memory_space<vmem>>
    %dma_wait3A_198 = arith.constant 0 : i32
    %dma_wait3A_199 = tpu.memref_slice %arg7[%dma_wait3A_192, %dma_wait3A_198] : memref<79x128xi32, #tpu.memory_space<vmem>> -> memref<1x128xi32, #tpu.memory_space<vmem>>
    %dma_wait3A_200 = tpu.memref_squeeze %dma_wait3A_199 : memref<1x128xi32, #tpu.memory_space<vmem>> -> memref<128xi32, #tpu.memory_space<vmem>>
    %dma_wait3A_201 = arith.constant 0 : i32
    %dma_wait3A_202 = arith.constant 0 : i32
    %dma_wait3A_203 = tpu.memref_slice %arg2[%dma_wait3A_201, %dma_wait3A_202] : memref<10000x128xf32, #tpu.memory_space<hbm>> -> memref<10000x128xf32, #tpu.memory_space<hbm>>
    tpu.wait_indirect_dma semaphore(%arg10 : memref<!tpu.dma_semaphore, #tpu.memory_space<semaphore_mem>>) src(%dma_wait3A_203 : memref<10000x128xf32, #tpu.memory_space<hbm>>) dst(%dma_wait3A_197 : memref<128x128xf32, #tpu.memory_space<vmem>>)
    %dma_wait3A_204 = arith.constant 0 : i32
    %dma_wait3A_205 = arith.constant 0 : i32
    %dma_wait3A_206 = arith.constant 0 : i32
    %dma_wait3A_207 = tpu.memref_slice %arg8[%dma_wait3A_204, %dma_wait3A_205, %dma_wait3A_206] : memref<2x1x128xi32, #tpu.memory_space<vmem>> -> memref<1x1x128xi32, #tpu.memory_space<vmem>>
    %dma_wait3A_208 = tpu.memref_squeeze %dma_wait3A_207 : memref<1x1x128xi32, #tpu.memory_space<vmem>> -> memref<1x128xi32, #tpu.memory_space<vmem>>
    %dma_wait3A_209 = arith.constant 78 : i32
    %dma_wait3A_210 = arith.constant 0 : i32
    %dma_wait3A_211 = tpu.memref_slice %arg4[%add3A, %dma_wait3A_209, %dma_wait3A_210] : memref<32x79x128xi32, #tpu.memory_space<hbm>> -> memref<1x1x128xi32, #tpu.memory_space<hbm>>
    %dma_wait3A_212 = tpu.memref_squeeze %dma_wait3A_211 : memref<1x1x128xi32, #tpu.memory_space<hbm>> -> memref<1x128xi32, #tpu.memory_space<hbm>>
    %dma_wait3A_213 = arith.constant 0 : i32
    %dma_wait3A_214 = arith.constant 0 : i32
    %dma_wait3A_215 = tpu.memref_slice %arg8[%dma_wait3A_204, %dma_wait3A_213, %dma_wait3A_214] : memref<2x1x128xi32, #tpu.memory_space<vmem>> -> memref<1x1x128xi32, #tpu.memory_space<vmem>>
    %dma_wait3A_216 = tpu.memref_squeeze %dma_wait3A_215 : memref<1x1x128xi32, #tpu.memory_space<vmem>> -> memref<1x128xi32, #tpu.memory_space<vmem>>
    %dma_wait3A_217 = arith.constant 78 : i32
    %dma_wait3A_218 = arith.constant 0 : i32
    %dma_wait3A_219 = tpu.memref_slice %arg4[%add3A, %dma_wait3A_217, %dma_wait3A_218] : memref<32x79x128xi32, #tpu.memory_space<hbm>> -> memref<1x1x128xi32, #tpu.memory_space<hbm>>
    %dma_wait3A_220 = tpu.memref_squeeze %dma_wait3A_219 : memref<1x1x128xi32, #tpu.memory_space<hbm>> -> memref<1x128xi32, #tpu.memory_space<hbm>>
    tpu.wait_dma2 semaphore(%arg12 : memref<!tpu.dma_semaphore, #tpu.memory_space<semaphore_mem>>) src(%dma_wait3A_220 : memref<1x128xi32, #tpu.memory_space<hbm>>) dst(%dma_wait3A_216 : memref<1x128xi32, #tpu.memory_space<vmem>>)
    %dma_start3A_221 = arith.constant 0 : i32
    %dma_start3A_222 = arith.constant 0 : i32
    %dma_start3A_223 = arith.constant 0 : i32
    %dma_start3A_224 = arith.constant 0 : i32
    %dma_start3A_225 = arith.constant 0 : i32
    %dma_start3A_226 = tpu.memref_slice %arg9[%dma_start3A_221, %dma_start3A_224, %dma_start3A_225] : memref<2x128x128xf32, #tpu.memory_space<vmem>> -> memref<1x128x128xf32, #tpu.memory_space<vmem>>
    %dma_start3A_227 = tpu.memref_squeeze %dma_start3A_226 : memref<1x128x128xf32, #tpu.memory_space<vmem>> -> memref<128x128xf32, #tpu.memory_space<vmem>>
    %dma_start3A_228 = arith.constant 0 : i32
    %dma_start3A_229 = tpu.memref_slice %arg8[%dma_start3A_222, %dma_start3A_223, %dma_start3A_228] : memref<2x1x128xi32, #tpu.memory_space<vmem>> -> memref<1x1x128xi32, #tpu.memory_space<vmem>>
    %dma_start3A_230 = tpu.memref_squeeze %dma_start3A_229 : memref<1x1x128xi32, #tpu.memory_space<vmem>> -> memref<128xi32, #tpu.memory_space<vmem>>
    %dma_start3A_231 = arith.constant 0 : i32
    %dma_start3A_232 = arith.constant 0 : i32
    %dma_start3A_233 = tpu.memref_slice %arg16[%dma_start3A_231, %dma_start3A_232] : memref<10240x128xf32, #tpu.memory_space<vmem_shared>> -> memref<10240x128xf32, #tpu.memory_space<vmem_shared>>
    tpu.enqueue_indirect_dma source(%dma_start3A_227 : memref<128x128xf32, #tpu.memory_space<vmem>>) target(%dma_start3A_233 : memref<10240x128xf32, #tpu.memory_space<vmem_shared>>) offsets(%dma_start3A_230 : memref<128xi32, #tpu.memory_space<vmem>>) semaphore(%arg14 : memref<!tpu.dma_semaphore, #tpu.memory_space<semaphore_mem>>) {add = true}
    %dma_wait3A_234 = arith.constant 1 : i32
    %dma_wait3A_235 = arith.constant 1 : i32
    %dma_wait3A_236 = arith.constant 0 : i32
    %dma_wait3A_237 = arith.constant 0 : i32
    %dma_wait3A_238 = arith.constant 0 : i32
    %dma_wait3A_239 = tpu.memref_slice %arg9[%dma_wait3A_234, %dma_wait3A_237, %dma_wait3A_238] : memref<2x128x128xf32, #tpu.memory_space<vmem>> -> memref<1x128x128xf32, #tpu.memory_space<vmem>>
    %dma_wait3A_240 = tpu.memref_squeeze %dma_wait3A_239 : memref<1x128x128xf32, #tpu.memory_space<vmem>> -> memref<128x128xf32, #tpu.memory_space<vmem>>
    %dma_wait3A_241 = arith.constant 0 : i32
    %dma_wait3A_242 = tpu.memref_slice %arg8[%dma_wait3A_235, %dma_wait3A_236, %dma_wait3A_241] : memref<2x1x128xi32, #tpu.memory_space<vmem>> -> memref<1x1x128xi32, #tpu.memory_space<vmem>>
    %dma_wait3A_243 = tpu.memref_squeeze %dma_wait3A_242 : memref<1x1x128xi32, #tpu.memory_space<vmem>> -> memref<128xi32, #tpu.memory_space<vmem>>
    %dma_wait3A_244 = arith.constant 0 : i32
    %dma_wait3A_245 = arith.constant 0 : i32
    %dma_wait3A_246 = tpu.memref_slice %arg16[%dma_wait3A_244, %dma_wait3A_245] : memref<10240x128xf32, #tpu.memory_space<vmem_shared>> -> memref<10240x128xf32, #tpu.memory_space<vmem_shared>>
    tpu.wait_indirect_dma semaphore(%arg15 : memref<!tpu.dma_semaphore, #tpu.memory_space<semaphore_mem>>) src(%dma_wait3A_240 : memref<128x128xf32, #tpu.memory_space<vmem>>) dst(%dma_wait3A_246 : memref<10240x128xf32, #tpu.memory_space<vmem_shared>>)
    %dma_wait3A_247 = arith.constant 0 : i32
    %dma_wait3A_248 = arith.constant 0 : i32
    %dma_wait3A_249 = arith.constant 0 : i32
    %dma_wait3A_250 = arith.constant 0 : i32
    %dma_wait3A_251 = arith.constant 0 : i32
    %dma_wait3A_252 = tpu.memref_slice %arg9[%dma_wait3A_247, %dma_wait3A_250, %dma_wait3A_251] : memref<2x128x128xf32, #tpu.memory_space<vmem>> -> memref<1x128x128xf32, #tpu.memory_space<vmem>>
    %dma_wait3A_253 = tpu.memref_squeeze %dma_wait3A_252 : memref<1x128x128xf32, #tpu.memory_space<vmem>> -> memref<128x128xf32, #tpu.memory_space<vmem>>
    %dma_wait3A_254 = arith.constant 0 : i32
    %dma_wait3A_255 = tpu.memref_slice %arg8[%dma_wait3A_248, %dma_wait3A_249, %dma_wait3A_254] : memref<2x1x128xi32, #tpu.memory_space<vmem>> -> memref<1x1x128xi32, #tpu.memory_space<vmem>>
    %dma_wait3A_256 = tpu.memref_squeeze %dma_wait3A_255 : memref<1x1x128xi32, #tpu.memory_space<vmem>> -> memref<128xi32, #tpu.memory_space<vmem>>
    %dma_wait3A_257 = arith.constant 0 : i32
    %dma_wait3A_258 = arith.constant 0 : i32
    %dma_wait3A_259 = tpu.memref_slice %arg16[%dma_wait3A_257, %dma_wait3A_258] : memref<10240x128xf32, #tpu.memory_space<vmem_shared>> -> memref<10240x128xf32, #tpu.memory_space<vmem_shared>>
    tpu.wait_indirect_dma semaphore(%arg14 : memref<!tpu.dma_semaphore, #tpu.memory_space<semaphore_mem>>) src(%dma_wait3A_253 : memref<128x128xf32, #tpu.memory_space<vmem>>) dst(%dma_wait3A_259 : memref<10240x128xf32, #tpu.memory_space<vmem_shared>>)
    %barrier3A_260 = arith.constant 0 : index
    tpu.barrier barrier_id(%barrier3A_260)
    %mul3A_261 = arith.constant 640 : i32
    %mul3A_262 = arith.muli %arg1, %mul3A_261 : i32
    %mul3A_263 = arith.constant 640 : i32
    %mul3A_264 = arith.muli %arg1, %mul3A_263 : i32
    "tpu.region"() ({
      %run_scoped3A = tpu.sem_alloc : memref<!tpu.dma_semaphore, #tpu.memory_space<semaphore_mem>>
      %dma_start3A_265 = arith.constant 0 : i32
      %dma_start3A_266 = tpu.memref_slice %arg6[%arg0, %mul3A_264, %dma_start3A_265] : memref<2x10240x128xf32, #tpu.memory_space<hbm>> -> memref<1x640x128xf32, #tpu.memory_space<hbm>>
      %dma_start3A_267 = tpu.memref_squeeze %dma_start3A_266 : memref<1x640x128xf32, #tpu.memory_space<hbm>> -> memref<640x128xf32, #tpu.memory_space<hbm>>
      %dma_start3A_268 = arith.constant 0 : i32
      %dma_start3A_269 = tpu.memref_slice %arg16[%mul3A_262, %dma_start3A_268] : memref<10240x128xf32, #tpu.memory_space<vmem_shared>> -> memref<640x128xf32, #tpu.memory_space<vmem_shared>>
      tpu.enqueue_dma source(%dma_start3A_269 : memref<640x128xf32, #tpu.memory_space<vmem_shared>>) target(%dma_start3A_267 : memref<640x128xf32, #tpu.memory_space<hbm>>) target_semaphore(%run_scoped3A : memref<!tpu.dma_semaphore, #tpu.memory_space<semaphore_mem>>)
      %dma_wait3A_270 = arith.constant 0 : i32
      %dma_wait3A_271 = tpu.memref_slice %arg6[%arg0, %mul3A_264, %dma_wait3A_270] : memref<2x10240x128xf32, #tpu.memory_space<hbm>> -> memref<1x640x128xf32, #tpu.memory_space<hbm>>
      %dma_wait3A_272 = tpu.memref_squeeze %dma_wait3A_271 : memref<1x640x128xf32, #tpu.memory_space<hbm>> -> memref<640x128xf32, #tpu.memory_space<hbm>>
      %dma_wait3A_273 = arith.constant 0 : i32
      %dma_wait3A_274 = tpu.memref_slice %arg16[%mul3A_262, %dma_wait3A_273] : memref<10240x128xf32, #tpu.memory_space<vmem_shared>> -> memref<640x128xf32, #tpu.memory_space<vmem_shared>>
      tpu.wait_dma2 semaphore(%run_scoped3A : memref<!tpu.dma_semaphore, #tpu.memory_space<semaphore_mem>>) src(%dma_wait3A_274 : memref<640x128xf32, #tpu.memory_space<vmem_shared>>) dst(%dma_wait3A_272 : memref<640x128xf32, #tpu.memory_space<hbm>>)
      tpu.yield
    }) : () -> ()
    return
  }
}

module attributes {stable_mosaic.version = 14 : i64} {
  func.func @_tc_enc_body(%arg0: i32, %arg1: memref<1000x128xf32, #tpu.memory_space<vmem>>, %arg2: memref<128x128xf32, #tpu.memory_space<vmem>>, %arg3: memref<1x128xf32, #tpu.memory_space<vmem>>, %arg4: memref<128x128xf32, #tpu.memory_space<vmem>>, %arg5: memref<1000x128xf32, #tpu.memory_space<vmem>>) attributes {dimension_semantics = [#tpu.dimension_semantics<arbitrary>], iteration_bounds = array<i64: 10>, scalar_prefetch = 0 : i64, scratch_operands = 0 : i64, tpu.core_type = #tpu.core_type<tc>, window_params = [{transform_indices = @transform_0, window_bounds = array<i64: 1000, 128>}, {pipeline_mode = #tpu.pipeline_mode<synchronous>, transform_indices = @transform_1, window_bounds = array<i64: 128, 128>}, {pipeline_mode = #tpu.pipeline_mode<synchronous>, transform_indices = @transform_2, window_bounds = array<i64: 1, 128>}, {pipeline_mode = #tpu.pipeline_mode<synchronous>, transform_indices = @transform_3, window_bounds = array<i64: 128, 128>}, {transform_indices = @transform_4, window_bounds = array<i64: 1000, 128>}]} {
    %get3A = arith.constant 0 : index
    %get3A_0 = arith.constant 0 : index
    %get3A_1 = vector.load %arg1[%get3A, %get3A_0] : memref<1000x128xf32, #tpu.memory_space<vmem>>, vector<1000x128xf32>
    %get3A_2 = arith.constant 0 : index
    %get3A_3 = arith.constant 0 : index
    %get3A_4 = vector.load %arg2[%get3A_2, %get3A_3] : memref<128x128xf32, #tpu.memory_space<vmem>>, vector<128x128xf32>
    %dot_general3A = arith.constant dense<0.000000e+00> : vector<1000x128xf32>
    %dot_general3A_5 = tpu.matmul %get3A_1, %get3A_4, %dot_general3A {dimension_numbers = #tpu.dot_dimension_numbers<[1], [0], [0], [1], [0, 0, 1, 1], [], []>, transpose_lhs_hint = false} : vector<1000x128xf32>, vector<128x128xf32>, vector<1000x128xf32> -> vector<1000x128xf32>
    %get3A_6 = arith.constant 0 : index
    %get3A_7 = arith.constant 0 : index
    %get3A_8 = vector.load %arg3[%get3A_6, %get3A_7] : memref<1x128xf32, #tpu.memory_space<vmem>>, vector<1x128xf32>
    %add3A = vector.broadcast %get3A_8 : vector<1x128xf32> to vector<1000x128xf32>
    %add3A_9 = arith.addf %dot_general3A_5, %add3A : vector<1000x128xf32>
    %get3A_10 = arith.constant 0 : index
    %get3A_11 = arith.constant 0 : index
    %get3A_12 = vector.load %arg4[%get3A_10, %get3A_11] : memref<128x128xf32, #tpu.memory_space<vmem>>, vector<128x128xf32>
    %dot_general3A_13 = arith.constant dense<0.000000e+00> : vector<1000x128xf32>
    %dot_general3A_14 = tpu.matmul %add3A_9, %get3A_12, %dot_general3A_13 {dimension_numbers = #tpu.dot_dimension_numbers<[1], [0], [0], [1], [0, 0, 1, 1], [], []>, transpose_lhs_hint = false} : vector<1000x128xf32>, vector<128x128xf32>, vector<1000x128xf32> -> vector<1000x128xf32>
    %swap3A = arith.constant 0 : index
    %swap3A_15 = arith.constant 0 : index
    %swap3A_16 = vector.load %arg5[%swap3A, %swap3A_15] : memref<1000x128xf32, #tpu.memory_space<vmem>>, vector<1000x128xf32>
    tpu.vector_store %arg5[%swap3A, %swap3A_15], %dot_general3A_14 {strides = array<i32>} : memref<1000x128xf32, #tpu.memory_space<vmem>>, vector<1000x128xf32>,
    return
  }
  func.func @transform_0(%arg0: i32) -> (i32, i32) {
    %c0_i32 = arith.constant 0 : i32
    %c0_i32_0 = arith.constant 0 : i32
    return %arg0, %c0_i32 : i32, i32
  }
  func.func @transform_1(%arg0: i32) -> (i32, i32) {
    %c0_i32 = arith.constant 0 : i32
    %c0_i32_0 = arith.constant 0 : i32
    %c0_i32_1 = arith.constant 0 : i32
    return %c0_i32, %c0_i32_0 : i32, i32
  }
  func.func @transform_2(%arg0: i32) -> (i32, i32) {
    %c0_i32 = arith.constant 0 : i32
    %c0_i32_0 = arith.constant 0 : i32
    %c0_i32_1 = arith.constant 0 : i32
    return %c0_i32, %c0_i32_0 : i32, i32
  }
  func.func @transform_3(%arg0: i32) -> (i32, i32) {
    %c0_i32 = arith.constant 0 : i32
    %c0_i32_0 = arith.constant 0 : i32
    %c0_i32_1 = arith.constant 0 : i32
    return %c0_i32, %c0_i32_0 : i32, i32
  }
  func.func @transform_4(%arg0: i32) -> (i32, i32) {
    %c0_i32 = arith.constant 0 : i32
    %c0_i32_0 = arith.constant 0 : i32
    return %arg0, %c0_i32 : i32, i32
  }
}

module attributes {stable_mosaic.version = 14 : i64} {
  func.func @_tc_g1_body(%arg0: i32, %arg1: memref<2x1000x128xf32, #tpu.memory_space<vmem>>, %arg2: memref<1000x128xf32, #tpu.memory_space<vmem>>, %arg3: memref<1000x128xf32, #tpu.memory_space<vmem>>, %arg4: memref<1000x8xf32, #tpu.memory_space<vmem>>) attributes {dimension_semantics = [#tpu.dimension_semantics<arbitrary>], iteration_bounds = array<i64: 10>, scalar_prefetch = 0 : i64, scratch_operands = 0 : i64, tpu.core_type = #tpu.core_type<tc>, window_params = [{transform_indices = @transform_0, window_bounds = array<i64: 2, 1000, 128>}, {transform_indices = @transform_1, window_bounds = array<i64: 1000, 128>}, {transform_indices = @transform_2, window_bounds = array<i64: 1000, 128>}, {transform_indices = @transform_3, window_bounds = array<i64: 1000, 8>}]} {
    %get3A = arith.constant 0 : index
    %get3A_0 = arith.constant 0 : index
    %get3A_1 = arith.constant 0 : index
    %get3A_2 = vector.load %arg1[%get3A, %get3A_0, %get3A_1] : memref<2x1000x128xf32, #tpu.memory_space<vmem>>, vector<1x1000x1xf32>
    %get3A_3 = vector.shape_cast %get3A_2 : vector<1x1000x1xf32> to vector<1000x1xf32>
    %get3A_4 = arith.constant 1 : index
    %get3A_5 = arith.constant 0 : index
    %get3A_6 = arith.constant 0 : index
    %get3A_7 = vector.load %arg1[%get3A_4, %get3A_5, %get3A_6] : memref<2x1000x128xf32, #tpu.memory_space<vmem>>, vector<1x1000x1xf32>
    %get3A_8 = vector.shape_cast %get3A_7 : vector<1x1000x1xf32> to vector<1000x1xf32>
    %add3A = arith.addf %get3A_3, %get3A_8 : vector<1000x1xf32>
    %add3A_9 = arith.constant 1.000000e+00 : f32
    %add3A_10 = vector.broadcast %add3A_9 : f32 to vector<1000x1xf32>
    %add3A_11 = arith.addf %add3A, %add3A_10 : vector<1000x1xf32>
    %rsqrt3A = math.rsqrt %add3A_11 : vector<1000x1xf32>
    %get3A_12 = arith.constant 0 : index
    %get3A_13 = arith.constant 0 : index
    %get3A_14 = vector.load %arg2[%get3A_12, %get3A_13] : memref<1000x128xf32, #tpu.memory_space<vmem>>, vector<1000x128xf32>
    %mul3A = vector.broadcast %rsqrt3A : vector<1000x1xf32> to vector<1000x128xf32>
    %mul3A_15 = arith.mulf %mul3A, %get3A_14 : vector<1000x128xf32>
    %swap3A = arith.constant 0 : index
    %swap3A_16 = arith.constant 0 : index
    %swap3A_17 = vector.load %arg3[%swap3A, %swap3A_16] : memref<1000x128xf32, #tpu.memory_space<vmem>>, vector<1000x128xf32>
    tpu.vector_store %arg3[%swap3A, %swap3A_16], %mul3A_15 {strides = array<i32>} : memref<1000x128xf32, #tpu.memory_space<vmem>>, vector<1000x128xf32>,
    %broadcast_in_dim3A = vector.shape_cast %rsqrt3A : vector<1000x1xf32> to vector<1000x1xf32>
    %broadcast_in_dim3A_18 = vector.broadcast %broadcast_in_dim3A : vector<1000x1xf32> to vector<1000x8xf32>
    %swap3A_19 = arith.constant 0 : index
    %swap3A_20 = arith.constant 0 : index
    %swap3A_21 = vector.load %arg4[%swap3A_19, %swap3A_20] : memref<1000x8xf32, #tpu.memory_space<vmem>>, vector<1000x8xf32>
    tpu.vector_store %arg4[%swap3A_19, %swap3A_20], %broadcast_in_dim3A_18 {strides = array<i32>} : memref<1000x8xf32, #tpu.memory_space<vmem>>, vector<1000x8xf32>,
    return
  }
  func.func @transform_0(%arg0: i32) -> (i32, i32, i32) {
    %c0_i32 = arith.constant 0 : i32
    %c0_i32_0 = arith.constant 0 : i32
    %c0_i32_1 = arith.constant 0 : i32
    return %c0_i32, %arg0, %c0_i32_0 : i32, i32, i32
  }
  func.func @transform_1(%arg0: i32) -> (i32, i32) {
    %c0_i32 = arith.constant 0 : i32
    %c0_i32_0 = arith.constant 0 : i32
    return %arg0, %c0_i32 : i32, i32
  }
  func.func @transform_2(%arg0: i32) -> (i32, i32) {
    %c0_i32 = arith.constant 0 : i32
    %c0_i32_0 = arith.constant 0 : i32
    return %arg0, %c0_i32 : i32, i32
  }
  func.func @transform_3(%arg0: i32) -> (i32, i32) {
    %c0_i32 = arith.constant 0 : i32
    %c0_i32_0 = arith.constant 0 : i32
    return %arg0, %c0_i32 : i32, i32
  }
}

module attributes {stable_mosaic.version = 14 : i64} {
  func.func @_tc_mid_body(%arg0: i32, %arg1: memref<2x1000x128xf32, #tpu.memory_space<vmem>>, %arg2: memref<1000x128xf32, #tpu.memory_space<vmem>>, %arg3: memref<1000x8xf32, #tpu.memory_space<vmem>>, %arg4: memref<1x128xf32, #tpu.memory_space<vmem>>, %arg5: memref<128x128xf32, #tpu.memory_space<vmem>>, %arg6: memref<1000x128xf32, #tpu.memory_space<vmem>>) attributes {dimension_semantics = [#tpu.dimension_semantics<arbitrary>], iteration_bounds = array<i64: 10>, scalar_prefetch = 0 : i64, scratch_operands = 0 : i64, tpu.core_type = #tpu.core_type<tc>, window_params = [{transform_indices = @transform_0, window_bounds = array<i64: 2, 1000, 128>}, {transform_indices = @transform_1, window_bounds = array<i64: 1000, 128>}, {transform_indices = @transform_2, window_bounds = array<i64: 1000, 8>}, {pipeline_mode = #tpu.pipeline_mode<synchronous>, transform_indices = @transform_3, window_bounds = array<i64: 1, 128>}, {pipeline_mode = #tpu.pipeline_mode<synchronous>, transform_indices = @transform_4, window_bounds = array<i64: 128, 128>}, {transform_indices = @transform_5, window_bounds = array<i64: 1000, 128>}]} {
    %get3A = arith.constant 0 : index
    %get3A_0 = arith.constant 0 : index
    %get3A_1 = vector.load %arg3[%get3A, %get3A_0] : memref<1000x8xf32, #tpu.memory_space<vmem>>, vector<1000x1xf32>
    %get3A_2 = arith.constant 0 : index
    %get3A_3 = arith.constant 0 : index
    %get3A_4 = arith.constant 0 : index
    %get3A_5 = vector.load %arg1[%get3A_2, %get3A_3, %get3A_4] : memref<2x1000x128xf32, #tpu.memory_space<vmem>>, vector<1x1000x128xf32>
    %get3A_6 = vector.shape_cast %get3A_5 : vector<1x1000x128xf32> to vector<1000x128xf32>
    %get3A_7 = arith.constant 1 : index
    %get3A_8 = arith.constant 0 : index
    %get3A_9 = arith.constant 0 : index
    %get3A_10 = vector.load %arg1[%get3A_7, %get3A_8, %get3A_9] : memref<2x1000x128xf32, #tpu.memory_space<vmem>>, vector<1x1000x128xf32>
    %get3A_11 = vector.shape_cast %get3A_10 : vector<1x1000x128xf32> to vector<1000x128xf32>
    %add3A = arith.addf %get3A_6, %get3A_11 : vector<1000x128xf32>
    %get3A_12 = arith.constant 0 : index
    %get3A_13 = arith.constant 0 : index
    %get3A_14 = vector.load %arg2[%get3A_12, %get3A_13] : memref<1000x128xf32, #tpu.memory_space<vmem>>, vector<1000x128xf32>
    %add3A_15 = arith.addf %add3A, %get3A_14 : vector<1000x128xf32>
    %mul3A = vector.broadcast %get3A_1 : vector<1000x1xf32> to vector<1000x128xf32>
    %mul3A_16 = arith.mulf %mul3A, %add3A_15 : vector<1000x128xf32>
    %get3A_17 = arith.constant 0 : index
    %get3A_18 = arith.constant 0 : index
    %get3A_19 = vector.load %arg4[%get3A_17, %get3A_18] : memref<1x128xf32, #tpu.memory_space<vmem>>, vector<1x128xf32>
    %add3A_20 = vector.broadcast %get3A_19 : vector<1x128xf32> to vector<1000x128xf32>
    %add3A_21 = arith.addf %mul3A_16, %add3A_20 : vector<1000x128xf32>
    %max3A = arith.constant 0.000000e+00 : f32
    %max3A_22 = vector.broadcast %max3A : f32 to vector<1000x128xf32>
    %max3A_23 = arith.maximumf %add3A_21, %max3A_22 : vector<1000x128xf32>
    %get3A_24 = arith.constant 0 : index
    %get3A_25 = arith.constant 0 : index
    %get3A_26 = vector.load %arg5[%get3A_24, %get3A_25] : memref<128x128xf32, #tpu.memory_space<vmem>>, vector<128x128xf32>
    %dot_general3A = arith.constant dense<0.000000e+00> : vector<1000x128xf32>
    %dot_general3A_27 = tpu.matmul %max3A_23, %get3A_26, %dot_general3A {dimension_numbers = #tpu.dot_dimension_numbers<[1], [0], [0], [1], [0, 0, 1, 1], [], []>, transpose_lhs_hint = false} : vector<1000x128xf32>, vector<128x128xf32>, vector<1000x128xf32> -> vector<1000x128xf32>
    %mul3A_28 = vector.broadcast %get3A_1 : vector<1000x1xf32> to vector<1000x128xf32>
    %mul3A_29 = arith.mulf %mul3A_28, %dot_general3A_27 : vector<1000x128xf32>
    %swap3A = arith.constant 0 : index
    %swap3A_30 = arith.constant 0 : index
    %swap3A_31 = vector.load %arg6[%swap3A, %swap3A_30] : memref<1000x128xf32, #tpu.memory_space<vmem>>, vector<1000x128xf32>
    tpu.vector_store %arg6[%swap3A, %swap3A_30], %mul3A_29 {strides = array<i32>} : memref<1000x128xf32, #tpu.memory_space<vmem>>, vector<1000x128xf32>,
    return
  }
  func.func @transform_0(%arg0: i32) -> (i32, i32, i32) {
    %c0_i32 = arith.constant 0 : i32
    %c0_i32_0 = arith.constant 0 : i32
    %c0_i32_1 = arith.constant 0 : i32
    return %c0_i32, %arg0, %c0_i32_0 : i32, i32, i32
  }
  func.func @transform_1(%arg0: i32) -> (i32, i32) {
    %c0_i32 = arith.constant 0 : i32
    %c0_i32_0 = arith.constant 0 : i32
    return %arg0, %c0_i32 : i32, i32
  }
  func.func @transform_2(%arg0: i32) -> (i32, i32) {
    %c0_i32 = arith.constant 0 : i32
    %c0_i32_0 = arith.constant 0 : i32
    return %arg0, %c0_i32 : i32, i32
  }
  func.func @transform_3(%arg0: i32) -> (i32, i32) {
    %c0_i32 = arith.constant 0 : i32
    %c0_i32_0 = arith.constant 0 : i32
    %c0_i32_1 = arith.constant 0 : i32
    return %c0_i32, %c0_i32_0 : i32, i32
  }
  func.func @transform_4(%arg0: i32) -> (i32, i32) {
    %c0_i32 = arith.constant 0 : i32
    %c0_i32_0 = arith.constant 0 : i32
    %c0_i32_1 = arith.constant 0 : i32
    return %c0_i32, %c0_i32_0 : i32, i32
  }
  func.func @transform_5(%arg0: i32) -> (i32, i32) {
    %c0_i32 = arith.constant 0 : i32
    %c0_i32_0 = arith.constant 0 : i32
    return %arg0, %c0_i32 : i32, i32
  }
}

module attributes {stable_mosaic.version = 14 : i64} {
  func.func @_tc_final_body(%arg0: i32, %arg1: memref<2x1000x128xf32, #tpu.memory_space<vmem>>, %arg2: memref<1000x128xf32, #tpu.memory_space<vmem>>, %arg3: memref<1000x8xf32, #tpu.memory_space<vmem>>, %arg4: memref<1x128xf32, #tpu.memory_space<vmem>>, %arg5: memref<1000x8xi32, #tpu.memory_space<vmem>>, %arg6: memref<128x10xf32, #tpu.memory_space<vmem>>, %arg7: memref<1x10xf32, #tpu.memory_space<vmem>>, %arg8: memref<128x10xf32, #tpu.memory_space<vmem>>, %arg9: memref<128x128xf32, #tpu.memory_space<vmem>>, %arg10: memref<128x128xf32, #tpu.memory_space<vmem>>) attributes {dimension_semantics = [#tpu.dimension_semantics<arbitrary>], iteration_bounds = array<i64: 10>, scalar_prefetch = 0 : i64, scratch_operands = 2 : i64, tpu.core_type = #tpu.core_type<tc>, window_params = [{transform_indices = @transform_0, window_bounds = array<i64: 2, 1000, 128>}, {transform_indices = @transform_1, window_bounds = array<i64: 1000, 128>}, {transform_indices = @transform_2, window_bounds = array<i64: 1000, 8>}, {pipeline_mode = #tpu.pipeline_mode<synchronous>, transform_indices = @transform_3, window_bounds = array<i64: 1, 128>}, {transform_indices = @transform_4, window_bounds = array<i64: 1000, 8>}, {pipeline_mode = #tpu.pipeline_mode<synchronous>, transform_indices = @transform_5, window_bounds = array<i64: 128, 10>}, {pipeline_mode = #tpu.pipeline_mode<synchronous>, transform_indices = @transform_6, window_bounds = array<i64: 1, 10>}, {pipeline_mode = #tpu.pipeline_mode<synchronous>, transform_indices = @transform_7, window_bounds = array<i64: 128, 10>}]} {
    %get3A = arith.constant 0 : index
    %get3A_0 = arith.constant 0 : index
    %get3A_1 = vector.load %arg3[%get3A, %get3A_0] : memref<1000x8xf32, #tpu.memory_space<vmem>>, vector<1000x1xf32>
    %get3A_2 = arith.constant 0 : index
    %get3A_3 = arith.constant 0 : index
    %get3A_4 = arith.constant 0 : index
    %get3A_5 = vector.load %arg1[%get3A_2, %get3A_3, %get3A_4] : memref<2x1000x128xf32, #tpu.memory_space<vmem>>, vector<1x1000x128xf32>
    %get3A_6 = vector.shape_cast %get3A_5 : vector<1x1000x128xf32> to vector<1000x128xf32>
    %get3A_7 = arith.constant 1 : index
    %get3A_8 = arith.constant 0 : index
    %get3A_9 = arith.constant 0 : index
    %get3A_10 = vector.load %arg1[%get3A_7, %get3A_8, %get3A_9] : memref<2x1000x128xf32, #tpu.memory_space<vmem>>, vector<1x1000x128xf32>
    %get3A_11 = vector.shape_cast %get3A_10 : vector<1x1000x128xf32> to vector<1000x128xf32>
    %add3A = arith.addf %get3A_6, %get3A_11 : vector<1000x128xf32>
    %get3A_12 = arith.constant 0 : index
    %get3A_13 = arith.constant 0 : index
    %get3A_14 = vector.load %arg2[%get3A_12, %get3A_13] : memref<1000x128xf32, #tpu.memory_space<vmem>>, vector<1000x128xf32>
    %add3A_15 = arith.addf %add3A, %get3A_14 : vector<1000x128xf32>
    %mul3A = vector.broadcast %get3A_1 : vector<1000x1xf32> to vector<1000x128xf32>
    %mul3A_16 = arith.mulf %mul3A, %add3A_15 : vector<1000x128xf32>
    %get3A_17 = arith.constant 0 : index
    %get3A_18 = arith.constant 0 : index
    %get3A_19 = vector.load %arg4[%get3A_17, %get3A_18] : memref<1x128xf32, #tpu.memory_space<vmem>>, vector<1x128xf32>
    %add3A_20 = vector.broadcast %get3A_19 : vector<1x128xf32> to vector<1000x128xf32>
    %add3A_21 = arith.addf %mul3A_16, %add3A_20 : vector<1000x128xf32>
    %max3A = arith.constant 0.000000e+00 : f32
    %max3A_22 = vector.broadcast %max3A : f32 to vector<1000x128xf32>
    %max3A_23 = arith.maximumf %add3A_21, %max3A_22 : vector<1000x128xf32>
    %get3A_24 = arith.constant 0 : index
    %get3A_25 = arith.constant 0 : index
    %get3A_26 = vector.load %arg5[%get3A_24, %get3A_25] : memref<1000x8xi32, #tpu.memory_space<vmem>>, vector<1000x1xi32>
    %iota3A = tpu.iota {dimensions = array<i32: 1>} : vector<1000x128xi32>
    %eq3A = vector.broadcast %get3A_26 : vector<1000x1xi32> to vector<1000x128xi32>
    %eq3A_27 = arith.cmpi eq, %eq3A, %iota3A : vector<1000x128xi32>
    %convert_element_type3A = arith.extui %eq3A_27 : vector<1000x128xi1> to vector<1000x128xi32>
    %convert_element_type3A_28 = arith.sitofp %convert_element_type3A : vector<1000x128xi32> to vector<1000x128xf32>
    %dot_general3A = arith.constant dense<0.000000e+00> : vector<128x128xf32>
    %dot_general3A_29 = tpu.matmul %convert_element_type3A_28, %max3A_23, %dot_general3A {dimension_numbers = #tpu.dot_dimension_numbers<[0], [0], [1], [1], [0, 1, 1, 1], [], []>, transpose_lhs_hint = false} : vector<1000x128xf32>, vector<1000x128xf32>, vector<128x128xf32> -> vector<128x128xf32>
    %broadcast_in_dim3A = arith.constant 1.000000e+00 : f32
    %broadcast_in_dim3A_30 = vector.broadcast %broadcast_in_dim3A : f32 to vector<1000x128xf32>
    %dot_general3A_31 = arith.constant dense<0.000000e+00> : vector<128x128xf32>
    %dot_general3A_32 = tpu.matmul %convert_element_type3A_28, %broadcast_in_dim3A_30, %dot_general3A_31 {dimension_numbers = #tpu.dot_dimension_numbers<[0], [0], [1], [1], [0, 1, 1, 1], [], []>, transpose_lhs_hint = false} : vector<1000x128xf32>, vector<1000x128xf32>, vector<128x128xf32> -> vector<128x128xf32>
    %eq3A_33 = arith.constant 0 : i32
    %eq3A_34 = arith.cmpi eq, %arg0, %eq3A_33 : i32
    %convert_element_type3A_35 = arith.extui %eq3A_34 : i1 to i32
    %cond3A = arith.constant 0 : i32
    %cond3A_36 = arith.cmpi ne, %convert_element_type3A_35, %cond3A : i32
    scf.if %cond3A_36 {
      %broadcast_in_dim3A_55 = arith.constant 0.000000e+00 : f32
      %broadcast_in_dim3A_56 = vector.broadcast %broadcast_in_dim3A_55 : f32 to vector<128x128xf32>
      %swap3A_57 = arith.constant 0 : index
      %swap3A_58 = arith.constant 0 : index
      %swap3A_59 = vector.load %arg9[%swap3A_57, %swap3A_58] : memref<128x128xf32, #tpu.memory_space<vmem>>, vector<128x128xf32>
      tpu.vector_store %arg9[%swap3A_57, %swap3A_58], %broadcast_in_dim3A_56 {strides = array<i32>} : memref<128x128xf32, #tpu.memory_space<vmem>>, vector<128x128xf32>,
      %broadcast_in_dim3A_60 = arith.constant 0.000000e+00 : f32
      %broadcast_in_dim3A_61 = vector.broadcast %broadcast_in_dim3A_60 : f32 to vector<128x128xf32>
      %swap3A_62 = arith.constant 0 : index
      %swap3A_63 = arith.constant 0 : index
      %swap3A_64 = vector.load %arg10[%swap3A_62, %swap3A_63] : memref<128x128xf32, #tpu.memory_space<vmem>>, vector<128x128xf32>
      tpu.vector_store %arg10[%swap3A_62, %swap3A_63], %broadcast_in_dim3A_61 {strides = array<i32>} : memref<128x128xf32, #tpu.memory_space<vmem>>, vector<128x128xf32>,
    } else {
    }
    %get3A_37 = arith.constant 0 : index
    %get3A_38 = arith.constant 0 : index
    %get3A_39 = vector.load %arg9[%get3A_37, %get3A_38] : memref<128x128xf32, #tpu.memory_space<vmem>>, vector<128x128xf32>
    %add3A_40 = arith.addf %get3A_39, %dot_general3A_29 : vector<128x128xf32>
    %swap3A = arith.constant 0 : index
    %swap3A_41 = arith.constant 0 : index
    %swap3A_42 = vector.load %arg9[%swap3A, %swap3A_41] : memref<128x128xf32, #tpu.memory_space<vmem>>, vector<128x128xf32>
    tpu.vector_store %arg9[%swap3A, %swap3A_41], %add3A_40 {strides = array<i32>} : memref<128x128xf32, #tpu.memory_space<vmem>>, vector<128x128xf32>,
    %get3A_43 = arith.constant 0 : index
    %get3A_44 = arith.constant 0 : index
    %get3A_45 = vector.load %arg10[%get3A_43, %get3A_44] : memref<128x128xf32, #tpu.memory_space<vmem>>, vector<128x128xf32>
    %add3A_46 = arith.addf %get3A_45, %dot_general3A_32 : vector<128x128xf32>
    %swap3A_47 = arith.constant 0 : index
    %swap3A_48 = arith.constant 0 : index
    %swap3A_49 = vector.load %arg10[%swap3A_47, %swap3A_48] : memref<128x128xf32, #tpu.memory_space<vmem>>, vector<128x128xf32>
    tpu.vector_store %arg10[%swap3A_47, %swap3A_48], %add3A_46 {strides = array<i32>} : memref<128x128xf32, #tpu.memory_space<vmem>>, vector<128x128xf32>,
    %eq3A_50 = arith.constant 9 : i32
    %eq3A_51 = arith.cmpi eq, %arg0, %eq3A_50 : i32
    %convert_element_type3A_52 = arith.extui %eq3A_51 : i1 to i32
    %cond3A_53 = arith.constant 0 : i32
    %cond3A_54 = arith.cmpi ne, %convert_element_type3A_52, %cond3A_53 : i32
    scf.if %cond3A_54 {
      %get3A_55 = arith.constant 0 : index
      %get3A_56 = arith.constant 0 : index
      %get3A_57 = vector.load %arg9[%get3A_55, %get3A_56] : memref<128x128xf32, #tpu.memory_space<vmem>>, vector<128x128xf32>
      %get3A_58 = arith.constant 0 : index
      %get3A_59 = arith.constant 0 : index
      %get3A_60 = vector.load %arg10[%get3A_58, %get3A_59] : memref<128x128xf32, #tpu.memory_space<vmem>>, vector<128x128xf32>
      %max3A_61 = arith.constant 1.000000e+00 : f32
      %max3A_62 = vector.broadcast %max3A_61 : f32 to vector<128x128xf32>
      %max3A_63 = arith.maximumf %get3A_60, %max3A_62 : vector<128x128xf32>
      %div3A = arith.divf %get3A_57, %max3A_63 : vector<128x128xf32>
      %get3A_64 = arith.constant 0 : index
      %get3A_65 = arith.constant 0 : index
      %get3A_66 = vector.load %arg6[%get3A_64, %get3A_65] : memref<128x10xf32, #tpu.memory_space<vmem>>, vector<128x10xf32>
      %dot_general3A_67 = arith.constant dense<0.000000e+00> : vector<128x10xf32>
      %dot_general3A_68 = tpu.matmul %div3A, %get3A_66, %dot_general3A_67 {dimension_numbers = #tpu.dot_dimension_numbers<[1], [0], [0], [1], [0, 0, 1, 1], [], []>, transpose_lhs_hint = false} : vector<128x128xf32>, vector<128x10xf32>, vector<128x10xf32> -> vector<128x10xf32>
      %get3A_69 = arith.constant 0 : index
      %get3A_70 = arith.constant 0 : index
      %get3A_71 = vector.load %arg7[%get3A_69, %get3A_70] : memref<1x10xf32, #tpu.memory_space<vmem>>, vector<1x10xf32>
      %add3A_72 = vector.broadcast %get3A_71 : vector<1x10xf32> to vector<128x10xf32>
      %add3A_73 = arith.addf %dot_general3A_68, %add3A_72 : vector<128x10xf32>
      %swap3A_74 = arith.constant 0 : index
      %swap3A_75 = arith.constant 0 : index
      %swap3A_76 = vector.load %arg8[%swap3A_74, %swap3A_75] : memref<128x10xf32, #tpu.memory_space<vmem>>, vector<128x10xf32>
      tpu.vector_store %arg8[%swap3A_74, %swap3A_75], %add3A_73 {strides = array<i32>} : memref<128x10xf32, #tpu.memory_space<vmem>>, vector<128x10xf32>,
    } else {
    }
    return
  }
  func.func @transform_0(%arg0: i32) -> (i32, i32, i32) {
    %c0_i32 = arith.constant 0 : i32
    %c0_i32_0 = arith.constant 0 : i32
    %c0_i32_1 = arith.constant 0 : i32
    return %c0_i32, %arg0, %c0_i32_0 : i32, i32, i32
  }
  func.func @transform_1(%arg0: i32) -> (i32, i32) {
    %c0_i32 = arith.constant 0 : i32
    %c0_i32_0 = arith.constant 0 : i32
    return %arg0, %c0_i32 : i32, i32
  }
  func.func @transform_2(%arg0: i32) -> (i32, i32) {
    %c0_i32 = arith.constant 0 : i32
    %c0_i32_0 = arith.constant 0 : i32
    return %arg0, %c0_i32 : i32, i32
  }
  func.func @transform_3(%arg0: i32) -> (i32, i32) {
    %c0_i32 = arith.constant 0 : i32
    %c0_i32_0 = arith.constant 0 : i32
    %c0_i32_1 = arith.constant 0 : i32
    return %c0_i32, %c0_i32_0 : i32, i32
  }
  func.func @transform_4(%arg0: i32) -> (i32, i32) {
    %c0_i32 = arith.constant 0 : i32
    %c0_i32_0 = arith.constant 0 : i32
    return %arg0, %c0_i32 : i32, i32
  }
  func.func @transform_5(%arg0: i32) -> (i32, i32) {
    %c0_i32 = arith.constant 0 : i32
    %c0_i32_0 = arith.constant 0 : i32
    %c0_i32_1 = arith.constant 0 : i32
    return %c0_i32, %c0_i32_0 : i32, i32
  }
  func.func @transform_6(%arg0: i32) -> (i32, i32) {
    %c0_i32 = arith.constant 0 : i32
    %c0_i32_0 = arith.constant 0 : i32
    %c0_i32_1 = arith.constant 0 : i32
    return %c0_i32, %c0_i32_0 : i32, i32
  }
  func.func @transform_7(%arg0: i32) -> (i32, i32) {
    %c0_i32 = arith.constant 0 : i32
    %c0_i32_0 = arith.constant 0 : i32
    %c0_i32_1 = arith.constant 0 : i32
    return %c0_i32, %c0_i32_0 : i32, i32
  }
}

</mosaic_0001>

<sc_bundles>
// kernel: kernel.12.cloned.1.call-start
scs
__scs_entry_jumppad:
0x0: {  	(pc) =	sbr.rel $0x88, $3  }
0x1: {  	(tag) =	ssettag $0x0;
	lr =	simm.s32 $0x1  }
0x2: {  	[smem:$0x3F96] =	sst lr;
	_ =	strace $0xD0000000  }
0x3: {  	_ = 	snop  }
0x4: {  	_ = 	snop  }
0x5: {  	_ = 	snop  }
0x6: {  	_ = 	snop  }
0x7: {  	_ = 	snop  }
__scs_overlays_trampoline_lowered:
0x8: {  	[smem:$0x3FA5] =	sst s0  }
0x9: {  	[smem:$0x3FA6] =	sst s1  }
0xa: {  	[smem:$0x3FA7] =	sst s2  }
0xb: {  	[smem:$0x3FA8] =	sst s3  }
0xc: {  	[smem:$0x3FA9] =	sst s4  }
0xd: {  	[smem:$0x3FAA] =	sst s5  }
0xe: {  	[smem:$0x3FAB] =	sst s6  }
0xf: {  	[smem:$0x3FAC] =	sst s7  }
0x10: {  	[smem:$0x3FAD] =	sst s8  }
0x11: {  	[smem:$0x3FAE] =	sst s9;
	s0 =	simm.s32 @!p0 $0x0  }
0x12: {  	s1 =	sld [smem:$0x3F94];
	s0 =	simm.s32 @p0 $0x1  }
0x13: {  	[smem:$0x3FAF] =	sst s0;
	s0 =	simm.s32 @!p1 $0x0  }
0x14: {  	s2 =	sld [smem:$0x3F93];
	s0 =	simm.s32 @p1 $0x1  }
0x15: {  	[smem:$0x3FB0] =	sst s0;
	s0 =	simm.s32 @!p2 $0x0  }
0x16: {  	s3 =	sld [smem:$0x3FDB];
	s0 =	simm.s32 @p2 $0x1  }
0x17: {  	s4 =	simm.s32 $0x1BF5;
	[smem:$0x3FB2] =	sst s0  }
0x18: {  	s0 =	sld [smem:$0x3F95];
	_ =	swait.ge [sflag:s4], $0x0  }
0x19: {  	s7 =	sld [smem:$0x3F96]  }
0x1a: {  	s8 =	sadd.s32 $0xFFFFE003, lr  }
0x1b: {  	s9 =	sadd.s32 $0xFFFFFEF7, lr;
	s5 =	simm.s32 $0xFFFFFFFF;
	p2 =	slt.u32 s8, $0xFFFFF086  }
0x1c: {  	p1 =	slt.u32 s9, $0xF7A;
	s5 =	simm.s32 @!p2 $0x0  }
0x1d: {  	s5 =	simm.s32 @p1 $0x1;
	p0 =	seq.s32 s7, s2  }
0x1e: {  	s7 =	smul.u32 @!p0 $0xF7A, s2;
	p2 =	seq.s32 @!p0 s5, $0x0  }
0x1f: {  	s9 =	smul.u32 $0xF7A, s1;
	s8 =	simm.s32 @!p0 $0x1BF5;
	p2 =	por !p2, p0  }
0x20: {  	[sflag:s8] =	ssyncset.s32 @!p0 $0xFFFFF086;
	s6 =	sadd.s32 @!p0 s3, s7;
	s7 =	simm.s32 @!p0 $0x108  }
0x21: {  	s3 =	sadd.s32 s3, s9;
	s6 =	sadd.s32 @!p0 $0x88, s6;
	s7 =	simm.s32 @p2 $0x1082  }
0x22: {  	[simem:s7], [sflag:s8] =	dma.local @!p0 [hbm:s6], $0xF7A  }
0x23: {  	s9 =	sor.u32 $0xD0000000, s2;
	s6 =	simm.s32 $0x108;
	_ =	swait.ge @!p0 [sflag:s8], $0x0  }
0x24: {  	s3 =	sadd.s32 $0x88, s3;
	s6 =	simm.s32 @!p1 $0x1082;
	[sflag:s4] =	ssyncset.s32 $0xFFFFF086  }
0x25: {  	[simem:s6], [sflag:s4] =	dma.local [hbm:s3], $0xF7A  }
0x26: {  	[smem:$0x3F96] =	sst s1;
	(tag) =	ssettag s2;
	_ =	strace s9  }
0x27: {  	s1 =	sld [smem:$0x3FA6]  }
0x28: {  	s2 =	sld [smem:$0x3FA7]  }
0x29: {  	s4 =	sld [smem:$0x3FA9]  }
0x2a: {  	p0 =	seq.s32 s5, $0x0;
	s5 =	sld [smem:$0x3FAA]  }
0x2b: {  	s6 =	sld [smem:$0x3FAB]  }
0x2c: {  	s7 =	sld [smem:$0x3FAC]  }
0x2d: {  	s3 =	simm.s32 $0x108;
	s8 =	sld [smem:$0x3FAD]  }
0x2e: {  	s3 =	simm.s32 @!p0 $0x1082;
	s9 =	sld [smem:$0x3FAE]  }
0x2f: {  	lr =	sadd.s32 s0, s3;
	s0 =	sld [smem:$0x3FA5]  }
0x30: {  	s3 =	sld [smem:$0x3FA8]  }
0x31: {  	[smem:$0x3FB1] =	sst s10  }
0x32: {  	s10 =	sld [smem:$0x3FAF];
	_ =	sdelay $0x3  }
0x33: {  	p0 =	seq.s32 s10, $0x1;
	s10 =	sld [smem:$0x3FB1];
	_ =	sdelay $0x3  }
0x34: {  	[smem:$0x3FB1] =	sst s10  }
0x35: {  	s10 =	sld [smem:$0x3FB0];
	_ =	sdelay $0x3  }
0x36: {  	p1 =	seq.s32 s10, $0x1;
	s10 =	sld [smem:$0x3FB1];
	_ =	sdelay $0x3  }
0x37: {  	[smem:$0x3FB1] =	sst s10  }
0x38: {  	s10 =	sld [smem:$0x3FB2]  }
0x39: {  	_ = 	snop;
	(pc) =	sbr.ind lr, $3  }
0x3a: {  	_ = 	snop  }
0x3b: {  	_ = 	snop  }
0x3c: {  	p2 =	seq.s32 s10, $0x1;
	s10 =	sld [smem:$0x3FB1]  }
0x3d: {  	_ =	shalt  }
0x3e: {  	_ =	shalt  }
0x3f: {  	_ =	shalt  }
0x40: {  	_ =	shalt  }
0x41: {  	_ =	shalt  }
0x42: {  	_ =	shalt  }
0x43: {  	_ =	shalt  }
0x44: {  	_ =	shalt  }
0x45: {  	_ =	shalt  }
0x46: {  	_ =	shalt  }
0x47: {  	_ =	shalt  }
0x48: {  	_ =	shalt  }
0x49: {  	_ =	shalt  }
0x4a: {  	_ =	shalt  }
0x4b: {  	_ =	shalt  }
0x4c: {  	_ =	shalt  }
0x4d: {  	_ =	shalt  }
0x4e: {  	_ =	shalt  }
0x4f: {  	_ =	shalt  }
0x50: {  	_ =	shalt  }
0x51: {  	_ =	shalt  }
0x52: {  	_ =	shalt  }
0x53: {  	_ =	shalt  }
0x54: {  	_ =	shalt  }
0x55: {  	_ =	shalt  }
0x56: {  	_ =	shalt  }
0x57: {  	_ =	shalt  }
0x58: {  	_ =	shalt  }
0x59: {  	_ =	shalt  }
0x5a: {  	_ =	shalt  }
0x5b: {  	_ =	shalt  }
0x5c: {  	_ =	shalt  }
0x5d: {  	_ =	shalt  }
0x5e: {  	_ =	shalt  }
0x5f: {  	_ =	shalt  }
0x60: {  	_ =	shalt  }
0x61: {  	_ =	shalt  }
0x62: {  	_ =	shalt  }
0x63: {  	_ =	shalt  }
0x64: {  	_ =	shalt  }
0x65: {  	_ =	shalt  }
0x66: {  	_ =	shalt  }
0x67: {  	_ =	shalt  }
0x68: {  	_ =	shalt  }
0x69: {  	_ =	shalt  }
0x6a: {  	_ =	shalt  }
0x6b: {  	_ =	shalt  }
0x6c: {  	_ =	shalt  }
0x6d: {  	_ =	shalt  }
0x6e: {  	_ =	shalt  }
0x6f: {  	_ =	shalt  }
0x70: {  	_ =	shalt  }
0x71: {  	_ =	shalt  }
0x72: {  	_ =	shalt  }
0x73: {  	_ =	shalt  }
0x74: {  	_ =	shalt  }
0x75: {  	_ =	shalt  }
0x76: {  	_ =	shalt  }
0x77: {  	_ =	shalt  }
0x78: {  	_ =	shalt  }
0x79: {  	_ =	shalt  }
0x7a: {  	_ =	shalt  }
0x7b: {  	_ =	shalt  }
0x7c: {  	_ =	shalt  }
0x7d: {  	_ =	shalt  }
0x7e: {  	_ =	shalt  }
0x7f: {  	_ =	shalt  }
0x80: {  	_ =	shalt  }
0x81: {  	_ =	shalt  }
0x82: {  	_ =	shalt  }
0x83: {  	_ =	shalt  }
0x84: {  	_ =	shalt  }
0x85: {  	_ =	shalt  }
0x86: {  	_ =	shalt  }
0x87: {  	_ =	shalt  }
.Lfunc_end0:
.L_simem_size_0:
called_computation.1_lowered:
.L_overlay_start_0:
0x88: {  	s2 =	sld [smem:$0x3FD9]  }
0x89: {  	s3 =	sld [smem:$0x3FFE];
	_ =	sdelay $0x1  }
0x8a: {  	s1 =	srdreg.scid  }
0x8b: {  	s0 =	sand.u32 $0x1, s1  }
0x8c: {  	s16 =	sshll.u32 s0, $0xA;
	s2 =	sadd.s32 s3, s2  }
0x8d: {  	s2 =	sadd.s32 s2, s16  }
0x8e: {  	[smem:$0x3FBD] =	sst s2  }
0x8f: {  	_ = 	snop  }
0x90: {  	(tm) =	ssettm $0x1  }
0x91: {  	s17 =	sld [smem:$0x3FFB];
	_ =	sdelay $0x3  }
0x92: {  	_ =	strace s17  }
0x93: {  	s2 =	sld [smem:$0x3FFC];
	_ =	sdelay $0x3  }
0x94: {  	_ =	strace s2  }
0x95: {  	s2 =	sld [smem:$0x3FFD];
	_ =	sdelay $0x3  }
0x96: {  	_ =	strace s2  }
0x97: {  	_ =	strace $0x8FFFFFFF  }
0x98: {  	s18 =	sld [smem:$0x3FDB];
	_ =	sdelay $0x1  }
0x99: {  	s19 =	simm.s32 $_scs_section_size  }
0x9a: {  	s4 =	simm.s32 $_size__tile_overlayer_lowered;
	s5 =	simm.s32 $_tile_overlayer_lowered  }
0x9b: {  	s22 =	simm.s32 $0x1BFF;
	s21 =	sshll.u32 s5, $0x1;
	s2 =	sadd.s32 s19, s18  }
0x9c: {  	s6 =	simm.s32 $0x0;
	s20 =	sshll.u32 s4, $0x1;
	s4 =	sadd.s32 s21, s2  }
0x9d: {  	[timem:s6], [sflag:s22] =	dma.local [hbm:s4], s20  }
0x9e: {  	_ =	swait.ge [sflag:s22], s20  }
0x9f: {  	s3 =	ssub.s32 $0x0, s20;
	[sflag:s22] =	ssyncset.done $0x0  }
0xa0: {  	[sflag:s22] =	ssyncadd.s32 s3;
	_ =	sdelay $0x1  }
0xa1: {  	s23 =	simm.s32 $0x1B8B  }
0xa2: {  	_ =	swait.ge [sflag:s23], $0x1  }
0xa3: {  	[sflag:s23] =	ssyncset.done $0x0  }
0xa4: {  	s25 =	simm.s32 $0x1B8E;
	s24 =	sld [smem:$0x3FFE];
	[sflag:s23] =	ssyncadd.s32 $0xFFFFFFFF  }
0xa5: {  	s26 =	simm.s32 $execute0_lowered;
	[smem:$0x3FD2] =	sst s25  }
0xa6: {  	s4 =	sshll.u32 s26, $0x1;
	_ =	strace $0x80000049;
	[dreg:$0x1] =	wrdreg $0xFFFFFFFF  }
0xa7: {  	s28 =	simm.s32 $_size_execute0_lowered;
	s2 =	sadd.s32 s2, s4;
	[dreg:$0x0] =	wrdreg $0x0  }
0xa8: {  	s4 =	sshll.u32 s28, $0x1;
	[dreg:$0x2] =	wrdreg s2  }
0xa9: {  	[dreg:$0x3] =	wrdreg s4  }
0xaa: {  	[dreg:$0x4] =	wrdreg $0xC0  }
0xab: {  	_ =	task [dreg:s6], $0x5FFFF  }
0xac: {  	[dreg:$0x1] =	wrdreg $0xFFFFFFFF  }
0xad: {  	[dreg:$0x0] =	wrdreg $0x60  }
0xae: {  	[dreg:$0x2] =	wrdreg s24  }
0xaf: {  	[dreg:$0x3] =	wrdreg $0xA9000  }
0xb0: {  	[dreg:$0x4] =	wrdreg $0x9  }
0xb1: {  	_ =	task.clear_ibuf [dreg:s6], $0x5FFFF;
	_ =	strace $0x90000049  }
0xb2: {  	s29 =	simm.s32 $0x9;
	_ =	strace $0x8000004B  }
0xb3: {  	_ =	swait.ge [sflag:s29], $0x1  }
0xb4: {  	[sflag:s29] =	ssyncadd.s32 $0xFFFFFFFF  }
0xb5: {  	_ =	strace $0x9000004B  }
0xb6: {  	_ =	sfence  }
0xb7: {  	s30 =	sld [smem:$0x0];
	_ =	sdelay $0x2  }
0xb8: {  	s31 =	sshll.u32 s1, $0xD;
	s1 =	sshrl.u32 s1, $0x2  }
0xb9: {  	s3 =	sand.u32 $0x4000, s31;
	s1 =	sadd.s32 s1, s30  }
0xba: {  	s0 =	sor.u32 s3, s0;
	s1 =	sshll.u32 s1, $0x11  }
0xbb: {  	s0 =	sor.u32 s1, s0  }
0xbc: {  	s0 =	sadd.s32 $0x8F2B, s0  }
0xbd: {  	[sflag:s0] =	ssyncadd.remote.s32 $0x1  }
0xbe: {  	_ =	sfence.sel $0xFFFF  }
0xbf: {  	[dreg:$0x0] =	wrdreg $0xFFFFFFFF;
	(pc) =	sbr.abs _section_cstart, $3  }
0xc0: {  	[dreg:$0x1] =	wrdreg $0xFFFFFFFF  }
0xc1: {  	_ =	task.clear_ibuf [dreg:s6], $0x2FFFF;
	_ =	strace $0x9FFFFFFF  }
0xc2: {  	(tm) =	ssettm $0x7FFFFFFF  }
0xc3: {  	_ =	shalt  }
tec
execute0_lowered:
.L_overlay_start_1:
0x0: {  	(tag) =	ssettag $0x1  }
0x1: {  	s1 =	srdreg.scid;
	s7 =	rddreg [dreg:$0x0]  }
0x2: {  	s0 =	stileid.u32;
	s2 =	rddreg [dreg:$0x1]  }
0x3: {  	s16 =	simm.s32 $0x7;
	s17 =	simm.s32 $0x80;
	s18 =	simm.s32 $0x2900  }
0x4: {  	s19 =	simm.s32 $0x2800;
	s20 =	simm.s32 $0x6900;
	s21 =	simm.s32 $0x2880  }
0x5: {  	s22 =	simm.s32 $0x1;
	s23 =	simm.s32 $0x3;
	s24 =	simm.s32 $0x5  }
0x6: {  	s28 =	simm.s32 $0x4;
	s29 =	simm.s32 $0x6;
	s30 =	simm.s32 $0x0  }
0x7: {  	s1 =	sand.u32 $0x1, s1;
	s3 =	sshll.u32 s0, $0x1;
	s9 =	smul.u32 $0x14000, s0  }
0x8: {  	s5 =	sadd.s32 $0x35000, s7;
	s6 =	sadd.s32 $0x3000, s7;
	s13 =	smul.u32 $0x50000, s0  }
0x9: {  	s31 =	sshll.u32 s0, $0x6;
	s4 =	sor.u32 s1, s3;
	s11 =	smul.u32 $0x140000, s1  }
0xa: {  	s3 =	simm.s32 $0x0;
	s1 =	ssub.s32 $0x2, s1;
	s4 =	smul.u32 $0x2800, s4  }
0xb: {  	[smem:$0x7FF] =	sst s3;
	s12 =	sshrl.u32 s9, $0x3;
	s25 =	sshrl.u32 s1, $0x1  }
0xc: {  	s13 =	sshrl.u32 s13, $0x2;
	_ =	strace $0x8000004A;
	s12 =	sadd.s32 s12, s7  }
0xd: {  	s9 =	sadd.s32 s9, s11;
	s1 =	ssub.s32 s1, s25;
	s15 =	sadd.s32 s13, s2  }
0xe: {  	s8 =	sshrl.u32 s4, $0x3;
	s9 =	sshrl.u32 s9, $0x3;
	s26 =	sadd.s32 $0xD000, s12  }
0xf: {  	s15 =	sshrl.u32 s15, $0x3;
	s10 =	sadd.s32 s8, s7;
	s14 =	sadd.s32 s9, s7  }
0x10: {  	[dreg:$0x3] =	wrdreg s26;
	s8 =	sadd.s32 s6, s8;
	s9 =	sor.u32 $0x1C07, s31  }
0x11: {  	s26 =	simm.s32 $0x2;
	s10 =	sadd.s32 $0x85800, s10;
	s11 =	sadd.s32 $0x10, s8  }
0x12: {  	s12 =	sadd.s32 $0x20, s8;
	s13 =	sadd.s32 $0x8F800, s14;
	s14 =	smax.u32 s1, $0x1  }
.LBB2_1:
0x13: {  	s0 =	rddreg [dreg:$0x3]  }
0x14: {  	[spmem:s15], [sflag:s9] =	dma.local [hbm:s0], $0x2800  }
0x15: {  	_ =	swait.ge [sflag:s16], $0x2800  }
0x16: {  	[sflag:s16] =	ssyncset.done $0x0  }
0x17: {  	[sflag:s16] =	ssyncadd.s32 $0xFFFFD800  }
0x18: {  	[tilespmem:s3], [sflag:$0x7] =	stream.linear.gather [hbm4b:s10+s3], $0x2780, $0x38;
	[tilespmem:$0x1E900] =	vst v63  }
0x19: {  	_ =	swait.ge [sflag:s16], $0x2780  }
0x1a: {  	[sflag:s16] =	ssyncset.done $0x0  }
0x1b: {  	[sflag:s16] =	ssyncadd.s32 $0xFFFFD880  }
0x1c: {  	[bflag:$0x0] =	sbarrier.arrive $0xFFFF  }
0x1d: {  	[tilespmem:s18], [sflag:$0x1] =	stream.indirect.gather [hbm4b:s5+s17], $0x80, s3, s17, $0xb8;
	[tilespmem:$0x1E900] =	vst v63  }
0x1e: {  	_ = 	snop  }
0x1f: {  	[tilespmem:s19], [sflag:$0x3] =	stream.linear.gather [hbm4b:s8+s3], $0x80, $0x38;
	[tilespmem:$0x1E900] =	vst v63  }
0x20: {  	_ = 	snop  }
0x21: {  	[tilespmem:s20], [sflag:$0x2] =	stream.indirect.gather [hbm4b:s5+s17], $0x80, s17, s17, $0xb8;
	[tilespmem:$0x1E900] =	vst v63  }
0x22: {  	_ = 	snop  }
0x23: {  	[tilespmem:s21], [sflag:$0x4] =	stream.linear.gather [hbm4b:s11+s3], $0x80, $0x38;
	[tilespmem:$0x1E900] =	vst v63  }
0x24: {  	_ =	swait.ge [sflag:s22], $0x4000  }
0x25: {  	[sflag:s22] =	ssyncset.done $0x0  }
0x26: {  	[sflag:s22] =	ssyncadd.s32 $0xFFFFC000  }
0x27: {  	_ =	swait.ge [sflag:s23], $0x80  }
0x28: {  	[sflag:s23] =	ssyncset.done $0x0  }
0x29: {  	[sflag:s23] =	ssyncadd.s32 $0xFFFFFF80  }
0x2a: {  	[spmem:s2] =	stream.indirect.scatter.add.f32 [tilespmem:s18], [sflag:$0x5], $0x80, s19, s17, $0xb8;
	[tilespmem:$0x1E900] =	vst v63  }
0x2b: {  	_ =	swait.ge [sflag:s24], $0x4000  }
0x2c: {  	[sflag:s24] =	ssyncset.done $0x0  }
0x2d: {  	s7 =	simm.s32 $0x100;
	[sflag:s24] =	ssyncadd.s32 $0xFFFFC000  }
0x2e: {  	[tilespmem:s18], [sflag:$0x1] =	stream.indirect.gather [hbm4b:s5+s17], $0x80, s7, s17, $0xb8;
	[tilespmem:$0x1E900] =	vst v63  }
0x2f: {  	_ = 	snop  }
0x30: {  	[tilespmem:s19], [sflag:$0x3] =	stream.linear.gather [hbm4b:s12+s3], $0x80, $0x38;
	[tilespmem:$0x1E900] =	vst v63  }
0x31: {  	_ =	swait.ge [sflag:s26], $0x4000  }
0x32: {  	[sflag:s26] =	ssyncset.done $0x0  }
0x33: {  	[sflag:s26] =	ssyncadd.s32 $0xFFFFC000  }
0x34: {  	_ =	swait.ge [sflag:s28], $0x80  }
0x35: {  	s1 =	simm.s32 $0x180;
	[sflag:s28] =	ssyncset.done $0x0  }
0x36: {  	s31 =	sand.u32 $0x7C00, s1;
	[sflag:s28] =	ssyncadd.s32 $0xFFFFFF80  }
0x37: {  	[spmem:s2] =	stream.indirect.scatter.add.f32 [tilespmem:s20], [sflag:$0x6], $0x80, s21, s17, $0xb8;
	[tilespmem:$0x1E900] =	vst v63  }
0x38: {  	s1 =	sand.u32 $0x380, s1;
	s31 =	sadd.s32 s4, s31;
	_ =	swait.ge [sflag:s29], $0x4000  }
0x39: {  	s1 =	sor.u32 s1, s31;
	[sflag:s29] =	ssyncset.done $0x0  }
0x3a: {  	s31 =	simm.s32 $0x180;
	s1 =	sshrl.u32 s1, $0x3;
	[sflag:s29] =	ssyncadd.s32 $0xFFFFC000  }
0x3b: {  	[tilespmem:s20], [sflag:$0x2] =	stream.indirect.gather [hbm4b:s5+s17], $0x80, s31, s17, $0xb8;
	[tilespmem:$0x1E900] =	vst v63  }
0x3c: {  	s1 =	sadd.s32 s6, s1  }
0x3d: {  	[tilespmem:s21], [sflag:$0x4] =	stream.linear.gather [hbm4b:s1+s3], $0x80, $0x38;
	[tilespmem:$0x1E900] =	vst v63  }
0x3e: {  	_ =	swait.ge [sflag:s22], $0x4000  }
0x3f: {  	[sflag:s22] =	ssyncset.done $0x0  }
0x40: {  	[sflag:s22] =	ssyncadd.s32 $0xFFFFC000  }
0x41: {  	_ =	swait.ge [sflag:s23], $0x80  }
0x42: {  	s25 =	simm.s32 $0x200;
	[sflag:s23] =	ssyncset.done $0x0  }
0x43: {  	s7 =	sand.u32 $0x7C00, s25;
	[sflag:s23] =	ssyncadd.s32 $0xFFFFFF80  }
0x44: {  	[spmem:s2] =	stream.indirect.scatter.add.f32 [tilespmem:s18], [sflag:$0x5], $0x80, s19, s17, $0xb8;
	[tilespmem:$0x1E900] =	vst v63  }
0x45: {  	s0 =	sadd.s32 s4, s7;
	s1 =	sand.u32 $0x300, s25;
	_ =	swait.ge [sflag:s24], $0x4000  }
0x46: {  	s0 =	sor.u32 s1, s0;
	[sflag:s24] =	ssyncset.done $0x0  }
0x47: {  	s25 =	simm.s32 $0x200;
	s0 =	sshrl.u32 s0, $0x3;
	[sflag:s24] =	ssyncadd.s32 $0xFFFFC000  }
0x48: {  	[tilespmem:s18], [sflag:$0x1] =	stream.indirect.gather [hbm4b:s5+s17], $0x80, s25, s17, $0xb8;
	[tilespmem:$0x1E900] =	vst v63  }
0x49: {  	s0 =	sadd.s32 s6, s0  }
0x4a: {  	[tilespmem:s19], [sflag:$0x3] =	stream.linear.gather [hbm4b:s0+s3], $0x80, $0x38;
	[tilespmem:$0x1E900] =	vst v63  }
0x4b: {  	s1 =	simm.s32 $0x300;
	_ =	swait.ge [sflag:s26], $0x4000  }
.LBB2_2:
0x4c: {  	p0 =	sne.s32 s1, $0x2700  }
0x4d: {  	[sflag:s26] =	ssyncset.done $0x0;
	s31 =	sadd.s32 $0x100, s31;
	s0 =	smov.u32 s1  }
0x4e: {  	s1 =	sadd.s32 $0x100, s1;
	s25 =	sadd.s32 $0xFFFFFF80, s0;
	[sflag:s26] =	ssyncadd.s32 $0xFFFFC000  }
0x4f: {  	s7 =	sand.u32 $0x7C00, s25;
	_ =	swait.ge [sflag:s28], $0x80  }
0x50: {  	s25 =	sand.u32 $0x380, s25;
	s7 =	sadd.s32 s4, s7;
	[sflag:s28] =	ssyncset.done $0x0  }
0x51: {  	s7 =	sor.u32 s25, s7;
	[sflag:s28] =	ssyncadd.s32 $0xFFFFFF80  }
0x52: {  	[spmem:s2] =	stream.indirect.scatter.add.f32 [tilespmem:s20], [sflag:$0x6], $0x80, s21, s17, $0xb8;
	[tilespmem:$0x1E900] =	vst v63  }
0x53: {  	s7 =	sshrl.u32 s7, $0x3;
	_ =	swait.ge [sflag:s29], $0x4000  }
0x54: {  	[sflag:s29] =	ssyncset.done $0x0  }
0x55: {  	[sflag:s29] =	ssyncadd.s32 $0xFFFFC000  }
0x56: {  	[tilespmem:s20], [sflag:$0x2] =	stream.indirect.gather [hbm4b:s5+s17], $0x80, s31, s17, $0xb8;
	[tilespmem:$0x1E900] =	vst v63  }
0x57: {  	s7 =	sadd.s32 s6, s7  }
0x58: {  	[tilespmem:s21], [sflag:$0x4] =	stream.linear.gather [hbm4b:s7+s3], $0x80, $0x38;
	[tilespmem:$0x1E900] =	vst v63  }
0x59: {  	_ =	swait.ge [sflag:s22], $0x4000  }
0x5a: {  	[sflag:s22] =	ssyncset.done $0x0  }
0x5b: {  	[sflag:s22] =	ssyncadd.s32 $0xFFFFC000  }
0x5c: {  	_ =	swait.ge [sflag:s23], $0x80  }
0x5d: {  	[sflag:s23] =	ssyncset.done $0x0  }
0x5e: {  	[sflag:s23] =	ssyncadd.s32 $0xFFFFFF80  }
0x5f: {  	[spmem:s2] =	stream.indirect.scatter.add.f32 [tilespmem:s18], [sflag:$0x5], $0x80, s19, s17, $0xb8;
	[tilespmem:$0x1E900] =	vst v63  }
0x60: {  	s7 =	sand.u32 $0x7C00, s0;
	_ =	swait.ge [sflag:s24], $0x4000  }
0x61: {  	s0 =	sand.u32 $0x300, s0;
	s7 =	sadd.s32 s4, s7;
	[sflag:s24] =	ssyncset.done $0x0  }
0x62: {  	s25 =	sadd.s32 $0x80, s31;
	s0 =	sor.u32 s0, s7;
	[sflag:s24] =	ssyncadd.s32 $0xFFFFC000  }
0x63: {  	[tilespmem:s18], [sflag:$0x1] =	stream.indirect.gather [hbm4b:s5+s17], $0x80, s25, s17, $0xb8;
	[tilespmem:$0x1E900] =	vst v63  }
.Ltmp0:
0x64: {  	_ = 	snop;
	(pc) =	sbr.rel @p0 .LBB2_2-.Ltmp0, $4  }
0x65: {  	s0 =	sshrl.u32 s0, $0x3  }
0x66: {  	s0 =	sadd.s32 s6, s0  }
0x67: {  	[tilespmem:s19], [sflag:$0x3] =	stream.linear.gather [hbm4b:s0+s3], $0x80, $0x38;
	[tilespmem:$0x1E900] =	vst v63  }
0x68: {  	_ =	swait.ge [sflag:s26], $0x4000  }
0x69: {  	[sflag:s26] =	ssyncset.done $0x0  }
0x6a: {  	[sflag:s26] =	ssyncadd.s32 $0xFFFFC000  }
0x6b: {  	_ =	swait.ge [sflag:s28], $0x80  }
0x6c: {  	[sflag:s28] =	ssyncset.done $0x0  }
0x6d: {  	[sflag:s28] =	ssyncadd.s32 $0xFFFFFF80  }
0x6e: {  	[spmem:s2] =	stream.indirect.scatter.add.f32 [tilespmem:s20], [sflag:$0x6], $0x80, s21, s17, $0xb8;
	[tilespmem:$0x1E900] =	vst v63  }
0x6f: {  	_ =	swait.ge [sflag:s22], $0x4000  }
0x70: {  	[sflag:s22] =	ssyncset.done $0x0  }
0x71: {  	[sflag:s22] =	ssyncadd.s32 $0xFFFFC000  }
0x72: {  	_ =	swait.ge [sflag:s23], $0x80  }
0x73: {  	[sflag:s23] =	ssyncset.done $0x0  }
0x74: {  	[sflag:s23] =	ssyncadd.s32 $0xFFFFFF80  }
0x75: {  	[spmem:s2] =	stream.indirect.scatter.add.f32 [tilespmem:s18], [sflag:$0x5], $0x80, s19, s17, $0xb8;
	[tilespmem:$0x1E900] =	vst v63  }
0x76: {  	_ =	swait.ge [sflag:s29], $0x4000  }
0x77: {  	[sflag:s29] =	ssyncset.done $0x0  }
0x78: {  	[sflag:s29] =	ssyncadd.s32 $0xFFFFC000  }
0x79: {  	_ =	swait.ge [sflag:s24], $0x4000  }
0x7a: {  	s30 =	sadd.s32 $0x1, s30;
	[sflag:s24] =	ssyncset.done $0x0  }
0x7b: {  	p0 =	sne.s32 s30, s14;
	[sflag:s24] =	ssyncadd.s32 $0xFFFFC000  }
.Ltmp1:
0x7c: {  	[bflag:$0x0] =	sbarrier.arrive $0xFFFF;
	(pc) =	sbr.rel @p0 .LBB2_1-.Ltmp1, $4  }
0x7d: {  	[hbm:s13], [sflag:s9] =	dma.local [spmem:s15], $0x2800  }
0x7e: {  	_ =	swait.ge [sflag:s16], $0x2800  }
0x7f: {  	[sflag:s16] =	ssyncset.done $0x0  }
0x80: {  	[sflag:s16] =	ssyncadd.s32 $0xFFFFD800  }
0x81: {  	_ =	sfence.sel $0x180000  }
0x82: {  	[bflag:$0x0] =	sbarrier.arrive $0xFFFF  }
0x83: {  	_ =	strace $0x9000004A  }
0x84: {  	s0 =	stileid.u32;
	[bflag:$0x2] =	sbarrier.arrive $0xFFFF  }
0x85: {  	p0 =	sne.s32 s0, $0x0;
	s0 =	rddreg [dreg:$0x2]  }
0x86: {  	s0 =	sadd.s32 @!p0 $0x100000, s0  }
0x87: {  	[sflag:s0] =	ssyncadd.tile.s32 @!p0 $0x1;
	_ =	shalt  }
.Lfunc_end2:
_tile_overlayer_lowered:
.L_overlay_start_2:
0x88: {  	(tag) =	ssettag $0x2  }
0x89: {  	s0 =	rddreg [dreg:$0x0];
	s2 =	stileid.u32  }
0x8a: {  	s1 =	rddreg [dreg:$0x1];
	p0 =	sne.s32 s2, $0x0  }
0x8b: {  	s3 =	rddreg [dreg:$0x2];
	[bflag:$0x3] =	sbarrier.arrive $0xFFFF;
	s2 =	simm.s32 @!p0 $0x1C07  }
0x8c: {  	[timem:s3], [sflag:s2] =	dma.local @!p0 [hbm:s0], s1  }
0x8d: {  	s0 =	simm.s32 @!p0 $0x7  }
0x8e: {  	_ =	swait.ge @!p0 [sflag:s0], s1  }
0x8f: {  	s1 =	ssub.s32 @!p0 $0x0, s1;
	[sflag:s0] =	ssyncset.done @!p0 $0x0  }
0x90: {  	[sflag:s0] =	ssyncadd.s32 @!p0 s1  }
0x91: {  	[bflag:$0x3] =	sbarrier.arrive $0xFFFF  }
0x92: {  	_ =	shalt  }

// kernel: kernel.15.cloned.1.call-start
scs
__scs_entry_jumppad:
0x0: {  	(pc) =	sbr.rel $0x88, $3  }
0x1: {  	(tag) =	ssettag $0x0;
	lr =	simm.s32 $0x1  }
0x2: {  	[smem:$0x3F96] =	sst lr;
	_ =	strace $0xD0000000  }
0x3: {  	_ = 	snop  }
0x4: {  	_ = 	snop  }
0x5: {  	_ = 	snop  }
0x6: {  	_ = 	snop  }
0x7: {  	_ = 	snop  }
__scs_overlays_trampoline_lowered:
0x8: {  	[smem:$0x3FA5] =	sst s0  }
0x9: {  	[smem:$0x3FA6] =	sst s1  }
0xa: {  	[smem:$0x3FA7] =	sst s2  }
0xb: {  	[smem:$0x3FA8] =	sst s3  }
0xc: {  	[smem:$0x3FA9] =	sst s4  }
0xd: {  	[smem:$0x3FAA] =	sst s5  }
0xe: {  	[smem:$0x3FAB] =	sst s6  }
0xf: {  	[smem:$0x3FAC] =	sst s7  }
0x10: {  	[smem:$0x3FAD] =	sst s8  }
0x11: {  	[smem:$0x3FAE] =	sst s9;
	s0 =	simm.s32 @!p0 $0x0  }
0x12: {  	s1 =	sld [smem:$0x3F94];
	s0 =	simm.s32 @p0 $0x1  }
0x13: {  	[smem:$0x3FAF] =	sst s0;
	s0 =	simm.s32 @!p1 $0x0  }
0x14: {  	s2 =	sld [smem:$0x3F93];
	s0 =	simm.s32 @p1 $0x1  }
0x15: {  	[smem:$0x3FB0] =	sst s0;
	s0 =	simm.s32 @!p2 $0x0  }
0x16: {  	s3 =	sld [smem:$0x3FDB];
	s0 =	simm.s32 @p2 $0x1  }
0x17: {  	s4 =	simm.s32 $0x1BF5;
	[smem:$0x3FB2] =	sst s0  }
0x18: {  	s0 =	sld [smem:$0x3F95];
	_ =	swait.ge [sflag:s4], $0x0  }
0x19: {  	s7 =	sld [smem:$0x3F96]  }
0x1a: {  	s8 =	sadd.s32 $0xFFFFE003, lr  }
0x1b: {  	s9 =	sadd.s32 $0xFFFFFEF7, lr;
	s5 =	simm.s32 $0xFFFFFFFF;
	p2 =	slt.u32 s8, $0xFFFFF086  }
0x1c: {  	p1 =	slt.u32 s9, $0xF7A;
	s5 =	simm.s32 @!p2 $0x0  }
0x1d: {  	s5 =	simm.s32 @p1 $0x1;
	p0 =	seq.s32 s7, s2  }
0x1e: {  	s7 =	smul.u32 @!p0 $0xF7A, s2;
	p2 =	seq.s32 @!p0 s5, $0x0  }
0x1f: {  	s9 =	smul.u32 $0xF7A, s1;
	s8 =	simm.s32 @!p0 $0x1BF5;
	p2 =	por !p2, p0  }
0x20: {  	[sflag:s8] =	ssyncset.s32 @!p0 $0xFFFFF086;
	s6 =	sadd.s32 @!p0 s3, s7;
	s7 =	simm.s32 @!p0 $0x108  }
0x21: {  	s3 =	sadd.s32 s3, s9;
	s6 =	sadd.s32 @!p0 $0x88, s6;
	s7 =	simm.s32 @p2 $0x1082  }
0x22: {  	[simem:s7], [sflag:s8] =	dma.local @!p0 [hbm:s6], $0xF7A  }
0x23: {  	s9 =	sor.u32 $0xD0000000, s2;
	s6 =	simm.s32 $0x108;
	_ =	swait.ge @!p0 [sflag:s8], $0x0  }
0x24: {  	s3 =	sadd.s32 $0x88, s3;
	s6 =	simm.s32 @!p1 $0x1082;
	[sflag:s4] =	ssyncset.s32 $0xFFFFF086  }
0x25: {  	[simem:s6], [sflag:s4] =	dma.local [hbm:s3], $0xF7A  }
0x26: {  	[smem:$0x3F96] =	sst s1;
	(tag) =	ssettag s2;
	_ =	strace s9  }
0x27: {  	s1 =	sld [smem:$0x3FA6]  }
0x28: {  	s2 =	sld [smem:$0x3FA7]  }
0x29: {  	s4 =	sld [smem:$0x3FA9]  }
0x2a: {  	p0 =	seq.s32 s5, $0x0;
	s5 =	sld [smem:$0x3FAA]  }
0x2b: {  	s6 =	sld [smem:$0x3FAB]  }
0x2c: {  	s7 =	sld [smem:$0x3FAC]  }
0x2d: {  	s3 =	simm.s32 $0x108;
	s8 =	sld [smem:$0x3FAD]  }
0x2e: {  	s3 =	simm.s32 @!p0 $0x1082;
	s9 =	sld [smem:$0x3FAE]  }
0x2f: {  	lr =	sadd.s32 s0, s3;
	s0 =	sld [smem:$0x3FA5]  }
0x30: {  	s3 =	sld [smem:$0x3FA8]  }
0x31: {  	[smem:$0x3FB1] =	sst s10  }
0x32: {  	s10 =	sld [smem:$0x3FAF];
	_ =	sdelay $0x3  }
0x33: {  	p0 =	seq.s32 s10, $0x1;
	s10 =	sld [smem:$0x3FB1];
	_ =	sdelay $0x3  }
0x34: {  	[smem:$0x3FB1] =	sst s10  }
0x35: {  	s10 =	sld [smem:$0x3FB0];
	_ =	sdelay $0x3  }
0x36: {  	p1 =	seq.s32 s10, $0x1;
	s10 =	sld [smem:$0x3FB1];
	_ =	sdelay $0x3  }
0x37: {  	[smem:$0x3FB1] =	sst s10  }
0x38: {  	s10 =	sld [smem:$0x3FB2]  }
0x39: {  	_ = 	snop;
	(pc) =	sbr.ind lr, $3  }
0x3a: {  	_ = 	snop  }
0x3b: {  	_ = 	snop  }
0x3c: {  	p2 =	seq.s32 s10, $0x1;
	s10 =	sld [smem:$0x3FB1]  }
0x3d: {  	_ =	shalt  }
0x3e: {  	_ =	shalt  }
0x3f: {  	_ =	shalt  }
0x40: {  	_ =	shalt  }
0x41: {  	_ =	shalt  }
0x42: {  	_ =	shalt  }
0x43: {  	_ =	shalt  }
0x44: {  	_ =	shalt  }
0x45: {  	_ =	shalt  }
0x46: {  	_ =	shalt  }
0x47: {  	_ =	shalt  }
0x48: {  	_ =	shalt  }
0x49: {  	_ =	shalt  }
0x4a: {  	_ =	shalt  }
0x4b: {  	_ =	shalt  }
0x4c: {  	_ =	shalt  }
0x4d: {  	_ =	shalt  }
0x4e: {  	_ =	shalt  }
0x4f: {  	_ =	shalt  }
0x50: {  	_ =	shalt  }
0x51: {  	_ =	shalt  }
0x52: {  	_ =	shalt  }
0x53: {  	_ =	shalt  }
0x54: {  	_ =	shalt  }
0x55: {  	_ =	shalt  }
0x56: {  	_ =	shalt  }
0x57: {  	_ =	shalt  }
0x58: {  	_ =	shalt  }
0x59: {  	_ =	shalt  }
0x5a: {  	_ =	shalt  }
0x5b: {  	_ =	shalt  }
0x5c: {  	_ =	shalt  }
0x5d: {  	_ =	shalt  }
0x5e: {  	_ =	shalt  }
0x5f: {  	_ =	shalt  }
0x60: {  	_ =	shalt  }
0x61: {  	_ =	shalt  }
0x62: {  	_ =	shalt  }
0x63: {  	_ =	shalt  }
0x64: {  	_ =	shalt  }
0x65: {  	_ =	shalt  }
0x66: {  	_ =	shalt  }
0x67: {  	_ =	shalt  }
0x68: {  	_ =	shalt  }
0x69: {  	_ =	shalt  }
0x6a: {  	_ =	shalt  }
0x6b: {  	_ =	shalt  }
0x6c: {  	_ =	shalt  }
0x6d: {  	_ =	shalt  }
0x6e: {  	_ =	shalt  }
0x6f: {  	_ =	shalt  }
0x70: {  	_ =	shalt  }
0x71: {  	_ =	shalt  }
0x72: {  	_ =	shalt  }
0x73: {  	_ =	shalt  }
0x74: {  	_ =	shalt  }
0x75: {  	_ =	shalt  }
0x76: {  	_ =	shalt  }
0x77: {  	_ =	shalt  }
0x78: {  	_ =	shalt  }
0x79: {  	_ =	shalt  }
0x7a: {  	_ =	shalt  }
0x7b: {  	_ =	shalt  }
0x7c: {  	_ =	shalt  }
0x7d: {  	_ =	shalt  }
0x7e: {  	_ =	shalt  }
0x7f: {  	_ =	shalt  }
0x80: {  	_ =	shalt  }
0x81: {  	_ =	shalt  }
0x82: {  	_ =	shalt  }
0x83: {  	_ =	shalt  }
0x84: {  	_ =	shalt  }
0x85: {  	_ =	shalt  }
0x86: {  	_ =	shalt  }
0x87: {  	_ =	shalt  }
.Lfunc_end0:
.L_simem_size_0:
called_computation.2_lowered:
.L_overlay_start_0:
0x88: {  	s2 =	sld [smem:$0x3FD9]  }
0x89: {  	s3 =	sld [smem:$0x3FFE];
	_ =	sdelay $0x1  }
0x8a: {  	s1 =	srdreg.scid  }
0x8b: {  	s0 =	sand.u32 $0x1, s1  }
0x8c: {  	s16 =	sshll.u32 s0, $0xA;
	s2 =	sadd.s32 s3, s2  }
0x8d: {  	s2 =	sadd.s32 s2, s16  }
0x8e: {  	[smem:$0x3FBD] =	sst s2  }
0x8f: {  	_ = 	snop  }
0x90: {  	(tm) =	ssettm $0x1  }
0x91: {  	s17 =	sld [smem:$0x3FFB];
	_ =	sdelay $0x3  }
0x92: {  	_ =	strace s17  }
0x93: {  	s2 =	sld [smem:$0x3FFC];
	_ =	sdelay $0x3  }
0x94: {  	_ =	strace s2  }
0x95: {  	s2 =	sld [smem:$0x3FFD];
	_ =	sdelay $0x3  }
0x96: {  	_ =	strace s2  }
0x97: {  	_ =	strace $0x8FFFFFFF  }
0x98: {  	s18 =	sld [smem:$0x3FDB];
	_ =	sdelay $0x1  }
0x99: {  	s19 =	simm.s32 $_scs_section_size  }
0x9a: {  	s4 =	simm.s32 $_size__tile_overlayer_lowered;
	s5 =	simm.s32 $_tile_overlayer_lowered  }
0x9b: {  	s22 =	simm.s32 $0x1BFF;
	s21 =	sshll.u32 s5, $0x1;
	s2 =	sadd.s32 s19, s18  }
0x9c: {  	s6 =	simm.s32 $0x0;
	s20 =	sshll.u32 s4, $0x1;
	s4 =	sadd.s32 s21, s2  }
0x9d: {  	[timem:s6], [sflag:s22] =	dma.local [hbm:s4], s20  }
0x9e: {  	_ =	swait.ge [sflag:s22], s20  }
0x9f: {  	s3 =	ssub.s32 $0x0, s20;
	[sflag:s22] =	ssyncset.done $0x0  }
0xa0: {  	[sflag:s22] =	ssyncadd.s32 s3;
	_ =	sdelay $0x1  }
0xa1: {  	s23 =	simm.s32 $0x1B8B  }
0xa2: {  	_ =	swait.ge [sflag:s23], $0x1  }
0xa3: {  	[sflag:s23] =	ssyncset.done $0x0  }
0xa4: {  	s25 =	simm.s32 $0x1B8E;
	s24 =	sld [smem:$0x3FFE];
	[sflag:s23] =	ssyncadd.s32 $0xFFFFFFFF  }
0xa5: {  	s26 =	simm.s32 $execute0_lowered;
	[smem:$0x3FD2] =	sst s25  }
0xa6: {  	s4 =	sshll.u32 s26, $0x1;
	_ =	strace $0x8000004C;
	[dreg:$0x1] =	wrdreg $0xFFFFFFFF  }
0xa7: {  	s28 =	simm.s32 $_size_execute0_lowered;
	s2 =	sadd.s32 s2, s4;
	[dreg:$0x0] =	wrdreg $0x0  }
0xa8: {  	s4 =	sshll.u32 s28, $0x1;
	[dreg:$0x2] =	wrdreg s2  }
0xa9: {  	[dreg:$0x3] =	wrdreg s4  }
0xaa: {  	[dreg:$0x4] =	wrdreg $0xC0  }
0xab: {  	_ =	task [dreg:s6], $0x5FFFF  }
0xac: {  	[dreg:$0x1] =	wrdreg $0xFFFFFFFF  }
0xad: {  	[dreg:$0x0] =	wrdreg $0x60  }
0xae: {  	[dreg:$0x2] =	wrdreg s24  }
0xaf: {  	[dreg:$0x3] =	wrdreg $0xA9000  }
0xb0: {  	[dreg:$0x4] =	wrdreg $0x9  }
0xb1: {  	_ =	task.clear_ibuf [dreg:s6], $0x5FFFF;
	_ =	strace $0x9000004C  }
0xb2: {  	s29 =	simm.s32 $0x9;
	_ =	strace $0x8000004E  }
0xb3: {  	_ =	swait.ge [sflag:s29], $0x1  }
0xb4: {  	[sflag:s29] =	ssyncadd.s32 $0xFFFFFFFF  }
0xb5: {  	_ =	strace $0x9000004E  }
0xb6: {  	_ =	sfence  }
0xb7: {  	s30 =	sld [smem:$0x0];
	_ =	sdelay $0x2  }
0xb8: {  	s31 =	sshll.u32 s1, $0xD;
	s1 =	sshrl.u32 s1, $0x2  }
0xb9: {  	s3 =	sand.u32 $0x4000, s31;
	s1 =	sadd.s32 s1, s30  }
0xba: {  	s0 =	sor.u32 s3, s0;
	s1 =	sshll.u32 s1, $0x11  }
0xbb: {  	s0 =	sor.u32 s1, s0  }
0xbc: {  	s0 =	sadd.s32 $0x8F2B, s0  }
0xbd: {  	[sflag:s0] =	ssyncadd.remote.s32 $0x1  }
0xbe: {  	_ =	sfence.sel $0xFFFF  }
0xbf: {  	[dreg:$0x0] =	wrdreg $0xFFFFFFFF;
	(pc) =	sbr.abs _section_cstart, $3  }
0xc0: {  	[dreg:$0x1] =	wrdreg $0xFFFFFFFF  }
0xc1: {  	_ =	task.clear_ibuf [dreg:s6], $0x2FFFF;
	_ =	strace $0x9FFFFFFF  }
0xc2: {  	(tm) =	ssettm $0x7FFFFFFF  }
0xc3: {  	_ =	shalt  }
tec
execute0_lowered:
.L_overlay_start_1:
0x0: {  	(tag) =	ssettag $0x1  }
0x1: {  	s1 =	srdreg.scid;
	s7 =	rddreg [dreg:$0x0]  }
0x2: {  	s0 =	stileid.u32;
	s2 =	rddreg [dreg:$0x1]  }
0x3: {  	s16 =	simm.s32 $0x7;
	s17 =	simm.s32 $0x80;
	s18 =	simm.s32 $0x2900  }
0x4: {  	s19 =	simm.s32 $0x2800;
	s20 =	simm.s32 $0x6900;
	s21 =	simm.s32 $0x2880  }
0x5: {  	s22 =	simm.s32 $0x1;
	s23 =	simm.s32 $0x3;
	s24 =	simm.s32 $0x5  }
0x6: {  	s28 =	simm.s32 $0x4;
	s29 =	simm.s32 $0x6;
	s30 =	simm.s32 $0x0  }
0x7: {  	s1 =	sand.u32 $0x1, s1;
	s3 =	sshll.u32 s0, $0x1;
	s9 =	smul.u32 $0x14000, s0  }
0x8: {  	s5 =	sadd.s32 $0x35000, s7;
	s6 =	sadd.s32 $0x3000, s7;
	s13 =	smul.u32 $0x50000, s0  }
0x9: {  	s31 =	sshll.u32 s0, $0x6;
	s4 =	sor.u32 s1, s3;
	s11 =	smul.u32 $0x140000, s1  }
0xa: {  	s3 =	simm.s32 $0x0;
	s1 =	ssub.s32 $0x2, s1;
	s4 =	smul.u32 $0x2800, s4  }
0xb: {  	[smem:$0x7FF] =	sst s3;
	s12 =	sshrl.u32 s9, $0x3;
	s25 =	sshrl.u32 s1, $0x1  }
0xc: {  	s13 =	sshrl.u32 s13, $0x2;
	_ =	strace $0x8000004D;
	s12 =	sadd.s32 s12, s7  }
0xd: {  	s9 =	sadd.s32 s9, s11;
	s1 =	ssub.s32 s1, s25;
	s15 =	sadd.s32 s13, s2  }
0xe: {  	s8 =	sshrl.u32 s4, $0x3;
	s9 =	sshrl.u32 s9, $0x3;
	s26 =	sadd.s32 $0xD000, s12  }
0xf: {  	s15 =	sshrl.u32 s15, $0x3;
	s10 =	sadd.s32 s8, s7;
	s14 =	sadd.s32 s9, s7  }
0x10: {  	[dreg:$0x3] =	wrdreg s26;
	s8 =	sadd.s32 s6, s8;
	s9 =	sor.u32 $0x1C07, s31  }
0x11: {  	s26 =	simm.s32 $0x2;
	s10 =	sadd.s32 $0x85800, s10;
	s11 =	sadd.s32 $0x10, s8  }
0x12: {  	s12 =	sadd.s32 $0x20, s8;
	s13 =	sadd.s32 $0x8F800, s14;
	s14 =	smax.u32 s1, $0x1  }
.LBB2_1:
0x13: {  	s0 =	rddreg [dreg:$0x3]  }
0x14: {  	[spmem:s15], [sflag:s9] =	dma.local [hbm:s0], $0x2800  }
0x15: {  	_ =	swait.ge [sflag:s16], $0x2800  }
0x16: {  	[sflag:s16] =	ssyncset.done $0x0  }
0x17: {  	[sflag:s16] =	ssyncadd.s32 $0xFFFFD800  }
0x18: {  	[tilespmem:s3], [sflag:$0x7] =	stream.linear.gather [hbm4b:s10+s3], $0x2780, $0x38;
	[tilespmem:$0x1E900] =	vst v63  }
0x19: {  	_ =	swait.ge [sflag:s16], $0x2780  }
0x1a: {  	[sflag:s16] =	ssyncset.done $0x0  }
0x1b: {  	[sflag:s16] =	ssyncadd.s32 $0xFFFFD880  }
0x1c: {  	[bflag:$0x0] =	sbarrier.arrive $0xFFFF  }
0x1d: {  	[tilespmem:s18], [sflag:$0x1] =	stream.indirect.gather [hbm4b:s5+s17], $0x80, s3, s17, $0xb8;
	[tilespmem:$0x1E900] =	vst v63  }
0x1e: {  	_ = 	snop  }
0x1f: {  	[tilespmem:s19], [sflag:$0x3] =	stream.linear.gather [hbm4b:s8+s3], $0x80, $0x38;
	[tilespmem:$0x1E900] =	vst v63  }
0x20: {  	_ = 	snop  }
0x21: {  	[tilespmem:s20], [sflag:$0x2] =	stream.indirect.gather [hbm4b:s5+s17], $0x80, s17, s17, $0xb8;
	[tilespmem:$0x1E900] =	vst v63  }
0x22: {  	_ = 	snop  }
0x23: {  	[tilespmem:s21], [sflag:$0x4] =	stream.linear.gather [hbm4b:s11+s3], $0x80, $0x38;
	[tilespmem:$0x1E900] =	vst v63  }
0x24: {  	_ =	swait.ge [sflag:s22], $0x4000  }
0x25: {  	[sflag:s22] =	ssyncset.done $0x0  }
0x26: {  	[sflag:s22] =	ssyncadd.s32 $0xFFFFC000  }
0x27: {  	_ =	swait.ge [sflag:s23], $0x80  }
0x28: {  	[sflag:s23] =	ssyncset.done $0x0  }
0x29: {  	[sflag:s23] =	ssyncadd.s32 $0xFFFFFF80  }
0x2a: {  	[spmem:s2] =	stream.indirect.scatter.add.f32 [tilespmem:s18], [sflag:$0x5], $0x80, s19, s17, $0xb8;
	[tilespmem:$0x1E900] =	vst v63  }
0x2b: {  	_ =	swait.ge [sflag:s24], $0x4000  }
0x2c: {  	[sflag:s24] =	ssyncset.done $0x0  }
0x2d: {  	s7 =	simm.s32 $0x100;
	[sflag:s24] =	ssyncadd.s32 $0xFFFFC000  }
0x2e: {  	[tilespmem:s18], [sflag:$0x1] =	stream.indirect.gather [hbm4b:s5+s17], $0x80, s7, s17, $0xb8;
	[tilespmem:$0x1E900] =	vst v63  }
0x2f: {  	_ = 	snop  }
0x30: {  	[tilespmem:s19], [sflag:$0x3] =	stream.linear.gather [hbm4b:s12+s3], $0x80, $0x38;
	[tilespmem:$0x1E900] =	vst v63  }
0x31: {  	_ =	swait.ge [sflag:s26], $0x4000  }
0x32: {  	[sflag:s26] =	ssyncset.done $0x0  }
0x33: {  	[sflag:s26] =	ssyncadd.s32 $0xFFFFC000  }
0x34: {  	_ =	swait.ge [sflag:s28], $0x80  }
0x35: {  	s1 =	simm.s32 $0x180;
	[sflag:s28] =	ssyncset.done $0x0  }
0x36: {  	s31 =	sand.u32 $0x7C00, s1;
	[sflag:s28] =	ssyncadd.s32 $0xFFFFFF80  }
0x37: {  	[spmem:s2] =	stream.indirect.scatter.add.f32 [tilespmem:s20], [sflag:$0x6], $0x80, s21, s17, $0xb8;
	[tilespmem:$0x1E900] =	vst v63  }
0x38: {  	s1 =	sand.u32 $0x380, s1;
	s31 =	sadd.s32 s4, s31;
	_ =	swait.ge [sflag:s29], $0x4000  }
0x39: {  	s1 =	sor.u32 s1, s31;
	[sflag:s29] =	ssyncset.done $0x0  }
0x3a: {  	s31 =	simm.s32 $0x180;
	s1 =	sshrl.u32 s1, $0x3;
	[sflag:s29] =	ssyncadd.s32 $0xFFFFC000  }
0x3b: {  	[tilespmem:s20], [sflag:$0x2] =	stream.indirect.gather [hbm4b:s5+s17], $0x80, s31, s17, $0xb8;
	[tilespmem:$0x1E900] =	vst v63  }
0x3c: {  	s1 =	sadd.s32 s6, s1  }
0x3d: {  	[tilespmem:s21], [sflag:$0x4] =	stream.linear.gather [hbm4b:s1+s3], $0x80, $0x38;
	[tilespmem:$0x1E900] =	vst v63  }
0x3e: {  	_ =	swait.ge [sflag:s22], $0x4000  }
0x3f: {  	[sflag:s22] =	ssyncset.done $0x0  }
0x40: {  	[sflag:s22] =	ssyncadd.s32 $0xFFFFC000  }
0x41: {  	_ =	swait.ge [sflag:s23], $0x80  }
0x42: {  	s25 =	simm.s32 $0x200;
	[sflag:s23] =	ssyncset.done $0x0  }
0x43: {  	s7 =	sand.u32 $0x7C00, s25;
	[sflag:s23] =	ssyncadd.s32 $0xFFFFFF80  }
0x44: {  	[spmem:s2] =	stream.indirect.scatter.add.f32 [tilespmem:s18], [sflag:$0x5], $0x80, s19, s17, $0xb8;
	[tilespmem:$0x1E900] =	vst v63  }
0x45: {  	s0 =	sadd.s32 s4, s7;
	s1 =	sand.u32 $0x300, s25;
	_ =	swait.ge [sflag:s24], $0x4000  }
0x46: {  	s0 =	sor.u32 s1, s0;
	[sflag:s24] =	ssyncset.done $0x0  }
0x47: {  	s25 =	simm.s32 $0x200;
	s0 =	sshrl.u32 s0, $0x3;
	[sflag:s24] =	ssyncadd.s32 $0xFFFFC000  }
0x48: {  	[tilespmem:s18], [sflag:$0x1] =	stream.indirect.gather [hbm4b:s5+s17], $0x80, s25, s17, $0xb8;
	[tilespmem:$0x1E900] =	vst v63  }
0x49: {  	s0 =	sadd.s32 s6, s0  }
0x4a: {  	[tilespmem:s19], [sflag:$0x3] =	stream.linear.gather [hbm4b:s0+s3], $0x80, $0x38;
	[tilespmem:$0x1E900] =	vst v63  }
0x4b: {  	s1 =	simm.s32 $0x300;
	_ =	swait.ge [sflag:s26], $0x4000  }
.LBB2_2:
0x4c: {  	p0 =	sne.s32 s1, $0x2700  }
0x4d: {  	[sflag:s26] =	ssyncset.done $0x0;
	s31 =	sadd.s32 $0x100, s31;
	s0 =	smov.u32 s1  }
0x4e: {  	s1 =	sadd.s32 $0x100, s1;
	s25 =	sadd.s32 $0xFFFFFF80, s0;
	[sflag:s26] =	ssyncadd.s32 $0xFFFFC000  }
0x4f: {  	s7 =	sand.u32 $0x7C00, s25;
	_ =	swait.ge [sflag:s28], $0x80  }
0x50: {  	s25 =	sand.u32 $0x380, s25;
	s7 =	sadd.s32 s4, s7;
	[sflag:s28] =	ssyncset.done $0x0  }
0x51: {  	s7 =	sor.u32 s25, s7;
	[sflag:s28] =	ssyncadd.s32 $0xFFFFFF80  }
0x52: {  	[spmem:s2] =	stream.indirect.scatter.add.f32 [tilespmem:s20], [sflag:$0x6], $0x80, s21, s17, $0xb8;
	[tilespmem:$0x1E900] =	vst v63  }
0x53: {  	s7 =	sshrl.u32 s7, $0x3;
	_ =	swait.ge [sflag:s29], $0x4000  }
0x54: {  	[sflag:s29] =	ssyncset.done $0x0  }
0x55: {  	[sflag:s29] =	ssyncadd.s32 $0xFFFFC000  }
0x56: {  	[tilespmem:s20], [sflag:$0x2] =	stream.indirect.gather [hbm4b:s5+s17], $0x80, s31, s17, $0xb8;
	[tilespmem:$0x1E900] =	vst v63  }
0x57: {  	s7 =	sadd.s32 s6, s7  }
0x58: {  	[tilespmem:s21], [sflag:$0x4] =	stream.linear.gather [hbm4b:s7+s3], $0x80, $0x38;
	[tilespmem:$0x1E900] =	vst v63  }
0x59: {  	_ =	swait.ge [sflag:s22], $0x4000  }
0x5a: {  	[sflag:s22] =	ssyncset.done $0x0  }
0x5b: {  	[sflag:s22] =	ssyncadd.s32 $0xFFFFC000  }
0x5c: {  	_ =	swait.ge [sflag:s23], $0x80  }
0x5d: {  	[sflag:s23] =	ssyncset.done $0x0  }
0x5e: {  	[sflag:s23] =	ssyncadd.s32 $0xFFFFFF80  }
0x5f: {  	[spmem:s2] =	stream.indirect.scatter.add.f32 [tilespmem:s18], [sflag:$0x5], $0x80, s19, s17, $0xb8;
	[tilespmem:$0x1E900] =	vst v63  }
0x60: {  	s7 =	sand.u32 $0x7C00, s0;
	_ =	swait.ge [sflag:s24], $0x4000  }
0x61: {  	s0 =	sand.u32 $0x300, s0;
	s7 =	sadd.s32 s4, s7;
	[sflag:s24] =	ssyncset.done $0x0  }
0x62: {  	s25 =	sadd.s32 $0x80, s31;
	s0 =	sor.u32 s0, s7;
	[sflag:s24] =	ssyncadd.s32 $0xFFFFC000  }
0x63: {  	[tilespmem:s18], [sflag:$0x1] =	stream.indirect.gather [hbm4b:s5+s17], $0x80, s25, s17, $0xb8;
	[tilespmem:$0x1E900] =	vst v63  }
.Ltmp0:
0x64: {  	_ = 	snop;
	(pc) =	sbr.rel @p0 .LBB2_2-.Ltmp0, $4  }
0x65: {  	s0 =	sshrl.u32 s0, $0x3  }
0x66: {  	s0 =	sadd.s32 s6, s0  }
0x67: {  	[tilespmem:s19], [sflag:$0x3] =	stream.linear.gather [hbm4b:s0+s3], $0x80, $0x38;
	[tilespmem:$0x1E900] =	vst v63  }
0x68: {  	_ =	swait.ge [sflag:s26], $0x4000  }
0x69: {  	[sflag:s26] =	ssyncset.done $0x0  }
0x6a: {  	[sflag:s26] =	ssyncadd.s32 $0xFFFFC000  }
0x6b: {  	_ =	swait.ge [sflag:s28], $0x80  }
0x6c: {  	[sflag:s28] =	ssyncset.done $0x0  }
0x6d: {  	[sflag:s28] =	ssyncadd.s32 $0xFFFFFF80  }
0x6e: {  	[spmem:s2] =	stream.indirect.scatter.add.f32 [tilespmem:s20], [sflag:$0x6], $0x80, s21, s17, $0xb8;
	[tilespmem:$0x1E900] =	vst v63  }
0x6f: {  	_ =	swait.ge [sflag:s22], $0x4000  }
0x70: {  	[sflag:s22] =	ssyncset.done $0x0  }
0x71: {  	[sflag:s22] =	ssyncadd.s32 $0xFFFFC000  }
0x72: {  	_ =	swait.ge [sflag:s23], $0x80  }
0x73: {  	[sflag:s23] =	ssyncset.done $0x0  }
0x74: {  	[sflag:s23] =	ssyncadd.s32 $0xFFFFFF80  }
0x75: {  	[spmem:s2] =	stream.indirect.scatter.add.f32 [tilespmem:s18], [sflag:$0x5], $0x80, s19, s17, $0xb8;
	[tilespmem:$0x1E900] =	vst v63  }
0x76: {  	_ =	swait.ge [sflag:s29], $0x4000  }
0x77: {  	[sflag:s29] =	ssyncset.done $0x0  }
0x78: {  	[sflag:s29] =	ssyncadd.s32 $0xFFFFC000  }
0x79: {  	_ =	swait.ge [sflag:s24], $0x4000  }
0x7a: {  	s30 =	sadd.s32 $0x1, s30;
	[sflag:s24] =	ssyncset.done $0x0  }
0x7b: {  	p0 =	sne.s32 s30, s14;
	[sflag:s24] =	ssyncadd.s32 $0xFFFFC000  }
.Ltmp1:
0x7c: {  	[bflag:$0x0] =	sbarrier.arrive $0xFFFF;
	(pc) =	sbr.rel @p0 .LBB2_1-.Ltmp1, $4  }
0x7d: {  	[hbm:s13], [sflag:s9] =	dma.local [spmem:s15], $0x2800  }
0x7e: {  	_ =	swait.ge [sflag:s16], $0x2800  }
0x7f: {  	[sflag:s16] =	ssyncset.done $0x0  }
0x80: {  	[sflag:s16] =	ssyncadd.s32 $0xFFFFD800  }
0x81: {  	_ =	sfence.sel $0x180000  }
0x82: {  	[bflag:$0x0] =	sbarrier.arrive $0xFFFF  }
0x83: {  	_ =	strace $0x9000004D  }
0x84: {  	s0 =	stileid.u32;
	[bflag:$0x2] =	sbarrier.arrive $0xFFFF  }
0x85: {  	p0 =	sne.s32 s0, $0x0;
	s0 =	rddreg [dreg:$0x2]  }
0x86: {  	s0 =	sadd.s32 @!p0 $0x100000, s0  }
0x87: {  	[sflag:s0] =	ssyncadd.tile.s32 @!p0 $0x1;
	_ =	shalt  }
.Lfunc_end2:
_tile_overlayer_lowered:
.L_overlay_start_2:
0x88: {  	(tag) =	ssettag $0x2  }
0x89: {  	s0 =	rddreg [dreg:$0x0];
	s2 =	stileid.u32  }
0x8a: {  	s1 =	rddreg [dreg:$0x1];
	p0 =	sne.s32 s2, $0x0  }
0x8b: {  	s3 =	rddreg [dreg:$0x2];
	[bflag:$0x3] =	sbarrier.arrive $0xFFFF;
	s2 =	simm.s32 @!p0 $0x1C07  }
0x8c: {  	[timem:s3], [sflag:s2] =	dma.local @!p0 [hbm:s0], s1  }
0x8d: {  	s0 =	simm.s32 @!p0 $0x7  }
0x8e: {  	_ =	swait.ge @!p0 [sflag:s0], s1  }
0x8f: {  	s1 =	ssub.s32 @!p0 $0x0, s1;
	[sflag:s0] =	ssyncset.done @!p0 $0x0  }
0x90: {  	[sflag:s0] =	ssyncadd.s32 @!p0 s1  }
0x91: {  	[bflag:$0x3] =	sbarrier.arrive $0xFFFF  }
0x92: {  	_ =	shalt  }

// kernel: kernel.9.cloned.1.call-start
scs
__scs_entry_jumppad:
0x0: {  	(pc) =	sbr.rel $0x88, $3  }
0x1: {  	(tag) =	ssettag $0x0;
	lr =	simm.s32 $0x1  }
0x2: {  	[smem:$0x3F96] =	sst lr;
	_ =	strace $0xD0000000  }
0x3: {  	_ = 	snop  }
0x4: {  	_ = 	snop  }
0x5: {  	_ = 	snop  }
0x6: {  	_ = 	snop  }
0x7: {  	_ = 	snop  }
__scs_overlays_trampoline_lowered:
0x8: {  	[smem:$0x3FA5] =	sst s0  }
0x9: {  	[smem:$0x3FA6] =	sst s1  }
0xa: {  	[smem:$0x3FA7] =	sst s2  }
0xb: {  	[smem:$0x3FA8] =	sst s3  }
0xc: {  	[smem:$0x3FA9] =	sst s4  }
0xd: {  	[smem:$0x3FAA] =	sst s5  }
0xe: {  	[smem:$0x3FAB] =	sst s6  }
0xf: {  	[smem:$0x3FAC] =	sst s7  }
0x10: {  	[smem:$0x3FAD] =	sst s8  }
0x11: {  	[smem:$0x3FAE] =	sst s9;
	s0 =	simm.s32 @!p0 $0x0  }
0x12: {  	s1 =	sld [smem:$0x3F94];
	s0 =	simm.s32 @p0 $0x1  }
0x13: {  	[smem:$0x3FAF] =	sst s0;
	s0 =	simm.s32 @!p1 $0x0  }
0x14: {  	s2 =	sld [smem:$0x3F93];
	s0 =	simm.s32 @p1 $0x1  }
0x15: {  	[smem:$0x3FB0] =	sst s0;
	s0 =	simm.s32 @!p2 $0x0  }
0x16: {  	s3 =	sld [smem:$0x3FDB];
	s0 =	simm.s32 @p2 $0x1  }
0x17: {  	s4 =	simm.s32 $0x1BF5;
	[smem:$0x3FB2] =	sst s0  }
0x18: {  	s0 =	sld [smem:$0x3F95];
	_ =	swait.ge [sflag:s4], $0x0  }
0x19: {  	s7 =	sld [smem:$0x3F96]  }
0x1a: {  	s8 =	sadd.s32 $0xFFFFE003, lr  }
0x1b: {  	s9 =	sadd.s32 $0xFFFFFEF7, lr;
	s5 =	simm.s32 $0xFFFFFFFF;
	p2 =	slt.u32 s8, $0xFFFFF086  }
0x1c: {  	p1 =	slt.u32 s9, $0xF7A;
	s5 =	simm.s32 @!p2 $0x0  }
0x1d: {  	s5 =	simm.s32 @p1 $0x1;
	p0 =	seq.s32 s7, s2  }
0x1e: {  	s7 =	smul.u32 @!p0 $0xF7A, s2;
	p2 =	seq.s32 @!p0 s5, $0x0  }
0x1f: {  	s9 =	smul.u32 $0xF7A, s1;
	s8 =	simm.s32 @!p0 $0x1BF5;
	p2 =	por !p2, p0  }
0x20: {  	[sflag:s8] =	ssyncset.s32 @!p0 $0xFFFFF086;
	s6 =	sadd.s32 @!p0 s3, s7;
	s7 =	simm.s32 @!p0 $0x108  }
0x21: {  	s3 =	sadd.s32 s3, s9;
	s6 =	sadd.s32 @!p0 $0x88, s6;
	s7 =	simm.s32 @p2 $0x1082  }
0x22: {  	[simem:s7], [sflag:s8] =	dma.local @!p0 [hbm:s6], $0xF7A  }
0x23: {  	s9 =	sor.u32 $0xD0000000, s2;
	s6 =	simm.s32 $0x108;
	_ =	swait.ge @!p0 [sflag:s8], $0x0  }
0x24: {  	s3 =	sadd.s32 $0x88, s3;
	s6 =	simm.s32 @!p1 $0x1082;
	[sflag:s4] =	ssyncset.s32 $0xFFFFF086  }
0x25: {  	[simem:s6], [sflag:s4] =	dma.local [hbm:s3], $0xF7A  }
0x26: {  	[smem:$0x3F96] =	sst s1;
	(tag) =	ssettag s2;
	_ =	strace s9  }
0x27: {  	s1 =	sld [smem:$0x3FA6]  }
0x28: {  	s2 =	sld [smem:$0x3FA7]  }
0x29: {  	s4 =	sld [smem:$0x3FA9]  }
0x2a: {  	p0 =	seq.s32 s5, $0x0;
	s5 =	sld [smem:$0x3FAA]  }
0x2b: {  	s6 =	sld [smem:$0x3FAB]  }
0x2c: {  	s7 =	sld [smem:$0x3FAC]  }
0x2d: {  	s3 =	simm.s32 $0x108;
	s8 =	sld [smem:$0x3FAD]  }
0x2e: {  	s3 =	simm.s32 @!p0 $0x1082;
	s9 =	sld [smem:$0x3FAE]  }
0x2f: {  	lr =	sadd.s32 s0, s3;
	s0 =	sld [smem:$0x3FA5]  }
0x30: {  	s3 =	sld [smem:$0x3FA8]  }
0x31: {  	[smem:$0x3FB1] =	sst s10  }
0x32: {  	s10 =	sld [smem:$0x3FAF];
	_ =	sdelay $0x3  }
0x33: {  	p0 =	seq.s32 s10, $0x1;
	s10 =	sld [smem:$0x3FB1];
	_ =	sdelay $0x3  }
0x34: {  	[smem:$0x3FB1] =	sst s10  }
0x35: {  	s10 =	sld [smem:$0x3FB0];
	_ =	sdelay $0x3  }
0x36: {  	p1 =	seq.s32 s10, $0x1;
	s10 =	sld [smem:$0x3FB1];
	_ =	sdelay $0x3  }
0x37: {  	[smem:$0x3FB1] =	sst s10  }
0x38: {  	s10 =	sld [smem:$0x3FB2]  }
0x39: {  	_ = 	snop;
	(pc) =	sbr.ind lr, $3  }
0x3a: {  	_ = 	snop  }
0x3b: {  	_ = 	snop  }
0x3c: {  	p2 =	seq.s32 s10, $0x1;
	s10 =	sld [smem:$0x3FB1]  }
0x3d: {  	_ =	shalt  }
0x3e: {  	_ =	shalt  }
0x3f: {  	_ =	shalt  }
0x40: {  	_ =	shalt  }
0x41: {  	_ =	shalt  }
0x42: {  	_ =	shalt  }
0x43: {  	_ =	shalt  }
0x44: {  	_ =	shalt  }
0x45: {  	_ =	shalt  }
0x46: {  	_ =	shalt  }
0x47: {  	_ =	shalt  }
0x48: {  	_ =	shalt  }
0x49: {  	_ =	shalt  }
0x4a: {  	_ =	shalt  }
0x4b: {  	_ =	shalt  }
0x4c: {  	_ =	shalt  }
0x4d: {  	_ =	shalt  }
0x4e: {  	_ =	shalt  }
0x4f: {  	_ =	shalt  }
0x50: {  	_ =	shalt  }
0x51: {  	_ =	shalt  }
0x52: {  	_ =	shalt  }
0x53: {  	_ =	shalt  }
0x54: {  	_ =	shalt  }
0x55: {  	_ =	shalt  }
0x56: {  	_ =	shalt  }
0x57: {  	_ =	shalt  }
0x58: {  	_ =	shalt  }
0x59: {  	_ =	shalt  }
0x5a: {  	_ =	shalt  }
0x5b: {  	_ =	shalt  }
0x5c: {  	_ =	shalt  }
0x5d: {  	_ =	shalt  }
0x5e: {  	_ =	shalt  }
0x5f: {  	_ =	shalt  }
0x60: {  	_ =	shalt  }
0x61: {  	_ =	shalt  }
0x62: {  	_ =	shalt  }
0x63: {  	_ =	shalt  }
0x64: {  	_ =	shalt  }
0x65: {  	_ =	shalt  }
0x66: {  	_ =	shalt  }
0x67: {  	_ =	shalt  }
0x68: {  	_ =	shalt  }
0x69: {  	_ =	shalt  }
0x6a: {  	_ =	shalt  }
0x6b: {  	_ =	shalt  }
0x6c: {  	_ =	shalt  }
0x6d: {  	_ =	shalt  }
0x6e: {  	_ =	shalt  }
0x6f: {  	_ =	shalt  }
0x70: {  	_ =	shalt  }
0x71: {  	_ =	shalt  }
0x72: {  	_ =	shalt  }
0x73: {  	_ =	shalt  }
0x74: {  	_ =	shalt  }
0x75: {  	_ =	shalt  }
0x76: {  	_ =	shalt  }
0x77: {  	_ =	shalt  }
0x78: {  	_ =	shalt  }
0x79: {  	_ =	shalt  }
0x7a: {  	_ =	shalt  }
0x7b: {  	_ =	shalt  }
0x7c: {  	_ =	shalt  }
0x7d: {  	_ =	shalt  }
0x7e: {  	_ =	shalt  }
0x7f: {  	_ =	shalt  }
0x80: {  	_ =	shalt  }
0x81: {  	_ =	shalt  }
0x82: {  	_ =	shalt  }
0x83: {  	_ =	shalt  }
0x84: {  	_ =	shalt  }
0x85: {  	_ =	shalt  }
0x86: {  	_ =	shalt  }
0x87: {  	_ =	shalt  }
.Lfunc_end0:
.L_simem_size_0:
called_computation_lowered:
.L_overlay_start_0:
0x88: {  	s2 =	sld [smem:$0x3FD9]  }
0x89: {  	s3 =	sld [smem:$0x3FFE];
	_ =	sdelay $0x1  }
0x8a: {  	s1 =	srdreg.scid  }
0x8b: {  	s0 =	sand.u32 $0x1, s1  }
0x8c: {  	s16 =	sshll.u32 s0, $0xA;
	s2 =	sadd.s32 s3, s2  }
0x8d: {  	s2 =	sadd.s32 s2, s16  }
0x8e: {  	[smem:$0x3FBD] =	sst s2  }
0x8f: {  	_ = 	snop  }
0x90: {  	(tm) =	ssettm $0x1  }
0x91: {  	s17 =	sld [smem:$0x3FFB];
	_ =	sdelay $0x3  }
0x92: {  	_ =	strace s17  }
0x93: {  	s2 =	sld [smem:$0x3FFC];
	_ =	sdelay $0x3  }
0x94: {  	_ =	strace s2  }
0x95: {  	s2 =	sld [smem:$0x3FFD];
	_ =	sdelay $0x3  }
0x96: {  	_ =	strace s2  }
0x97: {  	_ =	strace $0x8FFFFFFF  }
0x98: {  	s18 =	sld [smem:$0x3FDB];
	_ =	sdelay $0x1  }
0x99: {  	s19 =	simm.s32 $_scs_section_size  }
0x9a: {  	s4 =	simm.s32 $_size__tile_overlayer_lowered;
	s5 =	simm.s32 $_tile_overlayer_lowered  }
0x9b: {  	s22 =	simm.s32 $0x1BFF;
	s21 =	sshll.u32 s5, $0x1;
	s2 =	sadd.s32 s19, s18  }
0x9c: {  	s6 =	simm.s32 $0x0;
	s20 =	sshll.u32 s4, $0x1;
	s4 =	sadd.s32 s21, s2  }
0x9d: {  	[timem:s6], [sflag:s22] =	dma.local [hbm:s4], s20  }
0x9e: {  	_ =	swait.ge [sflag:s22], s20  }
0x9f: {  	s3 =	ssub.s32 $0x0, s20;
	[sflag:s22] =	ssyncset.done $0x0  }
0xa0: {  	[sflag:s22] =	ssyncadd.s32 s3;
	_ =	sdelay $0x1  }
0xa1: {  	s23 =	simm.s32 $0x1B8B  }
0xa2: {  	_ =	swait.ge [sflag:s23], $0x1  }
0xa3: {  	[sflag:s23] =	ssyncset.done $0x0  }
0xa4: {  	s25 =	simm.s32 $0x1B8E;
	s24 =	sld [smem:$0x3FFE];
	[sflag:s23] =	ssyncadd.s32 $0xFFFFFFFF  }
0xa5: {  	s26 =	simm.s32 $execute0_lowered;
	[smem:$0x3FD2] =	sst s25  }
0xa6: {  	s4 =	sshll.u32 s26, $0x1;
	_ =	strace $0x80000046;
	[dreg:$0x1] =	wrdreg $0xFFFFFFFF  }
0xa7: {  	s28 =	simm.s32 $_size_execute0_lowered;
	s2 =	sadd.s32 s2, s4;
	[dreg:$0x0] =	wrdreg $0x0  }
0xa8: {  	s4 =	sshll.u32 s28, $0x1;
	[dreg:$0x2] =	wrdreg s2  }
0xa9: {  	[dreg:$0x3] =	wrdreg s4  }
0xaa: {  	[dreg:$0x4] =	wrdreg $0xC0  }
0xab: {  	_ =	task [dreg:s6], $0x5FFFF  }
0xac: {  	[dreg:$0x1] =	wrdreg $0xFFFFFFFF  }
0xad: {  	[dreg:$0x0] =	wrdreg $0x60  }
0xae: {  	[dreg:$0x2] =	wrdreg s24  }
0xaf: {  	[dreg:$0x3] =	wrdreg $0x68000  }
0xb0: {  	[dreg:$0x4] =	wrdreg $0x9  }
0xb1: {  	_ =	task.clear_ibuf [dreg:s6], $0x5FFFF;
	_ =	strace $0x90000046  }
0xb2: {  	s29 =	simm.s32 $0x9;
	_ =	strace $0x80000048  }
0xb3: {  	_ =	swait.ge [sflag:s29], $0x1  }
0xb4: {  	[sflag:s29] =	ssyncadd.s32 $0xFFFFFFFF  }
0xb5: {  	_ =	strace $0x90000048  }
0xb6: {  	_ =	sfence  }
0xb7: {  	s30 =	sld [smem:$0x0];
	_ =	sdelay $0x2  }
0xb8: {  	s31 =	sshll.u32 s1, $0xD;
	s1 =	sshrl.u32 s1, $0x2  }
0xb9: {  	s3 =	sand.u32 $0x4000, s31;
	s1 =	sadd.s32 s1, s30  }
0xba: {  	s0 =	sor.u32 s3, s0;
	s1 =	sshll.u32 s1, $0x11  }
0xbb: {  	s0 =	sor.u32 s1, s0  }
0xbc: {  	s0 =	sadd.s32 $0x8F2B, s0  }
0xbd: {  	[sflag:s0] =	ssyncadd.remote.s32 $0x1  }
0xbe: {  	_ =	sfence.sel $0xFFFF  }
0xbf: {  	[dreg:$0x0] =	wrdreg $0xFFFFFFFF;
	(pc) =	sbr.abs _section_cstart, $3  }
0xc0: {  	[dreg:$0x1] =	wrdreg $0xFFFFFFFF  }
0xc1: {  	_ =	task.clear_ibuf [dreg:s6], $0x2FFFF;
	_ =	strace $0x9FFFFFFF  }
0xc2: {  	(tm) =	ssettm $0x7FFFFFFF  }
0xc3: {  	_ =	shalt  }
tec
execute0_lowered:
.L_overlay_start_1:
0x0: {  	(tag) =	ssettag $0x1  }
0x1: {  	s1 =	srdreg.scid;
	s5 =	rddreg [dreg:$0x0]  }
0x2: {  	s0 =	stileid.u32;
	s2 =	rddreg [dreg:$0x1];
	s3 =	simm.s32 $0x0  }
0x3: {  	s14 =	simm.s32 $0x100;
	s15 =	simm.s32 $0x180;
	s16 =	simm.s32 $0x1  }
0x4: {  	s17 =	simm.s32 $0x2;
	s18 =	simm.s32 $0x3;
	s19 =	simm.s32 $0x4  }
0x5: {  	s20 =	simm.s32 $0x2600;
	s21 =	simm.s32 $0x2680;
	s22 =	simm.s32 $0x2700  }
0x6: {  	s23 =	simm.s32 $0x0;
	s4 =	sand.u32 $0x1, s1;
	s1 =	rddreg [dreg:$0x2]  }
0x7: {  	s25 =	sshll.u32 s0, $0x1;
	s7 =	smul.u32 $0x14000, s0;
	[smem:$0x7FF] =	sst s3  }
0x8: {  	s29 =	smul.u32 $0x50000, s0;
	s31 =	sshll.u32 s0, $0x6;
	s6 =	sor.u32 s4, s25  }
0x9: {  	s9 =	smul.u32 $0x140000, s4;
	_ =	strace $0x80000047;
	s28 =	ssub.s32 $0x2, s4  }
0xa: {  	s4 =	sadd.s32 $0x35000, s5;
	s6 =	smul.u32 $0x500, s6;
	s8 =	sshrl.u32 s7, $0x3  }
0xb: {  	s11 =	sshrl.u32 s28, $0x1;
	s30 =	sshrl.u32 s29, $0x2;
	s26 =	sadd.s32 s8, s5  }
0xc: {  	s7 =	sadd.s32 s7, s9;
	s11 =	ssub.s32 s28, s11;
	s13 =	sadd.s32 s30, s2  }
0xd: {  	s10 =	sadd.s32 s6, s5;
	s7 =	sshrl.u32 s7, $0x3;
	s6 =	sor.u32 $0x1C05, s31  }
0xe: {  	s9 =	smax.u32 s11, $0x1;
	s11 =	simm.s32 $0x5;
	s12 =	sadd.s32 s7, s5  }
0xf: {  	s5 =	sadd.s32 $0xD000, s26;
	s7 =	sadd.s32 $0x3000, s10;
	s10 =	sshrl.u32 s13, $0x3  }
0x10: {  	s13 =	simm.s32 $0x80;
	s8 =	sadd.s32 $0x35800, s12;
	s12 =	simm.s32 $0x2800  }
.LBB2_1:
0x11: {  	[spmem:s10], [sflag:s6] =	dma.local [hbm:s5], $0x2800  }
0x12: {  	_ =	swait.ge [sflag:s11], $0x2800  }
0x13: {  	[sflag:s11] =	ssyncset.done $0x0  }
0x14: {  	[sflag:s11] =	ssyncadd.s32 $0xFFFFD800  }
0x15: {  	[tilespmem:s3], [sflag:$0x5] =	stream.linear.gather [hbm4b:s7+s3], $0x2780, $0x38;
	[tilespmem:$0x1A800] =	vst v63  }
0x16: {  	_ =	swait.ge [sflag:s11], $0x2780  }
0x17: {  	[sflag:s11] =	ssyncset.done $0x0  }
0x18: {  	[sflag:s11] =	ssyncadd.s32 $0xFFFFD880  }
0x19: {  	[tilespmem:s12], [sflag:$0x5] =	stream.linear.gather [hbm4b:s4+s3], $0x4000, $0x38;
	[tilespmem:$0x1A800] =	vst v63  }
0x1a: {  	_ =	swait.ge [sflag:s11], $0x4000  }
0x1b: {  	[sflag:s11] =	ssyncset.done $0x0  }
0x1c: {  	[sflag:s11] =	ssyncadd.s32 $0xFFFFC000  }
0x1d: {  	[bflag:$0x0] =	sbarrier.arrive $0xFFFF  }
0x1e: {  	[spmem:s2] =	stream.indirect.scatter.add.f32 [tilespmem:s12], [sflag:$0x1], $0x80, s3, s13, $0xb8;
	[tilespmem:$0x1A800] =	vst v63  }
0x1f: {  	_ = 	snop  }
0x20: {  	[spmem:s2] =	stream.indirect.scatter.add.f32 [tilespmem:s12], [sflag:$0x2], $0x80, s13, s13, $0xb8;
	[tilespmem:$0x1A800] =	vst v63  }
0x21: {  	_ = 	snop  }
0x22: {  	[spmem:s2] =	stream.indirect.scatter.add.f32 [tilespmem:s12], [sflag:$0x3], $0x80, s14, s13, $0xb8;
	[tilespmem:$0x1A800] =	vst v63  }
0x23: {  	_ = 	snop  }
0x24: {  	[spmem:s2] =	stream.indirect.scatter.add.f32 [tilespmem:s12], [sflag:$0x4], $0x80, s15, s13, $0xb8;
	[tilespmem:$0x1A800] =	vst v63  }
0x25: {  	_ =	swait.ge [sflag:s16], $0x4000  }
0x26: {  	[sflag:s16] =	ssyncset.done $0x0  }
0x27: {  	s24 =	simm.s32 $0x200;
	[sflag:s16] =	ssyncadd.s32 $0xFFFFC000  }
0x28: {  	[spmem:s2] =	stream.indirect.scatter.add.f32 [tilespmem:s12], [sflag:$0x1], $0x80, s24, s13, $0xb8;
	[tilespmem:$0x1A800] =	vst v63  }
0x29: {  	_ =	swait.ge [sflag:s17], $0x4000  }
0x2a: {  	[sflag:s17] =	ssyncset.done $0x0  }
0x2b: {  	s30 =	simm.s32 $0x280;
	[sflag:s17] =	ssyncadd.s32 $0xFFFFC000  }
0x2c: {  	[spmem:s2] =	stream.indirect.scatter.add.f32 [tilespmem:s12], [sflag:$0x2], $0x80, s30, s13, $0xb8;
	[tilespmem:$0x1A800] =	vst v63  }
0x2d: {  	_ =	swait.ge [sflag:s18], $0x4000  }
0x2e: {  	[sflag:s18] =	ssyncset.done $0x0  }
0x2f: {  	s31 =	simm.s32 $0x300;
	[sflag:s18] =	ssyncadd.s32 $0xFFFFC000  }
0x30: {  	[spmem:s2] =	stream.indirect.scatter.add.f32 [tilespmem:s12], [sflag:$0x3], $0x80, s31, s13, $0xb8;
	[tilespmem:$0x1A800] =	vst v63  }
0x31: {  	_ =	swait.ge [sflag:s19], $0x4000  }
0x32: {  	[sflag:s19] =	ssyncset.done $0x0  }
0x33: {  	s25 =	simm.s32 $0x380;
	s24 =	simm.s32 $0xFFFF7800;
	[sflag:s19] =	ssyncadd.s32 $0xFFFFC000  }
.LBB2_2:
0x34: {  	[spmem:s2] =	stream.indirect.scatter.add.f32 [tilespmem:s12], [sflag:$0x4], $0x80, s25, s13, $0xb8;
	[tilespmem:$0x1A800] =	vst v63  }
0x35: {  	s25 =	smov.u32 s24  }
0x36: {  	p0 =	sne.s32 s24, $0xFFFFF800;
	s24 =	sadd.s32 $0x800, s24;
	_ =	swait.ge [sflag:s16], $0x4000  }
0x37: {  	s25 =	sshra.s32 s25, $0x2;
	[sflag:s16] =	ssyncset.done $0x0  }
0x38: {  	s26 =	sadd.s32 $0x2600, s25;
	[sflag:s16] =	ssyncadd.s32 $0xFFFFC000  }
0x39: {  	[spmem:s2] =	stream.indirect.scatter.add.f32 [tilespmem:s12], [sflag:$0x1], $0x80, s26, s13, $0xb8;
	[tilespmem:$0x1A800] =	vst v63  }
0x3a: {  	_ =	swait.ge [sflag:s17], $0x4000  }
0x3b: {  	[sflag:s17] =	ssyncset.done $0x0  }
0x3c: {  	s26 =	sadd.s32 $0x2680, s25;
	[sflag:s17] =	ssyncadd.s32 $0xFFFFC000  }
0x3d: {  	[spmem:s2] =	stream.indirect.scatter.add.f32 [tilespmem:s12], [sflag:$0x2], $0x80, s26, s13, $0xb8;
	[tilespmem:$0x1A800] =	vst v63  }
0x3e: {  	_ =	swait.ge [sflag:s18], $0x4000  }
0x3f: {  	[sflag:s18] =	ssyncset.done $0x0  }
.Ltmp0:
0x40: {  	s26 =	sadd.s32 $0x2700, s25;
	[sflag:s18] =	ssyncadd.s32 $0xFFFFC000;
	(pc) =	sbr.rel @p0 .LBB2_2-.Ltmp0, $4  }
0x41: {  	[spmem:s2] =	stream.indirect.scatter.add.f32 [tilespmem:s12], [sflag:$0x3], $0x80, s26, s13, $0xb8;
	[tilespmem:$0x1A800] =	vst v63  }
0x42: {  	_ =	swait.ge [sflag:s19], $0x4000  }
0x43: {  	[sflag:s19] =	ssyncset.done $0x0  }
0x44: {  	s25 =	sadd.s32 $0x2780, s25;
	[sflag:s19] =	ssyncadd.s32 $0xFFFFC000  }
0x45: {  	[spmem:s2] =	stream.indirect.scatter.add.f32 [tilespmem:s12], [sflag:$0x4], $0x80, s25, s13, $0xb8;
	[tilespmem:$0x1A800] =	vst v63  }
0x46: {  	_ =	swait.ge [sflag:s16], $0x4000  }
0x47: {  	[sflag:s16] =	ssyncset.done $0x0  }
0x48: {  	[sflag:s16] =	ssyncadd.s32 $0xFFFFC000  }
0x49: {  	[spmem:s2] =	stream.indirect.scatter.add.f32 [tilespmem:s12], [sflag:$0x1], $0x80, s20, s13, $0xb8;
	[tilespmem:$0x1A800] =	vst v63  }
0x4a: {  	_ =	swait.ge [sflag:s17], $0x4000  }
0x4b: {  	[sflag:s17] =	ssyncset.done $0x0  }
0x4c: {  	[sflag:s17] =	ssyncadd.s32 $0xFFFFC000  }
0x4d: {  	[spmem:s2] =	stream.indirect.scatter.add.f32 [tilespmem:s12], [sflag:$0x2], $0x80, s21, s13, $0xb8;
	[tilespmem:$0x1A800] =	vst v63  }
0x4e: {  	_ =	swait.ge [sflag:s18], $0x4000  }
0x4f: {  	[sflag:s18] =	ssyncset.done $0x0  }
0x50: {  	[sflag:s18] =	ssyncadd.s32 $0xFFFFC000  }
0x51: {  	[spmem:s2] =	stream.indirect.scatter.add.f32 [tilespmem:s12], [sflag:$0x3], $0x80, s22, s13, $0xb8;
	[tilespmem:$0x1A800] =	vst v63  }
0x52: {  	_ =	swait.ge [sflag:s19], $0x4000  }
0x53: {  	[sflag:s19] =	ssyncset.done $0x0  }
0x54: {  	[sflag:s19] =	ssyncadd.s32 $0xFFFFC000  }
0x55: {  	_ =	swait.ge [sflag:s16], $0x4000  }
0x56: {  	[sflag:s16] =	ssyncset.done $0x0  }
0x57: {  	[sflag:s16] =	ssyncadd.s32 $0xFFFFC000  }
0x58: {  	_ =	swait.ge [sflag:s17], $0x4000  }
0x59: {  	[sflag:s17] =	ssyncset.done $0x0  }
0x5a: {  	[sflag:s17] =	ssyncadd.s32 $0xFFFFC000  }
0x5b: {  	_ =	swait.ge [sflag:s18], $0x4000  }
0x5c: {  	s23 =	sadd.s32 $0x1, s23;
	[sflag:s18] =	ssyncset.done $0x0  }
0x5d: {  	p0 =	sne.s32 s23, s9;
	[sflag:s18] =	ssyncadd.s32 $0xFFFFC000  }
.Ltmp1:
0x5e: {  	[bflag:$0x0] =	sbarrier.arrive $0xFFFF;
	(pc) =	sbr.rel @p0 .LBB2_1-.Ltmp1, $4  }
0x5f: {  	[hbm:s8], [sflag:s6] =	dma.local [spmem:s10], $0x2800  }
0x60: {  	_ =	swait.ge [sflag:s11], $0x2800  }
0x61: {  	[sflag:s11] =	ssyncset.done $0x0  }
0x62: {  	[sflag:s11] =	ssyncadd.s32 $0xFFFFD800  }
0x63: {  	_ =	sfence.sel $0x180000  }
0x64: {  	[bflag:$0x0] =	sbarrier.arrive $0xFFFF  }
0x65: {  	p0 =	sne.s32 s0, $0x0;
	_ =	strace $0x90000047  }
0x66: {  	s0 =	sadd.s32 @!p0 $0x100000, s1;
	[bflag:$0x2] =	sbarrier.arrive $0xFFFF  }
0x67: {  	[sflag:s0] =	ssyncadd.tile.s32 @!p0 $0x1;
	_ =	shalt  }
.Lfunc_end2:
_tile_overlayer_lowered:
.L_overlay_start_2:
0x68: {  	(tag) =	ssettag $0x2  }
0x69: {  	s0 =	rddreg [dreg:$0x0];
	s2 =	stileid.u32  }
0x6a: {  	s1 =	rddreg [dreg:$0x1];
	p0 =	sne.s32 s2, $0x0  }
0x6b: {  	s3 =	rddreg [dreg:$0x2];
	[bflag:$0x3] =	sbarrier.arrive $0xFFFF;
	s2 =	simm.s32 @!p0 $0x1C05  }
0x6c: {  	[timem:s3], [sflag:s2] =	dma.local @!p0 [hbm:s0], s1  }
0x6d: {  	s0 =	simm.s32 @!p0 $0x5  }
0x6e: {  	_ =	swait.ge @!p0 [sflag:s0], s1  }
0x6f: {  	s1 =	ssub.s32 @!p0 $0x0, s1;
	[sflag:s0] =	ssyncset.done @!p0 $0x0  }
0x70: {  	[sflag:s0] =	ssyncadd.s32 @!p0 s1  }
0x71: {  	[bflag:$0x3] =	sbarrier.arrive $0xFFFF  }
0x72: {  	_ =	shalt  }

</sc_bundles>
